<compile_context>
chip_gen: v7x
topology: tpu7x:2x2x1
jax: 0.10.2.dev20260603
libtpu: 0.0.44.dev20260713+nightly
codegen_flags: <defaults>
</compile_context>

<pallas_src>
import functools

import jax
import jax.numpy as jnp
from jax import lax
from jax.experimental import pallas as pl
from jax.experimental.pallas import tpu as pltpu
from jax.experimental.pallas import tpu_sc as plsc

B, N, C, H, W = 4, 6, 64, 40, 80
HW = H * W
PTS = 20000
PTSP = 20000
NWARP = B * N
NCORE, NSUB = 2, 16
NWORK = NCORE * NSUB
CG = 8
NCG = C // CG
PARTS = 5
PPTS = PTSP // PARTS
GROUPS = PPTS // 16
NTASK = B * NCG * PARTS
TPW = NTASK // NWORK


def _sc_warp(images_flat, px, py):
    mesh = plsc.VectorSubcoreMesh(core_axis_name="c", subcore_axis_name="s")

    @functools.partial(
        pl.kernel,
        out_type=jax.ShapeDtypeStruct((B, C, PTSP), jnp.float32),
        mesh=mesh,
        compiler_params=pltpu.CompilerParams(
            use_tc_tiling_on_sc=False, needs_layout_passes=False,
            disable_bounds_checks=True),
        scratch_types=[
            pltpu.VMEM((CG * HW,), jnp.float32),
            pltpu.VMEM((CG * HW,), jnp.float32),
            pltpu.VMEM((PPTS,), jnp.float32),
            pltpu.VMEM((PPTS,), jnp.float32),
            pltpu.VMEM((PPTS,), jnp.float32),
            pltpu.VMEM((PPTS,), jnp.float32),
            pltpu.VMEM((CG, PPTS), jnp.float32),
            pltpu.SMEM((GROUPS,), jnp.int32),
            pltpu.SemaphoreType.DMA,
            pltpu.SemaphoreType.DMA,
        ],
    )
    def k(img_hbm, px_hbm, py_hbm, out_hbm,
          img0, img1, px0, px1, py0, py1, acc_v, flg_v, sem0, sem1):
        wid = lax.axis_index("s") * NCORE + lax.axis_index("c")
        neginf = jnp.full((16,), -jnp.inf, jnp.float32)
        bufs = [(img0, px0, py0, sem0), (img1, px1, py1, sem1)]

        def issue(n, b, cg, p0, slot):
            img_v, px_v, py_v, sem = bufs[slot]
            wrp = b * N + n
            return (
                pltpu.async_copy(
                    img_hbm.at[pl.ds((wrp * C + cg * CG) * HW, CG * HW)],
                    img_v, sem),
                pltpu.async_copy(
                    px_hbm.at[pl.ds(wrp * PTSP + p0, PPTS)], px_v, sem),
                pltpu.async_copy(
                    py_hbm.at[pl.ds(wrp * PTSP + p0, PPTS)], py_v, sem),
            )

        def cam(slot, first):
            img_v, px_v, py_v, _ = bufs[slot]

            def group(g, _):
                off = g * 16
                pxv = jnp.clip(px_v[pl.ds(off, 16)], -4.0e4, 4.0e4)
                pyv = jnp.clip(py_v[pl.ds(off, 16)], -4.0e4, 4.0e4)
                xt = pxv.astype(jnp.int32)
                yt = pyv.astype(jnp.int32)
                x0 = jnp.where(pxv < xt.astype(jnp.float32), xt - 1, xt)
                y0 = jnp.where(pyv < yt.astype(jnp.float32), yt - 1, yt)
                inb = (x0.astype(jnp.uint32) <= jnp.uint32(W - 2)) & (
                    y0.astype(jnp.uint32) <= jnp.uint32(H - 2))

                def sample(_):
                    x0f = x0.astype(jnp.float32)
                    y0f = y0.astype(jnp.float32)
                    wx1 = pxv - x0f
                    wx0 = (x0f + 1.0) - pxv
                    m = jnp.where(inb, 1.0, 0.0).astype(jnp.float32)
                    wy1 = (pyv - y0f) * m
                    wy0 = ((y0f + 1.0) - pyv) * m
                    w00 = wx0 * wy0
                    w01 = wx0 * wy1
                    w10 = wx1 * wy0
                    w11 = wx1 * wy1
                    base = jnp.where(inb, y0 * W + x0, 0)
                    b01 = base + W
                    b10 = base + 1
                    b11 = base + W + 1
                    if first:
                        flg_v[g] = 0
                    for c in range(CG):
                        coff = c * HW
                        v00 = plsc.load_gather(img_v, [base + coff])
                        v01 = plsc.load_gather(img_v, [b01 + coff])
                        v10 = plsc.load_gather(img_v, [b10 + coff])
                        v11 = plsc.load_gather(img_v, [b11 + coff])
                        val = (w00 * v00 + w01 * v01) + (w10 * v10 + w11 * v11)
                        if first:
                            acc_v[c, pl.ds(off, 16)] = val
                        else:
                            acc_v[c, pl.ds(off, 16)] = jnp.maximum(
                                acc_v[c, pl.ds(off, 16)], val)
                    return 0

                def skip(_):
                    flg_v[g] = 1
                    if first:
                        for c in range(CG):
                            acc_v[c, pl.ds(off, 16)] = neginf
                    return 0

                lax.cond(jnp.any(inb), sample, skip, 0)
                return 0

            lax.fori_loop(0, GROUPS, group, 0)

        def task_body(t, _):
            tid = wid * TPW + t
            part = lax.rem(tid, PARTS)
            rest = lax.div(tid, PARTS)
            cg = lax.rem(rest, NCG)
            b = lax.div(rest, NCG)
            p0 = part * PPTS

            descs = issue(0, b, cg, p0, 0)

            for n in range(N):
                for d in descs:
                    d.wait()
                slot = n % 2
                if n + 1 < N:
                    descs = issue(n + 1, b, cg, p0, (n + 1) % 2)
                cam(slot, n == 0)

            def finish(g, _):
                off = g * 16
                zero_or_ninf = jnp.where(flg_v[g] > 0,
                                         jnp.float32(0.0),
                                         jnp.float32(-jnp.inf))
                for c in range(CG):
                    acc_v[c, pl.ds(off, 16)] = jnp.maximum(
                        acc_v[c, pl.ds(off, 16)], zero_or_ninf)
                return 0

            lax.fori_loop(0, GROUPS, finish, 0)
            pltpu.sync_copy(
                acc_v, out_hbm.at[b, pl.ds(cg * CG, CG), pl.ds(p0, PPTS)])
            return 0

        lax.fori_loop(0, TPW, task_body, 0)

    return k(images_flat, px, py)


def _rotation_from_euler(rolls, pitchs, yaws):
    si, sj, sk = jnp.sin(rolls), jnp.sin(pitchs), jnp.sin(yaws)
    ci, cj, ck = jnp.cos(rolls), jnp.cos(pitchs), jnp.cos(yaws)
    cc, cs = ci * ck, ci * sk
    sc, ss = si * ck, si * sk
    zeros = jnp.zeros_like(si)
    ones = jnp.ones_like(si)
    row0 = jnp.stack([cj * ck, sj * sc - cs, sj * cc + ss, zeros], axis=-1)
    row1 = jnp.stack([cj * sk, sj * ss + cc, sj * cs - sc, zeros], axis=-1)
    row2 = jnp.stack([-sj, cj * si, cj * ci, zeros], axis=-1)
    row3 = jnp.stack([zeros, zeros, zeros, ones], axis=-1)
    return jnp.stack([row0, row1, row2, row3], axis=1)


def _pix_coords(Ks, RTs, translation, yaw_roll_pitch):
    zs = translation[:, 2]
    rolls = yaw_roll_pitch[:, 1]
    pitchs = yaw_roll_pitch[:, 2]
    xl = jnp.linspace(-60.0, 60.0, 200)
    yl = jnp.linspace(-30.0, 30.0, 100)
    Yg, Xg = jnp.meshgrid(yl, xl, indexing='ij')
    x = jnp.broadcast_to(Xg.flatten()[None, :], (B, PTS))
    y = jnp.broadcast_to(Yg.flatten()[None, :], (B, PTS))
    z = jnp.ones_like(x) * zs[:, None]
    d = jnp.ones_like(x)
    coords = jnp.stack([x, y, z, d], axis=1)
    R = _rotation_from_euler(pitchs, rolls, jnp.zeros_like(rolls))
    planes = R @ coords
    planes = jnp.tile(planes, (N, 1, 1))
    P = (Ks @ RTs).reshape(-1, 4, 4)
    pix = P @ planes
    py = pix[:, 0] + H / 2.0
    px = pix[:, 2] - W / 8.0
    return px, py


def kernel(images, Ks, RTs, translation, yaw_roll_pitch):
    px, py = _pix_coords(Ks, RTs, translation, yaw_roll_pitch)
    images_flat = images.reshape(-1)
    out = _sc_warp(images_flat, px.reshape(-1), py.reshape(-1))
    return out.reshape(B, C, 100, 200)

# --- scband reference (transcript-rebuilt; emitter-appended) ---
"""Pipeline reference for scband-ipm-29240137351597 (READ-ONLY COPY).

The authoritative reference and input builder live on the scoring server;
editing this copy changes nothing except your own understanding.
"""

import jax, jax.numpy as jnp
import numpy as np

XBOUND = (-60.0, 60.0, 0.6)
YBOUND = (-30.0, 30.0, 0.6)
TGT_W = int((XBOUND[1] - XBOUND[0]) / XBOUND[2])  # 200
TGT_H = int((YBOUND[1] - YBOUND[0]) / YBOUND[2])  # 100


def rotation_from_euler(rolls, pitchs, yaws):
    si, sj, sk = jnp.sin(rolls), jnp.sin(pitchs), jnp.sin(yaws)
    ci, cj, ck = jnp.cos(rolls), jnp.cos(pitchs), jnp.cos(yaws)
    cc, cs = ci * ck, ci * sk
    sc, ss = si * ck, si * sk
    zeros = jnp.zeros_like(si)
    ones = jnp.ones_like(si)
    row0 = jnp.stack([cj * ck, sj * sc - cs, sj * cc + ss, zeros], axis=-1)
    row1 = jnp.stack([cj * sk, sj * ss + cc, sj * cs - sc, zeros], axis=-1)
    row2 = jnp.stack([-sj, cj * si, cj * ci, zeros], axis=-1)
    row3 = jnp.stack([zeros, zeros, zeros, ones], axis=-1)
    return jnp.stack([row0, row1, row2, row3], axis=1)


def plane_grid(zs, yaws, rolls, pitchs):
    B = zs.shape[0]
    num_x, num_y = TGT_W, TGT_H
    xl = jnp.linspace(XBOUND[0], XBOUND[1], num_x)
    yl = jnp.linspace(YBOUND[0], YBOUND[1], num_y)
    Yg, Xg = jnp.meshgrid(yl, xl, indexing='ij')  # [num_y, num_x]
    x = jnp.broadcast_to(Xg.flatten()[None, :], (B, num_x * num_y))
    y = jnp.broadcast_to(Yg.flatten()[None, :], (B, num_x * num_y))
    z = jnp.ones_like(x) * zs[:, None]
    d = jnp.ones_like(x)
    coords = jnp.stack([x, y, z, d], axis=1)  # [B, 4, P]
    R = rotation_from_euler(pitchs, rolls, yaws)
    return R @ coords


def bilinear_sampler(imgs, pix_coords):
    B, img_h, img_w, img_c = imgs.shape
    _, pix_h, pix_w, _ = pix_coords.shape
    pix_x = pix_coords[..., 0:1]
    pix_y = pix_coords[..., 1:2]
    pix_x0 = jnp.floor(pix_x)
    pix_x1 = pix_x0 + 1
    pix_y0 = jnp.floor(pix_y)
    pix_y1 = pix_y0 + 1
    x_max = img_w - 1
    y_max = img_h - 1
    pix_x0 = jnp.clip(pix_x0, 0, x_max)
    pix_y0 = jnp.clip(pix_y0, 0, y_max)
    pix_x1 = jnp.clip(pix_x1, 0, x_max)
    pix_y1 = jnp.clip(pix_y1, 0, y_max)
    wt_x0 = pix_x1 - pix_x
    wt_x1 = pix_x - pix_x0
    wt_y0 = pix_y1 - pix_y
    wt_y1 = pix_y - pix_y0
    dim = img_w
    base_y0 = pix_y0 * dim
    base_y1 = pix_y1 * dim
    imgs_flat = imgs.reshape(B, -1, img_c)

    def gather(idx_f):
        idx = idx_f.reshape(B, -1, 1).astype(jnp.int32)
        idx = jnp.broadcast_to(idx, (B, idx.shape[1], img_c))
        out = jnp.take_along_axis(imgs_flat, idx, axis=1)
        return out.reshape(B, pix_h, pix_w, img_c)

    im00 = gather(pix_x0 + base_y0)
    im01 = gather(pix_x0 + base_y1)
    im10 = gather(pix_x1 + base_y0)
    im11 = gather(pix_x1 + base_y1)
    w00 = wt_x0 * wt_y0
    w01 = wt_x0 * wt_y1
    w10 = wt_x1 * wt_y0
    w11 = wt_x1 * wt_y1
    return w00 * im00 + w01 * im01 + w10 * im10 + w11 * im11


def ipm_forward(images, Ks, RTs, translation, yaw_roll_pitch):
    # images: [B, N, C, H, W]
    images = jnp.transpose(images, (0, 1, 3, 4, 2))  # [B, N, H, W, C]
    B, N, H, W, C = images.shape
    zs = translation[:, 2]
    rolls = yaw_roll_pitch[:, 1]
    pitchs = yaw_roll_pitch[:, 2]
    planes = plane_grid(zs, jnp.zeros_like(rolls), rolls, pitchs)  # [B, 4, P]
    planes = jnp.tile(planes, (N, 1, 1))  # faithful to torch .repeat(N,1,1)
    images_f = images.reshape(B * N, H, W, C)
    P = (Ks @ RTs).reshape(-1, 4, 4)  # [B*N, 4, 4]
    pix = P @ planes  # [B*N, 4, npts]
    # extrinsic=True branch; offset = (H, W) of feature map
    pix0 = pix[:, 0] + H / 2.0
    pix2 = pix[:, 2] - W / 8.0
    pixc = jnp.stack([pix2, pix0], axis=1)  # [B*N, 2, npts]
    pixc = pixc.reshape(B * N, 2, TGT_H, TGT_W)
    pixc = jnp.transpose(pixc, (0, 2, 3, 1))  # [B*N, h, w, 2]
    warped = bilinear_sampler(images_f, pixc)  # [B*N, h, w, C]
    warped = warped.reshape(B, N, TGT_H, TGT_W, C)
    warped_topdown = warped.max(axis=1)  # visual=False: max-fuse cameras
    return jnp.transpose(warped_topdown, (0, 3, 1, 2))  # [B, C, h, w]


def setup_inputs(seed: int = 0) -> dict:
    key = jax.random.key(seed)
    k1, k2, k3, k4, k5 = jax.random.split(key, 5)
    images = jax.random.normal(k1, (4, 6, 64, 40, 80), dtype=jnp.float32)
    Ks = jax.random.normal(k2, (4, 6, 4, 4), dtype=jnp.float32)
    RTs = jax.random.normal(k3, (4, 6, 4, 4), dtype=jnp.float32)
    translation = jax.random.normal(k4, (4, 3), dtype=jnp.float32)
    yaw_roll_pitch = jax.random.normal(k5, (4, 3), dtype=jnp.float32)
    return {"images": images, "Ks": Ks, "RTs": RTs, "translation": translation, "yaw_roll_pitch": yaw_roll_pitch}


def reference(images, Ks, RTs, translation, yaw_roll_pitch):
    return ipm_forward(images, Ks, RTs, translation, yaw_roll_pitch)

if __name__ == "__main__":
    import jax
    _d = setup_inputs()
    print(jax.jit(kernel)(*tuple(_d.values())))

</pallas_src>

<mosaic_0001>
#map = affine_map<(d0, d1) -> (0)>
#map1 = affine_map<(d0, d1) -> (0, 0, 0)>
module attributes {stable_mosaic.version = 14 : i64} {
  func.func @k(%arg0: i32, %arg1: i32, %arg2: memref<4915200xf32, #tpu.memory_space<hbm>>, %arg3: memref<480000xf32, #tpu.memory_space<hbm>>, %arg4: memref<480000xf32, #tpu.memory_space<hbm>>, %arg5: memref<4x64x20000xf32, #tpu.memory_space<hbm>>, %arg6: memref<25600xf32, #tpu.memory_space<vmem>>, %arg7: memref<25600xf32, #tpu.memory_space<vmem>>, %arg8: memref<4000xf32, #tpu.memory_space<vmem>>, %arg9: memref<4000xf32, #tpu.memory_space<vmem>>, %arg10: memref<4000xf32, #tpu.memory_space<vmem>>, %arg11: memref<4000xf32, #tpu.memory_space<vmem>>, %arg12: memref<8x4000xf32, #tpu.memory_space<vmem>>, %arg13: memref<250xi32, #tpu.memory_space<smem>>, %arg14: memref<!tpu.dma_semaphore, #tpu.memory_space<semaphore_mem>>, %arg15: memref<!tpu.dma_semaphore, #tpu.memory_space<semaphore_mem>>) attributes {dimension_semantics = [#tpu.dimension_semantics<core_parallel>, #tpu.dimension_semantics<subcore_parallel>], iteration_bounds = array<i64: 2, 16>, scalar_prefetch = 0 : i64, scratch_operands = 10 : i64, tpu.core_type = #tpu.core_type<sc_vector_subcore>, window_params = [{transform_indices = #map}, {transform_indices = #map}, {transform_indices = #map}, {transform_indices = #map1}]} {
    %mul3A = arith.constant 2 : i32
    %mul3A_0 = arith.muli %arg1, %mul3A : i32
    %add3A = arith.addi %mul3A_0, %arg0 : i32
    %broadcast_in_dim3A = arith.constant 0xFF800000 : f32
    %broadcast_in_dim3A_1 = vector.broadcast %broadcast_in_dim3A : f32 to vector<16xf32>
    %scan3A = arith.constant 0 : i32
    %scan3A_2 = arith.constant 0 : i32
    %scan3A_3 = arith.constant 5 : i32
    %scan3A_4 = arith.addi %scan3A_2, %scan3A_3 : i32
    %scan3A_5 = arith.constant 1 : i32
    %scan3A_6 = scf.for %scan3A_8 = %scan3A_2 to %scan3A_4 step %scan3A_5 iter_args(%scan3A_9 = %scan3A) -> (i32)  : i32 {
      %mul3A_10 = arith.constant 5 : i32
      %mul3A_11 = arith.muli %add3A, %mul3A_10 : i32
      %add3A_12 = arith.addi %mul3A_11, %scan3A_8 : i32
      %rem3A = arith.constant 5 : i32
      %rem3A_13 = arith.remsi %add3A_12, %rem3A : i32
      %div3A = arith.constant 5 : i32
      %div3A_14 = arith.divsi %add3A_12, %div3A : i32
      %rem3A_15 = arith.constant 8 : i32
      %rem3A_16 = arith.remsi %div3A_14, %rem3A_15 : i32
      %div3A_17 = arith.constant 8 : i32
      %div3A_18 = arith.divsi %div3A_14, %div3A_17 : i32
      %mul3A_19 = arith.constant 4000 : i32
      %mul3A_20 = arith.muli %rem3A_13, %mul3A_19 : i32
      %mul3A_21 = arith.constant 6 : i32
      %mul3A_22 = arith.muli %div3A_18, %mul3A_21 : i32
      %add3A_23 = arith.constant 0 : i32
      %add3A_24 = arith.addi %mul3A_22, %add3A_23 : i32
      %mul3A_25 = arith.constant 64 : i32
      %mul3A_26 = arith.muli %add3A_24, %mul3A_25 : i32
      %mul3A_27 = arith.constant 8 : i32
      %mul3A_28 = arith.muli %rem3A_16, %mul3A_27 : i32
      %add3A_29 = arith.addi %mul3A_26, %mul3A_28 : i32
      %mul3A_30 = arith.constant 3200 : i32
      %mul3A_31 = arith.muli %add3A_29, %mul3A_30 : i32
      %dma_start3A = tpu.memref_slice %arg2[%mul3A_31] : memref<4915200xf32, #tpu.memory_space<hbm>> -> memref<25600xf32, #tpu.memory_space<hbm>>
      %dma_start3A_32 = tpu.memref_slice %arg2[%mul3A_31] : memref<4915200xf32, #tpu.memory_space<hbm>> -> memref<25600xf32, #tpu.memory_space<hbm>>
      tpu.enqueue_dma source(%dma_start3A_32 : memref<25600xf32, #tpu.memory_space<hbm>>) target(%arg6 : memref<25600xf32, #tpu.memory_space<vmem>>) target_semaphore(%arg14 : memref<!tpu.dma_semaphore, #tpu.memory_space<semaphore_mem>>)
      %mul3A_33 = arith.constant 20000 : i32
      %mul3A_34 = arith.muli %add3A_24, %mul3A_33 : i32
      %add3A_35 = arith.addi %mul3A_34, %mul3A_20 : i32
      %dma_start3A_36 = tpu.memref_slice %arg3[%add3A_35] : memref<480000xf32, #tpu.memory_space<hbm>> -> memref<4000xf32, #tpu.memory_space<hbm>>
      %dma_start3A_37 = tpu.memref_slice %arg3[%add3A_35] : memref<480000xf32, #tpu.memory_space<hbm>> -> memref<4000xf32, #tpu.memory_space<hbm>>
      tpu.enqueue_dma source(%dma_start3A_37 : memref<4000xf32, #tpu.memory_space<hbm>>) target(%arg8 : memref<4000xf32, #tpu.memory_space<vmem>>) target_semaphore(%arg14 : memref<!tpu.dma_semaphore, #tpu.memory_space<semaphore_mem>>)
      %mul3A_38 = arith.constant 20000 : i32
      %mul3A_39 = arith.muli %add3A_24, %mul3A_38 : i32
      %add3A_40 = arith.addi %mul3A_39, %mul3A_20 : i32
      %dma_start3A_41 = tpu.memref_slice %arg4[%add3A_40] : memref<480000xf32, #tpu.memory_space<hbm>> -> memref<4000xf32, #tpu.memory_space<hbm>>
      %dma_start3A_42 = tpu.memref_slice %arg4[%add3A_40] : memref<480000xf32, #tpu.memory_space<hbm>> -> memref<4000xf32, #tpu.memory_space<hbm>>
      tpu.enqueue_dma source(%dma_start3A_42 : memref<4000xf32, #tpu.memory_space<hbm>>) target(%arg10 : memref<4000xf32, #tpu.memory_space<vmem>>) target_semaphore(%arg14 : memref<!tpu.dma_semaphore, #tpu.memory_space<semaphore_mem>>)
      %dma_wait3A = tpu.memref_slice %arg2[%mul3A_31] : memref<4915200xf32, #tpu.memory_space<hbm>> -> memref<25600xf32, #tpu.memory_space<hbm>>
      %dma_wait3A_43 = tpu.memref_slice %arg2[%mul3A_31] : memref<4915200xf32, #tpu.memory_space<hbm>> -> memref<25600xf32, #tpu.memory_space<hbm>>
      tpu.wait_dma2 semaphore(%arg14 : memref<!tpu.dma_semaphore, #tpu.memory_space<semaphore_mem>>) src(%dma_wait3A_43 : memref<25600xf32, #tpu.memory_space<hbm>>) dst(%arg6 : memref<25600xf32, #tpu.memory_space<vmem>>)
      %dma_wait3A_44 = tpu.memref_slice %arg3[%add3A_35] : memref<480000xf32, #tpu.memory_space<hbm>> -> memref<4000xf32, #tpu.memory_space<hbm>>
      %dma_wait3A_45 = tpu.memref_slice %arg3[%add3A_35] : memref<480000xf32, #tpu.memory_space<hbm>> -> memref<4000xf32, #tpu.memory_space<hbm>>
      tpu.wait_dma2 semaphore(%arg14 : memref<!tpu.dma_semaphore, #tpu.memory_space<semaphore_mem>>) src(%dma_wait3A_45 : memref<4000xf32, #tpu.memory_space<hbm>>) dst(%arg8 : memref<4000xf32, #tpu.memory_space<vmem>>)
      %dma_wait3A_46 = tpu.memref_slice %arg4[%add3A_40] : memref<480000xf32, #tpu.memory_space<hbm>> -> memref<4000xf32, #tpu.memory_space<hbm>>
      %dma_wait3A_47 = tpu.memref_slice %arg4[%add3A_40] : memref<480000xf32, #tpu.memory_space<hbm>> -> memref<4000xf32, #tpu.memory_space<hbm>>
      tpu.wait_dma2 semaphore(%arg14 : memref<!tpu.dma_semaphore, #tpu.memory_space<semaphore_mem>>) src(%dma_wait3A_47 : memref<4000xf32, #tpu.memory_space<hbm>>) dst(%arg10 : memref<4000xf32, #tpu.memory_space<vmem>>)
      %mul3A_48 = arith.constant 6 : i32
      %mul3A_49 = arith.muli %div3A_18, %mul3A_48 : i32
      %add3A_50 = arith.constant 1 : i32
      %add3A_51 = arith.addi %mul3A_49, %add3A_50 : i32
      %mul3A_52 = arith.constant 64 : i32
      %mul3A_53 = arith.muli %add3A_51, %mul3A_52 : i32
      %mul3A_54 = arith.constant 8 : i32
      %mul3A_55 = arith.muli %rem3A_16, %mul3A_54 : i32
      %add3A_56 = arith.addi %mul3A_53, %mul3A_55 : i32
      %mul3A_57 = arith.constant 3200 : i32
      %mul3A_58 = arith.muli %add3A_56, %mul3A_57 : i32
      %dma_start3A_59 = tpu.memref_slice %arg2[%mul3A_58] : memref<4915200xf32, #tpu.memory_space<hbm>> -> memref<25600xf32, #tpu.memory_space<hbm>>
      %dma_start3A_60 = tpu.memref_slice %arg2[%mul3A_58] : memref<4915200xf32, #tpu.memory_space<hbm>> -> memref<25600xf32, #tpu.memory_space<hbm>>
      tpu.enqueue_dma source(%dma_start3A_60 : memref<25600xf32, #tpu.memory_space<hbm>>) target(%arg7 : memref<25600xf32, #tpu.memory_space<vmem>>) target_semaphore(%arg15 : memref<!tpu.dma_semaphore, #tpu.memory_space<semaphore_mem>>)
      %mul3A_61 = arith.constant 20000 : i32
      %mul3A_62 = arith.muli %add3A_51, %mul3A_61 : i32
      %add3A_63 = arith.addi %mul3A_62, %mul3A_20 : i32
      %dma_start3A_64 = tpu.memref_slice %arg3[%add3A_63] : memref<480000xf32, #tpu.memory_space<hbm>> -> memref<4000xf32, #tpu.memory_space<hbm>>
      %dma_start3A_65 = tpu.memref_slice %arg3[%add3A_63] : memref<480000xf32, #tpu.memory_space<hbm>> -> memref<4000xf32, #tpu.memory_space<hbm>>
      tpu.enqueue_dma source(%dma_start3A_65 : memref<4000xf32, #tpu.memory_space<hbm>>) target(%arg9 : memref<4000xf32, #tpu.memory_space<vmem>>) target_semaphore(%arg15 : memref<!tpu.dma_semaphore, #tpu.memory_space<semaphore_mem>>)
      %mul3A_66 = arith.constant 20000 : i32
      %mul3A_67 = arith.muli %add3A_51, %mul3A_66 : i32
      %add3A_68 = arith.addi %mul3A_67, %mul3A_20 : i32
      %dma_start3A_69 = tpu.memref_slice %arg4[%add3A_68] : memref<480000xf32, #tpu.memory_space<hbm>> -> memref<4000xf32, #tpu.memory_space<hbm>>
      %dma_start3A_70 = tpu.memref_slice %arg4[%add3A_68] : memref<480000xf32, #tpu.memory_space<hbm>> -> memref<4000xf32, #tpu.memory_space<hbm>>
      tpu.enqueue_dma source(%dma_start3A_70 : memref<4000xf32, #tpu.memory_space<hbm>>) target(%arg11 : memref<4000xf32, #tpu.memory_space<vmem>>) target_semaphore(%arg15 : memref<!tpu.dma_semaphore, #tpu.memory_space<semaphore_mem>>)
      %scan3A_71 = arith.constant 0 : i32
      %scan3A_72 = arith.constant 0 : i32
      %scan3A_73 = arith.constant 250 : i32
      %scan3A_74 = arith.addi %scan3A_72, %scan3A_73 : i32
      %scan3A_75 = arith.constant 1 : i32
      %scan3A_76 = scf.for %scan3A_245 = %scan3A_72 to %scan3A_74 step %scan3A_75 iter_args(%scan3A_246 = %scan3A_71) -> (i32)  : i32 {
        %mul3A_247 = arith.constant 16 : i32
        %mul3A_248 = arith.muli %scan3A_245, %mul3A_247 : i32
        %get3A = arith.index_cast %mul3A_248 : i32 to index
        %get3A_249 = tpu.vector_load %arg8[%get3A] {strides = array<i32>} : memref<4000xf32, #tpu.memory_space<vmem>>, vector<16xf32>,
        %jit3A = arith.constant -4.000000e+04 : f32
        %jit3A_250 = arith.constant 4.000000e+04 : f32
        %max3A = vector.broadcast %jit3A : f32 to vector<16xf32>
        %max3A_251 = arith.maximumf %max3A, %get3A_249 : vector<16xf32>
        %min3A = vector.broadcast %jit3A_250 : f32 to vector<16xf32>
        %min3A_252 = arith.minimumf %min3A, %max3A_251 : vector<16xf32>
        %get3A_253 = arith.index_cast %mul3A_248 : i32 to index
        %get3A_254 = tpu.vector_load %arg10[%get3A_253] {strides = array<i32>} : memref<4000xf32, #tpu.memory_space<vmem>>, vector<16xf32>,
        %jit3A_255 = arith.constant -4.000000e+04 : f32
        %jit3A_256 = arith.constant 4.000000e+04 : f32
        %max3A_257 = vector.broadcast %jit3A_255 : f32 to vector<16xf32>
        %max3A_258 = arith.maximumf %max3A_257, %get3A_254 : vector<16xf32>
        %min3A_259 = vector.broadcast %jit3A_256 : f32 to vector<16xf32>
        %min3A_260 = arith.minimumf %min3A_259, %max3A_258 : vector<16xf32>
        %convert_element_type3A = arith.fptosi %min3A_252 : vector<16xf32> to vector<16xi32>
        %convert_element_type3A_261 = arith.fptosi %min3A_260 : vector<16xf32> to vector<16xi32>
        %convert_element_type3A_262 = arith.sitofp %convert_element_type3A : vector<16xi32> to vector<16xf32>
        %lt3A = arith.cmpf olt, %min3A_252, %convert_element_type3A_262 : vector<16xf32>
        %sub3A = arith.constant 1 : i32
        %sub3A_263 = vector.broadcast %sub3A : i32 to vector<16xi32>
        %sub3A_264 = arith.subi %convert_element_type3A, %sub3A_263 : vector<16xi32>
        %select_n3A = arith.select %lt3A, %sub3A_264, %convert_element_type3A : vector<16xi1>, vector<16xi32>
        %convert_element_type3A_265 = arith.sitofp %convert_element_type3A_261 : vector<16xi32> to vector<16xf32>
        %lt3A_266 = arith.cmpf olt, %min3A_260, %convert_element_type3A_265 : vector<16xf32>
        %sub3A_267 = arith.constant 1 : i32
        %sub3A_268 = vector.broadcast %sub3A_267 : i32 to vector<16xi32>
        %sub3A_269 = arith.subi %convert_element_type3A_261, %sub3A_268 : vector<16xi32>
        %select_n3A_270 = arith.select %lt3A_266, %sub3A_269, %convert_element_type3A_261 : vector<16xi1>, vector<16xi32>
        %le3A = arith.constant 78 : i32
        %le3A_271 = vector.broadcast %le3A : i32 to vector<16xi32>
        %le3A_272 = arith.cmpi ule, %select_n3A, %le3A_271 : vector<16xi32>
        %le3A_273 = arith.constant 38 : i32
        %le3A_274 = vector.broadcast %le3A_273 : i32 to vector<16xi32>
        %le3A_275 = arith.cmpi ule, %select_n3A_270, %le3A_274 : vector<16xi32>
        %and3A = arith.andi %le3A_272, %le3A_275 : vector<16xi1>
        %reduce_or3A = arith.constant 1.000000e+00 : f32
        %reduce_or3A_276 = arith.constant 0.000000e+00 : f32
        %reduce_or3A_277 = vector.broadcast %reduce_or3A : f32 to vector<16xf32>
        %reduce_or3A_278 = vector.broadcast %reduce_or3A_276 : f32 to vector<16xf32>
        %reduce_or3A_279 = arith.select %and3A, %reduce_or3A_277, %reduce_or3A_278 : vector<16xi1>, vector<16xf32>
        %reduce_or3A_280 = arith.constant true
        %reduce_or3A_281 = vector.broadcast %reduce_or3A_280 : i1 to vector<16xi1>
        %reduce_or3A_282 = tpu.scan <max>, %reduce_or3A_279 masked %reduce_or3A_281 : vector<16xf32>, vector<16xi1> -> vector<16xf32>
        %reduce_or3A_283 = vector.extract %reduce_or3A_282[15] : f32 from vector<16xf32>
        %reduce_or3A_284 = arith.constant 0.000000e+00 : f32
        %reduce_or3A_285 = arith.cmpf ogt, %reduce_or3A_283, %reduce_or3A_284 : f32
        %convert_element_type3A_286 = arith.extui %reduce_or3A_285 : i1 to i32
        %cond3A = arith.constant 0 : i32
        %cond3A_287 = arith.constant 0 : i32
        %cond3A_288 = arith.cmpi ne, %convert_element_type3A_286, %cond3A_287 : i32
        %cond3A_289 = scf.if %cond3A_288 -> (i32) {
          %convert_element_type3A_291 = arith.sitofp %select_n3A : vector<16xi32> to vector<16xf32>
          %convert_element_type3A_292 = arith.sitofp %select_n3A_270 : vector<16xi32> to vector<16xf32>
          %sub3A_293 = arith.subf %min3A_252, %convert_element_type3A_291 : vector<16xf32>
          %add3A_294 = arith.constant 1.000000e+00 : f32
          %add3A_295 = vector.broadcast %add3A_294 : f32 to vector<16xf32>
          %add3A_296 = arith.addf %convert_element_type3A_291, %add3A_295 : vector<16xf32>
          %sub3A_297 = arith.subf %add3A_296, %min3A_252 : vector<16xf32>
          %jit3A_298 = arith.constant 1.000000e+00 : f32
          %jit3A_299 = arith.constant 0.000000e+00 : f32
          %broadcast_in_dim3A_300 = vector.broadcast %jit3A_298 : f32 to vector<16xf32>
          %broadcast_in_dim3A_301 = vector.broadcast %jit3A_299 : f32 to vector<16xf32>
          %select_n3A_302 = arith.select %and3A, %broadcast_in_dim3A_300, %broadcast_in_dim3A_301 : vector<16xi1>, vector<16xf32>
          %sub3A_303 = arith.subf %min3A_260, %convert_element_type3A_292 : vector<16xf32>
          %mul3A_304 = arith.mulf %sub3A_303, %select_n3A_302 : vector<16xf32>
          %add3A_305 = arith.constant 1.000000e+00 : f32
          %add3A_306 = vector.broadcast %add3A_305 : f32 to vector<16xf32>
          %add3A_307 = arith.addf %convert_element_type3A_292, %add3A_306 : vector<16xf32>
          %sub3A_308 = arith.subf %add3A_307, %min3A_260 : vector<16xf32>
          %mul3A_309 = arith.mulf %sub3A_308, %select_n3A_302 : vector<16xf32>
          %mul3A_310 = arith.mulf %sub3A_297, %mul3A_309 : vector<16xf32>
          %mul3A_311 = arith.mulf %sub3A_297, %mul3A_304 : vector<16xf32>
          %mul3A_312 = arith.mulf %sub3A_293, %mul3A_309 : vector<16xf32>
          %mul3A_313 = arith.mulf %sub3A_293, %mul3A_304 : vector<16xf32>
          %mul3A_314 = arith.constant 80 : i32
          %mul3A_315 = vector.broadcast %mul3A_314 : i32 to vector<16xi32>
          %mul3A_316 = arith.muli %select_n3A_270, %mul3A_315 : vector<16xi32>
          %add3A_317 = arith.addi %mul3A_316, %select_n3A : vector<16xi32>
          %jit3A_318 = arith.constant 0 : i32
          %broadcast_in_dim3A_319 = vector.broadcast %jit3A_318 : i32 to vector<16xi32>
          %select_n3A_320 = arith.select %and3A, %add3A_317, %broadcast_in_dim3A_319 : vector<16xi1>, vector<16xi32>
          %add3A_321 = arith.constant 80 : i32
          %add3A_322 = vector.broadcast %add3A_321 : i32 to vector<16xi32>
          %add3A_323 = arith.addi %select_n3A_320, %add3A_322 : vector<16xi32>
          %add3A_324 = arith.constant 1 : i32
          %add3A_325 = vector.broadcast %add3A_324 : i32 to vector<16xi32>
          %add3A_326 = arith.addi %select_n3A_320, %add3A_325 : vector<16xi32>
          %add3A_327 = arith.constant 80 : i32
          %add3A_328 = vector.broadcast %add3A_327 : i32 to vector<16xi32>
          %add3A_329 = arith.addi %select_n3A_320, %add3A_328 : vector<16xi32>
          %add3A_330 = arith.constant 1 : i32
          %add3A_331 = vector.broadcast %add3A_330 : i32 to vector<16xi32>
          %add3A_332 = arith.addi %add3A_329, %add3A_331 : vector<16xi32>
          %swap3A = arith.constant 0 : i32
          %swap3A_333 = arith.index_cast %scan3A_245 : i32 to index
          %swap3A_334 = memref.load %arg13[%swap3A_333] : memref<250xi32, #tpu.memory_space<smem>>
          memref.store %swap3A, %arg13[%swap3A_333] : memref<250xi32, #tpu.memory_space<smem>>
          %add3A_335 = arith.constant 0 : i32
          %add3A_336 = vector.broadcast %add3A_335 : i32 to vector<16xi32>
          %add3A_337 = arith.addi %select_n3A_320, %add3A_336 : vector<16xi32>
          %gather3A = tpu.vector_load_idx %arg6[%add3A_337] : memref<25600xf32, #tpu.memory_space<vmem>>[vector<16xi32>], vector<16xf32>,
          %add3A_338 = arith.constant 0 : i32
          %add3A_339 = vector.broadcast %add3A_338 : i32 to vector<16xi32>
          %add3A_340 = arith.addi %add3A_323, %add3A_339 : vector<16xi32>
          %gather3A_341 = tpu.vector_load_idx %arg6[%add3A_340] : memref<25600xf32, #tpu.memory_space<vmem>>[vector<16xi32>], vector<16xf32>,
          %add3A_342 = arith.constant 0 : i32
          %add3A_343 = vector.broadcast %add3A_342 : i32 to vector<16xi32>
          %add3A_344 = arith.addi %add3A_326, %add3A_343 : vector<16xi32>
          %gather3A_345 = tpu.vector_load_idx %arg6[%add3A_344] : memref<25600xf32, #tpu.memory_space<vmem>>[vector<16xi32>], vector<16xf32>,
          %add3A_346 = arith.constant 0 : i32
          %add3A_347 = vector.broadcast %add3A_346 : i32 to vector<16xi32>
          %add3A_348 = arith.addi %add3A_332, %add3A_347 : vector<16xi32>
          %gather3A_349 = tpu.vector_load_idx %arg6[%add3A_348] : memref<25600xf32, #tpu.memory_space<vmem>>[vector<16xi32>], vector<16xf32>,
          %mul3A_350 = arith.mulf %mul3A_310, %gather3A : vector<16xf32>
          %mul3A_351 = arith.mulf %mul3A_311, %gather3A_341 : vector<16xf32>
          %add3A_352 = arith.addf %mul3A_350, %mul3A_351 : vector<16xf32>
          %mul3A_353 = arith.mulf %mul3A_312, %gather3A_345 : vector<16xf32>
          %mul3A_354 = arith.mulf %mul3A_313, %gather3A_349 : vector<16xf32>
          %add3A_355 = arith.addf %mul3A_353, %mul3A_354 : vector<16xf32>
          %add3A_356 = arith.addf %add3A_352, %add3A_355 : vector<16xf32>
          %swap3A_357 = arith.constant 0 : i32
          %swap3A_358 = arith.index_cast %swap3A_357 : i32 to index
          %swap3A_359 = arith.index_cast %mul3A_248 : i32 to index
          %swap3A_360 = tpu.vector_load %arg12[%swap3A_358, %swap3A_359] {strides = array<i32>} : memref<8x4000xf32, #tpu.memory_space<vmem>>, vector<16xf32>,
          tpu.vector_store %arg12[%swap3A_358, %swap3A_359], %add3A_356 {strides = array<i32>} : memref<8x4000xf32, #tpu.memory_space<vmem>>, vector<16xf32>,
          %add3A_361 = arith.constant 3200 : i32
          %add3A_362 = vector.broadcast %add3A_361 : i32 to vector<16xi32>
          %add3A_363 = arith.addi %select_n3A_320, %add3A_362 : vector<16xi32>
          %gather3A_364 = tpu.vector_load_idx %arg6[%add3A_363] : memref<25600xf32, #tpu.memory_space<vmem>>[vector<16xi32>], vector<16xf32>,
          %add3A_365 = arith.constant 3200 : i32
          %add3A_366 = vector.broadcast %add3A_365 : i32 to vector<16xi32>
          %add3A_367 = arith.addi %add3A_323, %add3A_366 : vector<16xi32>
          %gather3A_368 = tpu.vector_load_idx %arg6[%add3A_367] : memref<25600xf32, #tpu.memory_space<vmem>>[vector<16xi32>], vector<16xf32>,
          %add3A_369 = arith.constant 3200 : i32
          %add3A_370 = vector.broadcast %add3A_369 : i32 to vector<16xi32>
          %add3A_371 = arith.addi %add3A_326, %add3A_370 : vector<16xi32>
          %gather3A_372 = tpu.vector_load_idx %arg6[%add3A_371] : memref<25600xf32, #tpu.memory_space<vmem>>[vector<16xi32>], vector<16xf32>,
          %add3A_373 = arith.constant 3200 : i32
          %add3A_374 = vector.broadcast %add3A_373 : i32 to vector<16xi32>
          %add3A_375 = arith.addi %add3A_332, %add3A_374 : vector<16xi32>
          %gather3A_376 = tpu.vector_load_idx %arg6[%add3A_375] : memref<25600xf32, #tpu.memory_space<vmem>>[vector<16xi32>], vector<16xf32>,
          %mul3A_377 = arith.mulf %mul3A_310, %gather3A_364 : vector<16xf32>
          %mul3A_378 = arith.mulf %mul3A_311, %gather3A_368 : vector<16xf32>
          %add3A_379 = arith.addf %mul3A_377, %mul3A_378 : vector<16xf32>
          %mul3A_380 = arith.mulf %mul3A_312, %gather3A_372 : vector<16xf32>
          %mul3A_381 = arith.mulf %mul3A_313, %gather3A_376 : vector<16xf32>
          %add3A_382 = arith.addf %mul3A_380, %mul3A_381 : vector<16xf32>
          %add3A_383 = arith.addf %add3A_379, %add3A_382 : vector<16xf32>
          %swap3A_384 = arith.constant 1 : i32
          %swap3A_385 = arith.index_cast %swap3A_384 : i32 to index
          %swap3A_386 = arith.index_cast %mul3A_248 : i32 to index
          %swap3A_387 = tpu.vector_load %arg12[%swap3A_385, %swap3A_386] {strides = array<i32>} : memref<8x4000xf32, #tpu.memory_space<vmem>>, vector<16xf32>,
          tpu.vector_store %arg12[%swap3A_385, %swap3A_386], %add3A_383 {strides = array<i32>} : memref<8x4000xf32, #tpu.memory_space<vmem>>, vector<16xf32>,
          %add3A_388 = arith.constant 6400 : i32
          %add3A_389 = vector.broadcast %add3A_388 : i32 to vector<16xi32>
          %add3A_390 = arith.addi %select_n3A_320, %add3A_389 : vector<16xi32>
          %gather3A_391 = tpu.vector_load_idx %arg6[%add3A_390] : memref<25600xf32, #tpu.memory_space<vmem>>[vector<16xi32>], vector<16xf32>,
          %add3A_392 = arith.constant 6400 : i32
          %add3A_393 = vector.broadcast %add3A_392 : i32 to vector<16xi32>
          %add3A_394 = arith.addi %add3A_323, %add3A_393 : vector<16xi32>
          %gather3A_395 = tpu.vector_load_idx %arg6[%add3A_394] : memref<25600xf32, #tpu.memory_space<vmem>>[vector<16xi32>], vector<16xf32>,
          %add3A_396 = arith.constant 6400 : i32
          %add3A_397 = vector.broadcast %add3A_396 : i32 to vector<16xi32>
          %add3A_398 = arith.addi %add3A_326, %add3A_397 : vector<16xi32>
          %gather3A_399 = tpu.vector_load_idx %arg6[%add3A_398] : memref<25600xf32, #tpu.memory_space<vmem>>[vector<16xi32>], vector<16xf32>,
          %add3A_400 = arith.constant 6400 : i32
          %add3A_401 = vector.broadcast %add3A_400 : i32 to vector<16xi32>
          %add3A_402 = arith.addi %add3A_332, %add3A_401 : vector<16xi32>
          %gather3A_403 = tpu.vector_load_idx %arg6[%add3A_402] : memref<25600xf32, #tpu.memory_space<vmem>>[vector<16xi32>], vector<16xf32>,
          %mul3A_404 = arith.mulf %mul3A_310, %gather3A_391 : vector<16xf32>
          %mul3A_405 = arith.mulf %mul3A_311, %gather3A_395 : vector<16xf32>
          %add3A_406 = arith.addf %mul3A_404, %mul3A_405 : vector<16xf32>
          %mul3A_407 = arith.mulf %mul3A_312, %gather3A_399 : vector<16xf32>
          %mul3A_408 = arith.mulf %mul3A_313, %gather3A_403 : vector<16xf32>
          %add3A_409 = arith.addf %mul3A_407, %mul3A_408 : vector<16xf32>
          %add3A_410 = arith.addf %add3A_406, %add3A_409 : vector<16xf32>
          %swap3A_411 = arith.constant 2 : i32
          %swap3A_412 = arith.index_cast %swap3A_411 : i32 to index
          %swap3A_413 = arith.index_cast %mul3A_248 : i32 to index
          %swap3A_414 = tpu.vector_load %arg12[%swap3A_412, %swap3A_413] {strides = array<i32>} : memref<8x4000xf32, #tpu.memory_space<vmem>>, vector<16xf32>,
          tpu.vector_store %arg12[%swap3A_412, %swap3A_413], %add3A_410 {strides = array<i32>} : memref<8x4000xf32, #tpu.memory_space<vmem>>, vector<16xf32>,
          %add3A_415 = arith.constant 9600 : i32
          %add3A_416 = vector.broadcast %add3A_415 : i32 to vector<16xi32>
          %add3A_417 = arith.addi %select_n3A_320, %add3A_416 : vector<16xi32>
          %gather3A_418 = tpu.vector_load_idx %arg6[%add3A_417] : memref<25600xf32, #tpu.memory_space<vmem>>[vector<16xi32>], vector<16xf32>,
          %add3A_419 = arith.constant 9600 : i32
          %add3A_420 = vector.broadcast %add3A_419 : i32 to vector<16xi32>
          %add3A_421 = arith.addi %add3A_323, %add3A_420 : vector<16xi32>
          %gather3A_422 = tpu.vector_load_idx %arg6[%add3A_421] : memref<25600xf32, #tpu.memory_space<vmem>>[vector<16xi32>], vector<16xf32>,
          %add3A_423 = arith.constant 9600 : i32
          %add3A_424 = vector.broadcast %add3A_423 : i32 to vector<16xi32>
          %add3A_425 = arith.addi %add3A_326, %add3A_424 : vector<16xi32>
          %gather3A_426 = tpu.vector_load_idx %arg6[%add3A_425] : memref<25600xf32, #tpu.memory_space<vmem>>[vector<16xi32>], vector<16xf32>,
          %add3A_427 = arith.constant 9600 : i32
          %add3A_428 = vector.broadcast %add3A_427 : i32 to vector<16xi32>
          %add3A_429 = arith.addi %add3A_332, %add3A_428 : vector<16xi32>
          %gather3A_430 = tpu.vector_load_idx %arg6[%add3A_429] : memref<25600xf32, #tpu.memory_space<vmem>>[vector<16xi32>], vector<16xf32>,
          %mul3A_431 = arith.mulf %mul3A_310, %gather3A_418 : vector<16xf32>
          %mul3A_432 = arith.mulf %mul3A_311, %gather3A_422 : vector<16xf32>
          %add3A_433 = arith.addf %mul3A_431, %mul3A_432 : vector<16xf32>
          %mul3A_434 = arith.mulf %mul3A_312, %gather3A_426 : vector<16xf32>
          %mul3A_435 = arith.mulf %mul3A_313, %gather3A_430 : vector<16xf32>
          %add3A_436 = arith.addf %mul3A_434, %mul3A_435 : vector<16xf32>
          %add3A_437 = arith.addf %add3A_433, %add3A_436 : vector<16xf32>
          %swap3A_438 = arith.constant 3 : i32
          %swap3A_439 = arith.index_cast %swap3A_438 : i32 to index
          %swap3A_440 = arith.index_cast %mul3A_248 : i32 to index
          %swap3A_441 = tpu.vector_load %arg12[%swap3A_439, %swap3A_440] {strides = array<i32>} : memref<8x4000xf32, #tpu.memory_space<vmem>>, vector<16xf32>,
          tpu.vector_store %arg12[%swap3A_439, %swap3A_440], %add3A_437 {strides = array<i32>} : memref<8x4000xf32, #tpu.memory_space<vmem>>, vector<16xf32>,
          %add3A_442 = arith.constant 12800 : i32
          %add3A_443 = vector.broadcast %add3A_442 : i32 to vector<16xi32>
          %add3A_444 = arith.addi %select_n3A_320, %add3A_443 : vector<16xi32>
          %gather3A_445 = tpu.vector_load_idx %arg6[%add3A_444] : memref<25600xf32, #tpu.memory_space<vmem>>[vector<16xi32>], vector<16xf32>,
          %add3A_446 = arith.constant 12800 : i32
          %add3A_447 = vector.broadcast %add3A_446 : i32 to vector<16xi32>
          %add3A_448 = arith.addi %add3A_323, %add3A_447 : vector<16xi32>
          %gather3A_449 = tpu.vector_load_idx %arg6[%add3A_448] : memref<25600xf32, #tpu.memory_space<vmem>>[vector<16xi32>], vector<16xf32>,
          %add3A_450 = arith.constant 12800 : i32
          %add3A_451 = vector.broadcast %add3A_450 : i32 to vector<16xi32>
          %add3A_452 = arith.addi %add3A_326, %add3A_451 : vector<16xi32>
          %gather3A_453 = tpu.vector_load_idx %arg6[%add3A_452] : memref<25600xf32, #tpu.memory_space<vmem>>[vector<16xi32>], vector<16xf32>,
          %add3A_454 = arith.constant 12800 : i32
          %add3A_455 = vector.broadcast %add3A_454 : i32 to vector<16xi32>
          %add3A_456 = arith.addi %add3A_332, %add3A_455 : vector<16xi32>
          %gather3A_457 = tpu.vector_load_idx %arg6[%add3A_456] : memref<25600xf32, #tpu.memory_space<vmem>>[vector<16xi32>], vector<16xf32>,
          %mul3A_458 = arith.mulf %mul3A_310, %gather3A_445 : vector<16xf32>
          %mul3A_459 = arith.mulf %mul3A_311, %gather3A_449 : vector<16xf32>
          %add3A_460 = arith.addf %mul3A_458, %mul3A_459 : vector<16xf32>
          %mul3A_461 = arith.mulf %mul3A_312, %gather3A_453 : vector<16xf32>
          %mul3A_462 = arith.mulf %mul3A_313, %gather3A_457 : vector<16xf32>
          %add3A_463 = arith.addf %mul3A_461, %mul3A_462 : vector<16xf32>
          %add3A_464 = arith.addf %add3A_460, %add3A_463 : vector<16xf32>
          %swap3A_465 = arith.constant 4 : i32
          %swap3A_466 = arith.index_cast %swap3A_465 : i32 to index
          %swap3A_467 = arith.index_cast %mul3A_248 : i32 to index
          %swap3A_468 = tpu.vector_load %arg12[%swap3A_466, %swap3A_467] {strides = array<i32>} : memref<8x4000xf32, #tpu.memory_space<vmem>>, vector<16xf32>,
          tpu.vector_store %arg12[%swap3A_466, %swap3A_467], %add3A_464 {strides = array<i32>} : memref<8x4000xf32, #tpu.memory_space<vmem>>, vector<16xf32>,
          %add3A_469 = arith.constant 16000 : i32
          %add3A_470 = vector.broadcast %add3A_469 : i32 to vector<16xi32>
          %add3A_471 = arith.addi %select_n3A_320, %add3A_470 : vector<16xi32>
          %gather3A_472 = tpu.vector_load_idx %arg6[%add3A_471] : memref<25600xf32, #tpu.memory_space<vmem>>[vector<16xi32>], vector<16xf32>,
          %add3A_473 = arith.constant 16000 : i32
          %add3A_474 = vector.broadcast %add3A_473 : i32 to vector<16xi32>
          %add3A_475 = arith.addi %add3A_323, %add3A_474 : vector<16xi32>
          %gather3A_476 = tpu.vector_load_idx %arg6[%add3A_475] : memref<25600xf32, #tpu.memory_space<vmem>>[vector<16xi32>], vector<16xf32>,
          %add3A_477 = arith.constant 16000 : i32
          %add3A_478 = vector.broadcast %add3A_477 : i32 to vector<16xi32>
          %add3A_479 = arith.addi %add3A_326, %add3A_478 : vector<16xi32>
          %gather3A_480 = tpu.vector_load_idx %arg6[%add3A_479] : memref<25600xf32, #tpu.memory_space<vmem>>[vector<16xi32>], vector<16xf32>,
          %add3A_481 = arith.constant 16000 : i32
          %add3A_482 = vector.broadcast %add3A_481 : i32 to vector<16xi32>
          %add3A_483 = arith.addi %add3A_332, %add3A_482 : vector<16xi32>
          %gather3A_484 = tpu.vector_load_idx %arg6[%add3A_483] : memref<25600xf32, #tpu.memory_space<vmem>>[vector<16xi32>], vector<16xf32>,
          %mul3A_485 = arith.mulf %mul3A_310, %gather3A_472 : vector<16xf32>
          %mul3A_486 = arith.mulf %mul3A_311, %gather3A_476 : vector<16xf32>
          %add3A_487 = arith.addf %mul3A_485, %mul3A_486 : vector<16xf32>
          %mul3A_488 = arith.mulf %mul3A_312, %gather3A_480 : vector<16xf32>
          %mul3A_489 = arith.mulf %mul3A_313, %gather3A_484 : vector<16xf32>
          %add3A_490 = arith.addf %mul3A_488, %mul3A_489 : vector<16xf32>
          %add3A_491 = arith.addf %add3A_487, %add3A_490 : vector<16xf32>
          %swap3A_492 = arith.constant 5 : i32
          %swap3A_493 = arith.index_cast %swap3A_492 : i32 to index
          %swap3A_494 = arith.index_cast %mul3A_248 : i32 to index
          %swap3A_495 = tpu.vector_load %arg12[%swap3A_493, %swap3A_494] {strides = array<i32>} : memref<8x4000xf32, #tpu.memory_space<vmem>>, vector<16xf32>,
          tpu.vector_store %arg12[%swap3A_493, %swap3A_494], %add3A_491 {strides = array<i32>} : memref<8x4000xf32, #tpu.memory_space<vmem>>, vector<16xf32>,
          %add3A_496 = arith.constant 19200 : i32
          %add3A_497 = vector.broadcast %add3A_496 : i32 to vector<16xi32>
          %add3A_498 = arith.addi %select_n3A_320, %add3A_497 : vector<16xi32>
          %gather3A_499 = tpu.vector_load_idx %arg6[%add3A_498] : memref<25600xf32, #tpu.memory_space<vmem>>[vector<16xi32>], vector<16xf32>,
          %add3A_500 = arith.constant 19200 : i32
          %add3A_501 = vector.broadcast %add3A_500 : i32 to vector<16xi32>
          %add3A_502 = arith.addi %add3A_323, %add3A_501 : vector<16xi32>
          %gather3A_503 = tpu.vector_load_idx %arg6[%add3A_502] : memref<25600xf32, #tpu.memory_space<vmem>>[vector<16xi32>], vector<16xf32>,
          %add3A_504 = arith.constant 19200 : i32
          %add3A_505 = vector.broadcast %add3A_504 : i32 to vector<16xi32>
          %add3A_506 = arith.addi %add3A_326, %add3A_505 : vector<16xi32>
          %gather3A_507 = tpu.vector_load_idx %arg6[%add3A_506] : memref<25600xf32, #tpu.memory_space<vmem>>[vector<16xi32>], vector<16xf32>,
          %add3A_508 = arith.constant 19200 : i32
          %add3A_509 = vector.broadcast %add3A_508 : i32 to vector<16xi32>
          %add3A_510 = arith.addi %add3A_332, %add3A_509 : vector<16xi32>
          %gather3A_511 = tpu.vector_load_idx %arg6[%add3A_510] : memref<25600xf32, #tpu.memory_space<vmem>>[vector<16xi32>], vector<16xf32>,
          %mul3A_512 = arith.mulf %mul3A_310, %gather3A_499 : vector<16xf32>
          %mul3A_513 = arith.mulf %mul3A_311, %gather3A_503 : vector<16xf32>
          %add3A_514 = arith.addf %mul3A_512, %mul3A_513 : vector<16xf32>
          %mul3A_515 = arith.mulf %mul3A_312, %gather3A_507 : vector<16xf32>
          %mul3A_516 = arith.mulf %mul3A_313, %gather3A_511 : vector<16xf32>
          %add3A_517 = arith.addf %mul3A_515, %mul3A_516 : vector<16xf32>
          %add3A_518 = arith.addf %add3A_514, %add3A_517 : vector<16xf32>
          %swap3A_519 = arith.constant 6 : i32
          %swap3A_520 = arith.index_cast %swap3A_519 : i32 to index
          %swap3A_521 = arith.index_cast %mul3A_248 : i32 to index
          %swap3A_522 = tpu.vector_load %arg12[%swap3A_520, %swap3A_521] {strides = array<i32>} : memref<8x4000xf32, #tpu.memory_space<vmem>>, vector<16xf32>,
          tpu.vector_store %arg12[%swap3A_520, %swap3A_521], %add3A_518 {strides = array<i32>} : memref<8x4000xf32, #tpu.memory_space<vmem>>, vector<16xf32>,
          %add3A_523 = arith.constant 22400 : i32
          %add3A_524 = vector.broadcast %add3A_523 : i32 to vector<16xi32>
          %add3A_525 = arith.addi %select_n3A_320, %add3A_524 : vector<16xi32>
          %gather3A_526 = tpu.vector_load_idx %arg6[%add3A_525] : memref<25600xf32, #tpu.memory_space<vmem>>[vector<16xi32>], vector<16xf32>,
          %add3A_527 = arith.constant 22400 : i32
          %add3A_528 = vector.broadcast %add3A_527 : i32 to vector<16xi32>
          %add3A_529 = arith.addi %add3A_323, %add3A_528 : vector<16xi32>
          %gather3A_530 = tpu.vector_load_idx %arg6[%add3A_529] : memref<25600xf32, #tpu.memory_space<vmem>>[vector<16xi32>], vector<16xf32>,
          %add3A_531 = arith.constant 22400 : i32
          %add3A_532 = vector.broadcast %add3A_531 : i32 to vector<16xi32>
          %add3A_533 = arith.addi %add3A_326, %add3A_532 : vector<16xi32>
          %gather3A_534 = tpu.vector_load_idx %arg6[%add3A_533] : memref<25600xf32, #tpu.memory_space<vmem>>[vector<16xi32>], vector<16xf32>,
          %add3A_535 = arith.constant 22400 : i32
          %add3A_536 = vector.broadcast %add3A_535 : i32 to vector<16xi32>
          %add3A_537 = arith.addi %add3A_332, %add3A_536 : vector<16xi32>
          %gather3A_538 = tpu.vector_load_idx %arg6[%add3A_537] : memref<25600xf32, #tpu.memory_space<vmem>>[vector<16xi32>], vector<16xf32>,
          %mul3A_539 = arith.mulf %mul3A_310, %gather3A_526 : vector<16xf32>
          %mul3A_540 = arith.mulf %mul3A_311, %gather3A_530 : vector<16xf32>
          %add3A_541 = arith.addf %mul3A_539, %mul3A_540 : vector<16xf32>
          %mul3A_542 = arith.mulf %mul3A_312, %gather3A_534 : vector<16xf32>
          %mul3A_543 = arith.mulf %mul3A_313, %gather3A_538 : vector<16xf32>
          %add3A_544 = arith.addf %mul3A_542, %mul3A_543 : vector<16xf32>
          %add3A_545 = arith.addf %add3A_541, %add3A_544 : vector<16xf32>
          %swap3A_546 = arith.constant 7 : i32
          %swap3A_547 = arith.index_cast %swap3A_546 : i32 to index
          %swap3A_548 = arith.index_cast %mul3A_248 : i32 to index
          %swap3A_549 = tpu.vector_load %arg12[%swap3A_547, %swap3A_548] {strides = array<i32>} : memref<8x4000xf32, #tpu.memory_space<vmem>>, vector<16xf32>,
          tpu.vector_store %arg12[%swap3A_547, %swap3A_548], %add3A_545 {strides = array<i32>} : memref<8x4000xf32, #tpu.memory_space<vmem>>, vector<16xf32>,
          %cond3A_550 = arith.constant 0 : i32
          scf.yield %cond3A_550 : i32
        } else {
          %swap3A = arith.constant 1 : i32
          %swap3A_291 = arith.index_cast %scan3A_245 : i32 to index
          %swap3A_292 = memref.load %arg13[%swap3A_291] : memref<250xi32, #tpu.memory_space<smem>>
          memref.store %swap3A, %arg13[%swap3A_291] : memref<250xi32, #tpu.memory_space<smem>>
          %swap3A_293 = arith.constant 0 : i32
          %swap3A_294 = arith.index_cast %swap3A_293 : i32 to index
          %swap3A_295 = arith.index_cast %mul3A_248 : i32 to index
          %swap3A_296 = tpu.vector_load %arg12[%swap3A_294, %swap3A_295] {strides = array<i32>} : memref<8x4000xf32, #tpu.memory_space<vmem>>, vector<16xf32>,
          tpu.vector_store %arg12[%swap3A_294, %swap3A_295], %broadcast_in_dim3A_1 {strides = array<i32>} : memref<8x4000xf32, #tpu.memory_space<vmem>>, vector<16xf32>,
          %swap3A_297 = arith.constant 1 : i32
          %swap3A_298 = arith.index_cast %swap3A_297 : i32 to index
          %swap3A_299 = arith.index_cast %mul3A_248 : i32 to index
          %swap3A_300 = tpu.vector_load %arg12[%swap3A_298, %swap3A_299] {strides = array<i32>} : memref<8x4000xf32, #tpu.memory_space<vmem>>, vector<16xf32>,
          tpu.vector_store %arg12[%swap3A_298, %swap3A_299], %broadcast_in_dim3A_1 {strides = array<i32>} : memref<8x4000xf32, #tpu.memory_space<vmem>>, vector<16xf32>,
          %swap3A_301 = arith.constant 2 : i32
          %swap3A_302 = arith.index_cast %swap3A_301 : i32 to index
          %swap3A_303 = arith.index_cast %mul3A_248 : i32 to index
          %swap3A_304 = tpu.vector_load %arg12[%swap3A_302, %swap3A_303] {strides = array<i32>} : memref<8x4000xf32, #tpu.memory_space<vmem>>, vector<16xf32>,
          tpu.vector_store %arg12[%swap3A_302, %swap3A_303], %broadcast_in_dim3A_1 {strides = array<i32>} : memref<8x4000xf32, #tpu.memory_space<vmem>>, vector<16xf32>,
          %swap3A_305 = arith.constant 3 : i32
          %swap3A_306 = arith.index_cast %swap3A_305 : i32 to index
          %swap3A_307 = arith.index_cast %mul3A_248 : i32 to index
          %swap3A_308 = tpu.vector_load %arg12[%swap3A_306, %swap3A_307] {strides = array<i32>} : memref<8x4000xf32, #tpu.memory_space<vmem>>, vector<16xf32>,
          tpu.vector_store %arg12[%swap3A_306, %swap3A_307], %broadcast_in_dim3A_1 {strides = array<i32>} : memref<8x4000xf32, #tpu.memory_space<vmem>>, vector<16xf32>,
          %swap3A_309 = arith.constant 4 : i32
          %swap3A_310 = arith.index_cast %swap3A_309 : i32 to index
          %swap3A_311 = arith.index_cast %mul3A_248 : i32 to index
          %swap3A_312 = tpu.vector_load %arg12[%swap3A_310, %swap3A_311] {strides = array<i32>} : memref<8x4000xf32, #tpu.memory_space<vmem>>, vector<16xf32>,
          tpu.vector_store %arg12[%swap3A_310, %swap3A_311], %broadcast_in_dim3A_1 {strides = array<i32>} : memref<8x4000xf32, #tpu.memory_space<vmem>>, vector<16xf32>,
          %swap3A_313 = arith.constant 5 : i32
          %swap3A_314 = arith.index_cast %swap3A_313 : i32 to index
          %swap3A_315 = arith.index_cast %mul3A_248 : i32 to index
          %swap3A_316 = tpu.vector_load %arg12[%swap3A_314, %swap3A_315] {strides = array<i32>} : memref<8x4000xf32, #tpu.memory_space<vmem>>, vector<16xf32>,
          tpu.vector_store %arg12[%swap3A_314, %swap3A_315], %broadcast_in_dim3A_1 {strides = array<i32>} : memref<8x4000xf32, #tpu.memory_space<vmem>>, vector<16xf32>,
          %swap3A_317 = arith.constant 6 : i32
          %swap3A_318 = arith.index_cast %swap3A_317 : i32 to index
          %swap3A_319 = arith.index_cast %mul3A_248 : i32 to index
          %swap3A_320 = tpu.vector_load %arg12[%swap3A_318, %swap3A_319] {strides = array<i32>} : memref<8x4000xf32, #tpu.memory_space<vmem>>, vector<16xf32>,
          tpu.vector_store %arg12[%swap3A_318, %swap3A_319], %broadcast_in_dim3A_1 {strides = array<i32>} : memref<8x4000xf32, #tpu.memory_space<vmem>>, vector<16xf32>,
          %swap3A_321 = arith.constant 7 : i32
          %swap3A_322 = arith.index_cast %swap3A_321 : i32 to index
          %swap3A_323 = arith.index_cast %mul3A_248 : i32 to index
          %swap3A_324 = tpu.vector_load %arg12[%swap3A_322, %swap3A_323] {strides = array<i32>} : memref<8x4000xf32, #tpu.memory_space<vmem>>, vector<16xf32>,
          tpu.vector_store %arg12[%swap3A_322, %swap3A_323], %broadcast_in_dim3A_1 {strides = array<i32>} : memref<8x4000xf32, #tpu.memory_space<vmem>>, vector<16xf32>,
          %cond3A_325 = arith.constant 0 : i32
          scf.yield %cond3A_325 : i32
        }
        %scan3A_290 = arith.constant 0 : i32
        scf.yield %scan3A_290 : i32
      }
      %scan3A_77 = arith.constant 250 : i32
      %dma_wait3A_78 = tpu.memref_slice %arg2[%mul3A_58] : memref<4915200xf32, #tpu.memory_space<hbm>> -> memref<25600xf32, #tpu.memory_space<hbm>>
      %dma_wait3A_79 = tpu.memref_slice %arg2[%mul3A_58] : memref<4915200xf32, #tpu.memory_space<hbm>> -> memref<25600xf32, #tpu.memory_space<hbm>>
      tpu.wait_dma2 semaphore(%arg15 : memref<!tpu.dma_semaphore, #tpu.memory_space<semaphore_mem>>) src(%dma_wait3A_79 : memref<25600xf32, #tpu.memory_space<hbm>>) dst(%arg7 : memref<25600xf32, #tpu.memory_space<vmem>>)
      %dma_wait3A_80 = tpu.memref_slice %arg3[%add3A_63] : memref<480000xf32, #tpu.memory_space<hbm>> -> memref<4000xf32, #tpu.memory_space<hbm>>
      %dma_wait3A_81 = tpu.memref_slice %arg3[%add3A_63] : memref<480000xf32, #tpu.memory_space<hbm>> -> memref<4000xf32, #tpu.memory_space<hbm>>
      tpu.wait_dma2 semaphore(%arg15 : memref<!tpu.dma_semaphore, #tpu.memory_space<semaphore_mem>>) src(%dma_wait3A_81 : memref<4000xf32, #tpu.memory_space<hbm>>) dst(%arg9 : memref<4000xf32, #tpu.memory_space<vmem>>)
      %dma_wait3A_82 = tpu.memref_slice %arg4[%add3A_68] : memref<480000xf32, #tpu.memory_space<hbm>> -> memref<4000xf32, #tpu.memory_space<hbm>>
      %dma_wait3A_83 = tpu.memref_slice %arg4[%add3A_68] : memref<480000xf32, #tpu.memory_space<hbm>> -> memref<4000xf32, #tpu.memory_space<hbm>>
      tpu.wait_dma2 semaphore(%arg15 : memref<!tpu.dma_semaphore, #tpu.memory_space<semaphore_mem>>) src(%dma_wait3A_83 : memref<4000xf32, #tpu.memory_space<hbm>>) dst(%arg11 : memref<4000xf32, #tpu.memory_space<vmem>>)
      %mul3A_84 = arith.constant 6 : i32
      %mul3A_85 = arith.muli %div3A_18, %mul3A_84 : i32
      %add3A_86 = arith.constant 2 : i32
      %add3A_87 = arith.addi %mul3A_85, %add3A_86 : i32
      %mul3A_88 = arith.constant 64 : i32
      %mul3A_89 = arith.muli %add3A_87, %mul3A_88 : i32
      %mul3A_90 = arith.constant 8 : i32
      %mul3A_91 = arith.muli %rem3A_16, %mul3A_90 : i32
      %add3A_92 = arith.addi %mul3A_89, %mul3A_91 : i32
      %mul3A_93 = arith.constant 3200 : i32
      %mul3A_94 = arith.muli %add3A_92, %mul3A_93 : i32
      %dma_start3A_95 = tpu.memref_slice %arg2[%mul3A_94] : memref<4915200xf32, #tpu.memory_space<hbm>> -> memref<25600xf32, #tpu.memory_space<hbm>>
      %dma_start3A_96 = tpu.memref_slice %arg2[%mul3A_94] : memref<4915200xf32, #tpu.memory_space<hbm>> -> memref<25600xf32, #tpu.memory_space<hbm>>
      tpu.enqueue_dma source(%dma_start3A_96 : memref<25600xf32, #tpu.memory_space<hbm>>) target(%arg6 : memref<25600xf32, #tpu.memory_space<vmem>>) target_semaphore(%arg14 : memref<!tpu.dma_semaphore, #tpu.memory_space<semaphore_mem>>)
      %mul3A_97 = arith.constant 20000 : i32
      %mul3A_98 = arith.muli %add3A_87, %mul3A_97 : i32
      %add3A_99 = arith.addi %mul3A_98, %mul3A_20 : i32
      %dma_start3A_100 = tpu.memref_slice %arg3[%add3A_99] : memref<480000xf32, #tpu.memory_space<hbm>> -> memref<4000xf32, #tpu.memory_space<hbm>>
      %dma_start3A_101 = tpu.memref_slice %arg3[%add3A_99] : memref<480000xf32, #tpu.memory_space<hbm>> -> memref<4000xf32, #tpu.memory_space<hbm>>
      tpu.enqueue_dma source(%dma_start3A_101 : memref<4000xf32, #tpu.memory_space<hbm>>) target(%arg8 : memref<4000xf32, #tpu.memory_space<vmem>>) target_semaphore(%arg14 : memref<!tpu.dma_semaphore, #tpu.memory_space<semaphore_mem>>)
      %mul3A_102 = arith.constant 20000 : i32
      %mul3A_103 = arith.muli %add3A_87, %mul3A_102 : i32
      %add3A_104 = arith.addi %mul3A_103, %mul3A_20 : i32
      %dma_start3A_105 = tpu.memref_slice %arg4[%add3A_104] : memref<480000xf32, #tpu.memory_space<hbm>> -> memref<4000xf32, #tpu.memory_space<hbm>>
      %dma_start3A_106 = tpu.memref_slice %arg4[%add3A_104] : memref<480000xf32, #tpu.memory_space<hbm>> -> memref<4000xf32, #tpu.memory_space<hbm>>
      tpu.enqueue_dma source(%dma_start3A_106 : memref<4000xf32, #tpu.memory_space<hbm>>) target(%arg10 : memref<4000xf32, #tpu.memory_space<vmem>>) target_semaphore(%arg14 : memref<!tpu.dma_semaphore, #tpu.memory_space<semaphore_mem>>)
      %scan3A_107 = arith.constant 0 : i32
      %scan3A_108 = arith.constant 0 : i32
      %scan3A_109 = arith.constant 250 : i32
      %scan3A_110 = arith.addi %scan3A_108, %scan3A_109 : i32
      %scan3A_111 = arith.constant 1 : i32
      %scan3A_112 = scf.for %scan3A_245 = %scan3A_108 to %scan3A_110 step %scan3A_111 iter_args(%scan3A_246 = %scan3A_107) -> (i32)  : i32 {
        %mul3A_247 = arith.constant 16 : i32
        %mul3A_248 = arith.muli %scan3A_245, %mul3A_247 : i32
        %get3A = arith.index_cast %mul3A_248 : i32 to index
        %get3A_249 = tpu.vector_load %arg9[%get3A] {strides = array<i32>} : memref<4000xf32, #tpu.memory_space<vmem>>, vector<16xf32>,
        %jit3A = arith.constant -4.000000e+04 : f32
        %jit3A_250 = arith.constant 4.000000e+04 : f32
        %max3A = vector.broadcast %jit3A : f32 to vector<16xf32>
        %max3A_251 = arith.maximumf %max3A, %get3A_249 : vector<16xf32>
        %min3A = vector.broadcast %jit3A_250 : f32 to vector<16xf32>
        %min3A_252 = arith.minimumf %min3A, %max3A_251 : vector<16xf32>
        %get3A_253 = arith.index_cast %mul3A_248 : i32 to index
        %get3A_254 = tpu.vector_load %arg11[%get3A_253] {strides = array<i32>} : memref<4000xf32, #tpu.memory_space<vmem>>, vector<16xf32>,
        %jit3A_255 = arith.constant -4.000000e+04 : f32
        %jit3A_256 = arith.constant 4.000000e+04 : f32
        %max3A_257 = vector.broadcast %jit3A_255 : f32 to vector<16xf32>
        %max3A_258 = arith.maximumf %max3A_257, %get3A_254 : vector<16xf32>
        %min3A_259 = vector.broadcast %jit3A_256 : f32 to vector<16xf32>
        %min3A_260 = arith.minimumf %min3A_259, %max3A_258 : vector<16xf32>
        %convert_element_type3A = arith.fptosi %min3A_252 : vector<16xf32> to vector<16xi32>
        %convert_element_type3A_261 = arith.fptosi %min3A_260 : vector<16xf32> to vector<16xi32>
        %convert_element_type3A_262 = arith.sitofp %convert_element_type3A : vector<16xi32> to vector<16xf32>
        %lt3A = arith.cmpf olt, %min3A_252, %convert_element_type3A_262 : vector<16xf32>
        %sub3A = arith.constant 1 : i32
        %sub3A_263 = vector.broadcast %sub3A : i32 to vector<16xi32>
        %sub3A_264 = arith.subi %convert_element_type3A, %sub3A_263 : vector<16xi32>
        %select_n3A = arith.select %lt3A, %sub3A_264, %convert_element_type3A : vector<16xi1>, vector<16xi32>
        %convert_element_type3A_265 = arith.sitofp %convert_element_type3A_261 : vector<16xi32> to vector<16xf32>
        %lt3A_266 = arith.cmpf olt, %min3A_260, %convert_element_type3A_265 : vector<16xf32>
        %sub3A_267 = arith.constant 1 : i32
        %sub3A_268 = vector.broadcast %sub3A_267 : i32 to vector<16xi32>
        %sub3A_269 = arith.subi %convert_element_type3A_261, %sub3A_268 : vector<16xi32>
        %select_n3A_270 = arith.select %lt3A_266, %sub3A_269, %convert_element_type3A_261 : vector<16xi1>, vector<16xi32>
        %le3A = arith.constant 78 : i32
        %le3A_271 = vector.broadcast %le3A : i32 to vector<16xi32>
        %le3A_272 = arith.cmpi ule, %select_n3A, %le3A_271 : vector<16xi32>
        %le3A_273 = arith.constant 38 : i32
        %le3A_274 = vector.broadcast %le3A_273 : i32 to vector<16xi32>
        %le3A_275 = arith.cmpi ule, %select_n3A_270, %le3A_274 : vector<16xi32>
        %and3A = arith.andi %le3A_272, %le3A_275 : vector<16xi1>
        %reduce_or3A = arith.constant 1.000000e+00 : f32
        %reduce_or3A_276 = arith.constant 0.000000e+00 : f32
        %reduce_or3A_277 = vector.broadcast %reduce_or3A : f32 to vector<16xf32>
        %reduce_or3A_278 = vector.broadcast %reduce_or3A_276 : f32 to vector<16xf32>
        %reduce_or3A_279 = arith.select %and3A, %reduce_or3A_277, %reduce_or3A_278 : vector<16xi1>, vector<16xf32>
        %reduce_or3A_280 = arith.constant true
        %reduce_or3A_281 = vector.broadcast %reduce_or3A_280 : i1 to vector<16xi1>
        %reduce_or3A_282 = tpu.scan <max>, %reduce_or3A_279 masked %reduce_or3A_281 : vector<16xf32>, vector<16xi1> -> vector<16xf32>
        %reduce_or3A_283 = vector.extract %reduce_or3A_282[15] : f32 from vector<16xf32>
        %reduce_or3A_284 = arith.constant 0.000000e+00 : f32
        %reduce_or3A_285 = arith.cmpf ogt, %reduce_or3A_283, %reduce_or3A_284 : f32
        %convert_element_type3A_286 = arith.extui %reduce_or3A_285 : i1 to i32
        %cond3A = arith.constant 0 : i32
        %cond3A_287 = arith.constant 0 : i32
        %cond3A_288 = arith.cmpi ne, %convert_element_type3A_286, %cond3A_287 : i32
        %cond3A_289 = scf.if %cond3A_288 -> (i32) {
          %convert_element_type3A_291 = arith.sitofp %select_n3A : vector<16xi32> to vector<16xf32>
          %convert_element_type3A_292 = arith.sitofp %select_n3A_270 : vector<16xi32> to vector<16xf32>
          %sub3A_293 = arith.subf %min3A_252, %convert_element_type3A_291 : vector<16xf32>
          %add3A_294 = arith.constant 1.000000e+00 : f32
          %add3A_295 = vector.broadcast %add3A_294 : f32 to vector<16xf32>
          %add3A_296 = arith.addf %convert_element_type3A_291, %add3A_295 : vector<16xf32>
          %sub3A_297 = arith.subf %add3A_296, %min3A_252 : vector<16xf32>
          %jit3A_298 = arith.constant 1.000000e+00 : f32
          %jit3A_299 = arith.constant 0.000000e+00 : f32
          %broadcast_in_dim3A_300 = vector.broadcast %jit3A_298 : f32 to vector<16xf32>
          %broadcast_in_dim3A_301 = vector.broadcast %jit3A_299 : f32 to vector<16xf32>
          %select_n3A_302 = arith.select %and3A, %broadcast_in_dim3A_300, %broadcast_in_dim3A_301 : vector<16xi1>, vector<16xf32>
          %sub3A_303 = arith.subf %min3A_260, %convert_element_type3A_292 : vector<16xf32>
          %mul3A_304 = arith.mulf %sub3A_303, %select_n3A_302 : vector<16xf32>
          %add3A_305 = arith.constant 1.000000e+00 : f32
          %add3A_306 = vector.broadcast %add3A_305 : f32 to vector<16xf32>
          %add3A_307 = arith.addf %convert_element_type3A_292, %add3A_306 : vector<16xf32>
          %sub3A_308 = arith.subf %add3A_307, %min3A_260 : vector<16xf32>
          %mul3A_309 = arith.mulf %sub3A_308, %select_n3A_302 : vector<16xf32>
          %mul3A_310 = arith.mulf %sub3A_297, %mul3A_309 : vector<16xf32>
          %mul3A_311 = arith.mulf %sub3A_297, %mul3A_304 : vector<16xf32>
          %mul3A_312 = arith.mulf %sub3A_293, %mul3A_309 : vector<16xf32>
          %mul3A_313 = arith.mulf %sub3A_293, %mul3A_304 : vector<16xf32>
          %mul3A_314 = arith.constant 80 : i32
          %mul3A_315 = vector.broadcast %mul3A_314 : i32 to vector<16xi32>
          %mul3A_316 = arith.muli %select_n3A_270, %mul3A_315 : vector<16xi32>
          %add3A_317 = arith.addi %mul3A_316, %select_n3A : vector<16xi32>
          %jit3A_318 = arith.constant 0 : i32
          %broadcast_in_dim3A_319 = vector.broadcast %jit3A_318 : i32 to vector<16xi32>
          %select_n3A_320 = arith.select %and3A, %add3A_317, %broadcast_in_dim3A_319 : vector<16xi1>, vector<16xi32>
          %add3A_321 = arith.constant 80 : i32
          %add3A_322 = vector.broadcast %add3A_321 : i32 to vector<16xi32>
          %add3A_323 = arith.addi %select_n3A_320, %add3A_322 : vector<16xi32>
          %add3A_324 = arith.constant 1 : i32
          %add3A_325 = vector.broadcast %add3A_324 : i32 to vector<16xi32>
          %add3A_326 = arith.addi %select_n3A_320, %add3A_325 : vector<16xi32>
          %add3A_327 = arith.constant 80 : i32
          %add3A_328 = vector.broadcast %add3A_327 : i32 to vector<16xi32>
          %add3A_329 = arith.addi %select_n3A_320, %add3A_328 : vector<16xi32>
          %add3A_330 = arith.constant 1 : i32
          %add3A_331 = vector.broadcast %add3A_330 : i32 to vector<16xi32>
          %add3A_332 = arith.addi %add3A_329, %add3A_331 : vector<16xi32>
          %add3A_333 = arith.constant 0 : i32
          %add3A_334 = vector.broadcast %add3A_333 : i32 to vector<16xi32>
          %add3A_335 = arith.addi %select_n3A_320, %add3A_334 : vector<16xi32>
          %gather3A = tpu.vector_load_idx %arg7[%add3A_335] : memref<25600xf32, #tpu.memory_space<vmem>>[vector<16xi32>], vector<16xf32>,
          %add3A_336 = arith.constant 0 : i32
          %add3A_337 = vector.broadcast %add3A_336 : i32 to vector<16xi32>
          %add3A_338 = arith.addi %add3A_323, %add3A_337 : vector<16xi32>
          %gather3A_339 = tpu.vector_load_idx %arg7[%add3A_338] : memref<25600xf32, #tpu.memory_space<vmem>>[vector<16xi32>], vector<16xf32>,
          %add3A_340 = arith.constant 0 : i32
          %add3A_341 = vector.broadcast %add3A_340 : i32 to vector<16xi32>
          %add3A_342 = arith.addi %add3A_326, %add3A_341 : vector<16xi32>
          %gather3A_343 = tpu.vector_load_idx %arg7[%add3A_342] : memref<25600xf32, #tpu.memory_space<vmem>>[vector<16xi32>], vector<16xf32>,
          %add3A_344 = arith.constant 0 : i32
          %add3A_345 = vector.broadcast %add3A_344 : i32 to vector<16xi32>
          %add3A_346 = arith.addi %add3A_332, %add3A_345 : vector<16xi32>
          %gather3A_347 = tpu.vector_load_idx %arg7[%add3A_346] : memref<25600xf32, #tpu.memory_space<vmem>>[vector<16xi32>], vector<16xf32>,
          %mul3A_348 = arith.mulf %mul3A_310, %gather3A : vector<16xf32>
          %mul3A_349 = arith.mulf %mul3A_311, %gather3A_339 : vector<16xf32>
          %add3A_350 = arith.addf %mul3A_348, %mul3A_349 : vector<16xf32>
          %mul3A_351 = arith.mulf %mul3A_312, %gather3A_343 : vector<16xf32>
          %mul3A_352 = arith.mulf %mul3A_313, %gather3A_347 : vector<16xf32>
          %add3A_353 = arith.addf %mul3A_351, %mul3A_352 : vector<16xf32>
          %add3A_354 = arith.addf %add3A_350, %add3A_353 : vector<16xf32>
          %get3A_355 = arith.constant 0 : i32
          %get3A_356 = arith.index_cast %get3A_355 : i32 to index
          %get3A_357 = arith.index_cast %mul3A_248 : i32 to index
          %get3A_358 = tpu.vector_load %arg12[%get3A_356, %get3A_357] {strides = array<i32>} : memref<8x4000xf32, #tpu.memory_space<vmem>>, vector<16xf32>,
          %max3A_359 = arith.maximumf %get3A_358, %add3A_354 : vector<16xf32>
          %swap3A = arith.constant 0 : i32
          %swap3A_360 = arith.index_cast %swap3A : i32 to index
          %swap3A_361 = arith.index_cast %mul3A_248 : i32 to index
          %swap3A_362 = tpu.vector_load %arg12[%swap3A_360, %swap3A_361] {strides = array<i32>} : memref<8x4000xf32, #tpu.memory_space<vmem>>, vector<16xf32>,
          tpu.vector_store %arg12[%swap3A_360, %swap3A_361], %max3A_359 {strides = array<i32>} : memref<8x4000xf32, #tpu.memory_space<vmem>>, vector<16xf32>,
          %add3A_363 = arith.constant 3200 : i32
          %add3A_364 = vector.broadcast %add3A_363 : i32 to vector<16xi32>
          %add3A_365 = arith.addi %select_n3A_320, %add3A_364 : vector<16xi32>
          %gather3A_366 = tpu.vector_load_idx %arg7[%add3A_365] : memref<25600xf32, #tpu.memory_space<vmem>>[vector<16xi32>], vector<16xf32>,
          %add3A_367 = arith.constant 3200 : i32
          %add3A_368 = vector.broadcast %add3A_367 : i32 to vector<16xi32>
          %add3A_369 = arith.addi %add3A_323, %add3A_368 : vector<16xi32>
          %gather3A_370 = tpu.vector_load_idx %arg7[%add3A_369] : memref<25600xf32, #tpu.memory_space<vmem>>[vector<16xi32>], vector<16xf32>,
          %add3A_371 = arith.constant 3200 : i32
          %add3A_372 = vector.broadcast %add3A_371 : i32 to vector<16xi32>
          %add3A_373 = arith.addi %add3A_326, %add3A_372 : vector<16xi32>
          %gather3A_374 = tpu.vector_load_idx %arg7[%add3A_373] : memref<25600xf32, #tpu.memory_space<vmem>>[vector<16xi32>], vector<16xf32>,
          %add3A_375 = arith.constant 3200 : i32
          %add3A_376 = vector.broadcast %add3A_375 : i32 to vector<16xi32>
          %add3A_377 = arith.addi %add3A_332, %add3A_376 : vector<16xi32>
          %gather3A_378 = tpu.vector_load_idx %arg7[%add3A_377] : memref<25600xf32, #tpu.memory_space<vmem>>[vector<16xi32>], vector<16xf32>,
          %mul3A_379 = arith.mulf %mul3A_310, %gather3A_366 : vector<16xf32>
          %mul3A_380 = arith.mulf %mul3A_311, %gather3A_370 : vector<16xf32>
          %add3A_381 = arith.addf %mul3A_379, %mul3A_380 : vector<16xf32>
          %mul3A_382 = arith.mulf %mul3A_312, %gather3A_374 : vector<16xf32>
          %mul3A_383 = arith.mulf %mul3A_313, %gather3A_378 : vector<16xf32>
          %add3A_384 = arith.addf %mul3A_382, %mul3A_383 : vector<16xf32>
          %add3A_385 = arith.addf %add3A_381, %add3A_384 : vector<16xf32>
          %get3A_386 = arith.constant 1 : i32
          %get3A_387 = arith.index_cast %get3A_386 : i32 to index
          %get3A_388 = arith.index_cast %mul3A_248 : i32 to index
          %get3A_389 = tpu.vector_load %arg12[%get3A_387, %get3A_388] {strides = array<i32>} : memref<8x4000xf32, #tpu.memory_space<vmem>>, vector<16xf32>,
          %max3A_390 = arith.maximumf %get3A_389, %add3A_385 : vector<16xf32>
          %swap3A_391 = arith.constant 1 : i32
          %swap3A_392 = arith.index_cast %swap3A_391 : i32 to index
          %swap3A_393 = arith.index_cast %mul3A_248 : i32 to index
          %swap3A_394 = tpu.vector_load %arg12[%swap3A_392, %swap3A_393] {strides = array<i32>} : memref<8x4000xf32, #tpu.memory_space<vmem>>, vector<16xf32>,
          tpu.vector_store %arg12[%swap3A_392, %swap3A_393], %max3A_390 {strides = array<i32>} : memref<8x4000xf32, #tpu.memory_space<vmem>>, vector<16xf32>,
          %add3A_395 = arith.constant 6400 : i32
          %add3A_396 = vector.broadcast %add3A_395 : i32 to vector<16xi32>
          %add3A_397 = arith.addi %select_n3A_320, %add3A_396 : vector<16xi32>
          %gather3A_398 = tpu.vector_load_idx %arg7[%add3A_397] : memref<25600xf32, #tpu.memory_space<vmem>>[vector<16xi32>], vector<16xf32>,
          %add3A_399 = arith.constant 6400 : i32
          %add3A_400 = vector.broadcast %add3A_399 : i32 to vector<16xi32>
          %add3A_401 = arith.addi %add3A_323, %add3A_400 : vector<16xi32>
          %gather3A_402 = tpu.vector_load_idx %arg7[%add3A_401] : memref<25600xf32, #tpu.memory_space<vmem>>[vector<16xi32>], vector<16xf32>,
          %add3A_403 = arith.constant 6400 : i32
          %add3A_404 = vector.broadcast %add3A_403 : i32 to vector<16xi32>
          %add3A_405 = arith.addi %add3A_326, %add3A_404 : vector<16xi32>
          %gather3A_406 = tpu.vector_load_idx %arg7[%add3A_405] : memref<25600xf32, #tpu.memory_space<vmem>>[vector<16xi32>], vector<16xf32>,
          %add3A_407 = arith.constant 6400 : i32
          %add3A_408 = vector.broadcast %add3A_407 : i32 to vector<16xi32>
          %add3A_409 = arith.addi %add3A_332, %add3A_408 : vector<16xi32>
          %gather3A_410 = tpu.vector_load_idx %arg7[%add3A_409] : memref<25600xf32, #tpu.memory_space<vmem>>[vector<16xi32>], vector<16xf32>,
          %mul3A_411 = arith.mulf %mul3A_310, %gather3A_398 : vector<16xf32>
          %mul3A_412 = arith.mulf %mul3A_311, %gather3A_402 : vector<16xf32>
          %add3A_413 = arith.addf %mul3A_411, %mul3A_412 : vector<16xf32>
          %mul3A_414 = arith.mulf %mul3A_312, %gather3A_406 : vector<16xf32>
          %mul3A_415 = arith.mulf %mul3A_313, %gather3A_410 : vector<16xf32>
          %add3A_416 = arith.addf %mul3A_414, %mul3A_415 : vector<16xf32>
          %add3A_417 = arith.addf %add3A_413, %add3A_416 : vector<16xf32>
          %get3A_418 = arith.constant 2 : i32
          %get3A_419 = arith.index_cast %get3A_418 : i32 to index
          %get3A_420 = arith.index_cast %mul3A_248 : i32 to index
          %get3A_421 = tpu.vector_load %arg12[%get3A_419, %get3A_420] {strides = array<i32>} : memref<8x4000xf32, #tpu.memory_space<vmem>>, vector<16xf32>,
          %max3A_422 = arith.maximumf %get3A_421, %add3A_417 : vector<16xf32>
          %swap3A_423 = arith.constant 2 : i32
          %swap3A_424 = arith.index_cast %swap3A_423 : i32 to index
          %swap3A_425 = arith.index_cast %mul3A_248 : i32 to index
          %swap3A_426 = tpu.vector_load %arg12[%swap3A_424, %swap3A_425] {strides = array<i32>} : memref<8x4000xf32, #tpu.memory_space<vmem>>, vector<16xf32>,
          tpu.vector_store %arg12[%swap3A_424, %swap3A_425], %max3A_422 {strides = array<i32>} : memref<8x4000xf32, #tpu.memory_space<vmem>>, vector<16xf32>,
          %add3A_427 = arith.constant 9600 : i32
          %add3A_428 = vector.broadcast %add3A_427 : i32 to vector<16xi32>
          %add3A_429 = arith.addi %select_n3A_320, %add3A_428 : vector<16xi32>
          %gather3A_430 = tpu.vector_load_idx %arg7[%add3A_429] : memref<25600xf32, #tpu.memory_space<vmem>>[vector<16xi32>], vector<16xf32>,
          %add3A_431 = arith.constant 9600 : i32
          %add3A_432 = vector.broadcast %add3A_431 : i32 to vector<16xi32>
          %add3A_433 = arith.addi %add3A_323, %add3A_432 : vector<16xi32>
          %gather3A_434 = tpu.vector_load_idx %arg7[%add3A_433] : memref<25600xf32, #tpu.memory_space<vmem>>[vector<16xi32>], vector<16xf32>,
          %add3A_435 = arith.constant 9600 : i32
          %add3A_436 = vector.broadcast %add3A_435 : i32 to vector<16xi32>
          %add3A_437 = arith.addi %add3A_326, %add3A_436 : vector<16xi32>
          %gather3A_438 = tpu.vector_load_idx %arg7[%add3A_437] : memref<25600xf32, #tpu.memory_space<vmem>>[vector<16xi32>], vector<16xf32>,
          %add3A_439 = arith.constant 9600 : i32
          %add3A_440 = vector.broadcast %add3A_439 : i32 to vector<16xi32>
          %add3A_441 = arith.addi %add3A_332, %add3A_440 : vector<16xi32>
          %gather3A_442 = tpu.vector_load_idx %arg7[%add3A_441] : memref<25600xf32, #tpu.memory_space<vmem>>[vector<16xi32>], vector<16xf32>,
          %mul3A_443 = arith.mulf %mul3A_310, %gather3A_430 : vector<16xf32>
          %mul3A_444 = arith.mulf %mul3A_311, %gather3A_434 : vector<16xf32>
          %add3A_445 = arith.addf %mul3A_443, %mul3A_444 : vector<16xf32>
          %mul3A_446 = arith.mulf %mul3A_312, %gather3A_438 : vector<16xf32>
          %mul3A_447 = arith.mulf %mul3A_313, %gather3A_442 : vector<16xf32>
          %add3A_448 = arith.addf %mul3A_446, %mul3A_447 : vector<16xf32>
          %add3A_449 = arith.addf %add3A_445, %add3A_448 : vector<16xf32>
          %get3A_450 = arith.constant 3 : i32
          %get3A_451 = arith.index_cast %get3A_450 : i32 to index
          %get3A_452 = arith.index_cast %mul3A_248 : i32 to index
          %get3A_453 = tpu.vector_load %arg12[%get3A_451, %get3A_452] {strides = array<i32>} : memref<8x4000xf32, #tpu.memory_space<vmem>>, vector<16xf32>,
          %max3A_454 = arith.maximumf %get3A_453, %add3A_449 : vector<16xf32>
          %swap3A_455 = arith.constant 3 : i32
          %swap3A_456 = arith.index_cast %swap3A_455 : i32 to index
          %swap3A_457 = arith.index_cast %mul3A_248 : i32 to index
          %swap3A_458 = tpu.vector_load %arg12[%swap3A_456, %swap3A_457] {strides = array<i32>} : memref<8x4000xf32, #tpu.memory_space<vmem>>, vector<16xf32>,
          tpu.vector_store %arg12[%swap3A_456, %swap3A_457], %max3A_454 {strides = array<i32>} : memref<8x4000xf32, #tpu.memory_space<vmem>>, vector<16xf32>,
          %add3A_459 = arith.constant 12800 : i32
          %add3A_460 = vector.broadcast %add3A_459 : i32 to vector<16xi32>
          %add3A_461 = arith.addi %select_n3A_320, %add3A_460 : vector<16xi32>
          %gather3A_462 = tpu.vector_load_idx %arg7[%add3A_461] : memref<25600xf32, #tpu.memory_space<vmem>>[vector<16xi32>], vector<16xf32>,
          %add3A_463 = arith.constant 12800 : i32
          %add3A_464 = vector.broadcast %add3A_463 : i32 to vector<16xi32>
          %add3A_465 = arith.addi %add3A_323, %add3A_464 : vector<16xi32>
          %gather3A_466 = tpu.vector_load_idx %arg7[%add3A_465] : memref<25600xf32, #tpu.memory_space<vmem>>[vector<16xi32>], vector<16xf32>,
          %add3A_467 = arith.constant 12800 : i32
          %add3A_468 = vector.broadcast %add3A_467 : i32 to vector<16xi32>
          %add3A_469 = arith.addi %add3A_326, %add3A_468 : vector<16xi32>
          %gather3A_470 = tpu.vector_load_idx %arg7[%add3A_469] : memref<25600xf32, #tpu.memory_space<vmem>>[vector<16xi32>], vector<16xf32>,
          %add3A_471 = arith.constant 12800 : i32
          %add3A_472 = vector.broadcast %add3A_471 : i32 to vector<16xi32>
          %add3A_473 = arith.addi %add3A_332, %add3A_472 : vector<16xi32>
          %gather3A_474 = tpu.vector_load_idx %arg7[%add3A_473] : memref<25600xf32, #tpu.memory_space<vmem>>[vector<16xi32>], vector<16xf32>,
          %mul3A_475 = arith.mulf %mul3A_310, %gather3A_462 : vector<16xf32>
          %mul3A_476 = arith.mulf %mul3A_311, %gather3A_466 : vector<16xf32>
          %add3A_477 = arith.addf %mul3A_475, %mul3A_476 : vector<16xf32>
          %mul3A_478 = arith.mulf %mul3A_312, %gather3A_470 : vector<16xf32>
          %mul3A_479 = arith.mulf %mul3A_313, %gather3A_474 : vector<16xf32>
          %add3A_480 = arith.addf %mul3A_478, %mul3A_479 : vector<16xf32>
          %add3A_481 = arith.addf %add3A_477, %add3A_480 : vector<16xf32>
          %get3A_482 = arith.constant 4 : i32
          %get3A_483 = arith.index_cast %get3A_482 : i32 to index
          %get3A_484 = arith.index_cast %mul3A_248 : i32 to index
          %get3A_485 = tpu.vector_load %arg12[%get3A_483, %get3A_484] {strides = array<i32>} : memref<8x4000xf32, #tpu.memory_space<vmem>>, vector<16xf32>,
          %max3A_486 = arith.maximumf %get3A_485, %add3A_481 : vector<16xf32>
          %swap3A_487 = arith.constant 4 : i32
          %swap3A_488 = arith.index_cast %swap3A_487 : i32 to index
          %swap3A_489 = arith.index_cast %mul3A_248 : i32 to index
          %swap3A_490 = tpu.vector_load %arg12[%swap3A_488, %swap3A_489] {strides = array<i32>} : memref<8x4000xf32, #tpu.memory_space<vmem>>, vector<16xf32>,
          tpu.vector_store %arg12[%swap3A_488, %swap3A_489], %max3A_486 {strides = array<i32>} : memref<8x4000xf32, #tpu.memory_space<vmem>>, vector<16xf32>,
          %add3A_491 = arith.constant 16000 : i32
          %add3A_492 = vector.broadcast %add3A_491 : i32 to vector<16xi32>
          %add3A_493 = arith.addi %select_n3A_320, %add3A_492 : vector<16xi32>
          %gather3A_494 = tpu.vector_load_idx %arg7[%add3A_493] : memref<25600xf32, #tpu.memory_space<vmem>>[vector<16xi32>], vector<16xf32>,
          %add3A_495 = arith.constant 16000 : i32
          %add3A_496 = vector.broadcast %add3A_495 : i32 to vector<16xi32>
          %add3A_497 = arith.addi %add3A_323, %add3A_496 : vector<16xi32>
          %gather3A_498 = tpu.vector_load_idx %arg7[%add3A_497] : memref<25600xf32, #tpu.memory_space<vmem>>[vector<16xi32>], vector<16xf32>,
          %add3A_499 = arith.constant 16000 : i32
          %add3A_500 = vector.broadcast %add3A_499 : i32 to vector<16xi32>
          %add3A_501 = arith.addi %add3A_326, %add3A_500 : vector<16xi32>
          %gather3A_502 = tpu.vector_load_idx %arg7[%add3A_501] : memref<25600xf32, #tpu.memory_space<vmem>>[vector<16xi32>], vector<16xf32>,
          %add3A_503 = arith.constant 16000 : i32
          %add3A_504 = vector.broadcast %add3A_503 : i32 to vector<16xi32>
          %add3A_505 = arith.addi %add3A_332, %add3A_504 : vector<16xi32>
          %gather3A_506 = tpu.vector_load_idx %arg7[%add3A_505] : memref<25600xf32, #tpu.memory_space<vmem>>[vector<16xi32>], vector<16xf32>,
          %mul3A_507 = arith.mulf %mul3A_310, %gather3A_494 : vector<16xf32>
          %mul3A_508 = arith.mulf %mul3A_311, %gather3A_498 : vector<16xf32>
          %add3A_509 = arith.addf %mul3A_507, %mul3A_508 : vector<16xf32>
          %mul3A_510 = arith.mulf %mul3A_312, %gather3A_502 : vector<16xf32>
          %mul3A_511 = arith.mulf %mul3A_313, %gather3A_506 : vector<16xf32>
          %add3A_512 = arith.addf %mul3A_510, %mul3A_511 : vector<16xf32>
          %add3A_513 = arith.addf %add3A_509, %add3A_512 : vector<16xf32>
          %get3A_514 = arith.constant 5 : i32
          %get3A_515 = arith.index_cast %get3A_514 : i32 to index
          %get3A_516 = arith.index_cast %mul3A_248 : i32 to index
          %get3A_517 = tpu.vector_load %arg12[%get3A_515, %get3A_516] {strides = array<i32>} : memref<8x4000xf32, #tpu.memory_space<vmem>>, vector<16xf32>,
          %max3A_518 = arith.maximumf %get3A_517, %add3A_513 : vector<16xf32>
          %swap3A_519 = arith.constant 5 : i32
          %swap3A_520 = arith.index_cast %swap3A_519 : i32 to index
          %swap3A_521 = arith.index_cast %mul3A_248 : i32 to index
          %swap3A_522 = tpu.vector_load %arg12[%swap3A_520, %swap3A_521] {strides = array<i32>} : memref<8x4000xf32, #tpu.memory_space<vmem>>, vector<16xf32>,
          tpu.vector_store %arg12[%swap3A_520, %swap3A_521], %max3A_518 {strides = array<i32>} : memref<8x4000xf32, #tpu.memory_space<vmem>>, vector<16xf32>,
          %add3A_523 = arith.constant 19200 : i32
          %add3A_524 = vector.broadcast %add3A_523 : i32 to vector<16xi32>
          %add3A_525 = arith.addi %select_n3A_320, %add3A_524 : vector<16xi32>
          %gather3A_526 = tpu.vector_load_idx %arg7[%add3A_525] : memref<25600xf32, #tpu.memory_space<vmem>>[vector<16xi32>], vector<16xf32>,
          %add3A_527 = arith.constant 19200 : i32
          %add3A_528 = vector.broadcast %add3A_527 : i32 to vector<16xi32>
          %add3A_529 = arith.addi %add3A_323, %add3A_528 : vector<16xi32>
          %gather3A_530 = tpu.vector_load_idx %arg7[%add3A_529] : memref<25600xf32, #tpu.memory_space<vmem>>[vector<16xi32>], vector<16xf32>,
          %add3A_531 = arith.constant 19200 : i32
          %add3A_532 = vector.broadcast %add3A_531 : i32 to vector<16xi32>
          %add3A_533 = arith.addi %add3A_326, %add3A_532 : vector<16xi32>
          %gather3A_534 = tpu.vector_load_idx %arg7[%add3A_533] : memref<25600xf32, #tpu.memory_space<vmem>>[vector<16xi32>], vector<16xf32>,
          %add3A_535 = arith.constant 19200 : i32
          %add3A_536 = vector.broadcast %add3A_535 : i32 to vector<16xi32>
          %add3A_537 = arith.addi %add3A_332, %add3A_536 : vector<16xi32>
          %gather3A_538 = tpu.vector_load_idx %arg7[%add3A_537] : memref<25600xf32, #tpu.memory_space<vmem>>[vector<16xi32>], vector<16xf32>,
          %mul3A_539 = arith.mulf %mul3A_310, %gather3A_526 : vector<16xf32>
          %mul3A_540 = arith.mulf %mul3A_311, %gather3A_530 : vector<16xf32>
          %add3A_541 = arith.addf %mul3A_539, %mul3A_540 : vector<16xf32>
          %mul3A_542 = arith.mulf %mul3A_312, %gather3A_534 : vector<16xf32>
          %mul3A_543 = arith.mulf %mul3A_313, %gather3A_538 : vector<16xf32>
          %add3A_544 = arith.addf %mul3A_542, %mul3A_543 : vector<16xf32>
          %add3A_545 = arith.addf %add3A_541, %add3A_544 : vector<16xf32>
          %get3A_546 = arith.constant 6 : i32
          %get3A_547 = arith.index_cast %get3A_546 : i32 to index
          %get3A_548 = arith.index_cast %mul3A_248 : i32 to index
          %get3A_549 = tpu.vector_load %arg12[%get3A_547, %get3A_548] {strides = array<i32>} : memref<8x4000xf32, #tpu.memory_space<vmem>>, vector<16xf32>,
          %max3A_550 = arith.maximumf %get3A_549, %add3A_545 : vector<16xf32>
          %swap3A_551 = arith.constant 6 : i32
          %swap3A_552 = arith.index_cast %swap3A_551 : i32 to index
          %swap3A_553 = arith.index_cast %mul3A_248 : i32 to index
          %swap3A_554 = tpu.vector_load %arg12[%swap3A_552, %swap3A_553] {strides = array<i32>} : memref<8x4000xf32, #tpu.memory_space<vmem>>, vector<16xf32>,
          tpu.vector_store %arg12[%swap3A_552, %swap3A_553], %max3A_550 {strides = array<i32>} : memref<8x4000xf32, #tpu.memory_space<vmem>>, vector<16xf32>,
          %add3A_555 = arith.constant 22400 : i32
          %add3A_556 = vector.broadcast %add3A_555 : i32 to vector<16xi32>
          %add3A_557 = arith.addi %select_n3A_320, %add3A_556 : vector<16xi32>
          %gather3A_558 = tpu.vector_load_idx %arg7[%add3A_557] : memref<25600xf32, #tpu.memory_space<vmem>>[vector<16xi32>], vector<16xf32>,
          %add3A_559 = arith.constant 22400 : i32
          %add3A_560 = vector.broadcast %add3A_559 : i32 to vector<16xi32>
          %add3A_561 = arith.addi %add3A_323, %add3A_560 : vector<16xi32>
          %gather3A_562 = tpu.vector_load_idx %arg7[%add3A_561] : memref<25600xf32, #tpu.memory_space<vmem>>[vector<16xi32>], vector<16xf32>,
          %add3A_563 = arith.constant 22400 : i32
          %add3A_564 = vector.broadcast %add3A_563 : i32 to vector<16xi32>
          %add3A_565 = arith.addi %add3A_326, %add3A_564 : vector<16xi32>
          %gather3A_566 = tpu.vector_load_idx %arg7[%add3A_565] : memref<25600xf32, #tpu.memory_space<vmem>>[vector<16xi32>], vector<16xf32>,
          %add3A_567 = arith.constant 22400 : i32
          %add3A_568 = vector.broadcast %add3A_567 : i32 to vector<16xi32>
          %add3A_569 = arith.addi %add3A_332, %add3A_568 : vector<16xi32>
          %gather3A_570 = tpu.vector_load_idx %arg7[%add3A_569] : memref<25600xf32, #tpu.memory_space<vmem>>[vector<16xi32>], vector<16xf32>,
          %mul3A_571 = arith.mulf %mul3A_310, %gather3A_558 : vector<16xf32>
          %mul3A_572 = arith.mulf %mul3A_311, %gather3A_562 : vector<16xf32>
          %add3A_573 = arith.addf %mul3A_571, %mul3A_572 : vector<16xf32>
          %mul3A_574 = arith.mulf %mul3A_312, %gather3A_566 : vector<16xf32>
          %mul3A_575 = arith.mulf %mul3A_313, %gather3A_570 : vector<16xf32>
          %add3A_576 = arith.addf %mul3A_574, %mul3A_575 : vector<16xf32>
          %add3A_577 = arith.addf %add3A_573, %add3A_576 : vector<16xf32>
          %get3A_578 = arith.constant 7 : i32
          %get3A_579 = arith.index_cast %get3A_578 : i32 to index
          %get3A_580 = arith.index_cast %mul3A_248 : i32 to index
          %get3A_581 = tpu.vector_load %arg12[%get3A_579, %get3A_580] {strides = array<i32>} : memref<8x4000xf32, #tpu.memory_space<vmem>>, vector<16xf32>,
          %max3A_582 = arith.maximumf %get3A_581, %add3A_577 : vector<16xf32>
          %swap3A_583 = arith.constant 7 : i32
          %swap3A_584 = arith.index_cast %swap3A_583 : i32 to index
          %swap3A_585 = arith.index_cast %mul3A_248 : i32 to index
          %swap3A_586 = tpu.vector_load %arg12[%swap3A_584, %swap3A_585] {strides = array<i32>} : memref<8x4000xf32, #tpu.memory_space<vmem>>, vector<16xf32>,
          tpu.vector_store %arg12[%swap3A_584, %swap3A_585], %max3A_582 {strides = array<i32>} : memref<8x4000xf32, #tpu.memory_space<vmem>>, vector<16xf32>,
          %cond3A_587 = arith.constant 0 : i32
          scf.yield %cond3A_587 : i32
        } else {
          %swap3A = arith.constant 1 : i32
          %swap3A_291 = arith.index_cast %scan3A_245 : i32 to index
          %swap3A_292 = memref.load %arg13[%swap3A_291] : memref<250xi32, #tpu.memory_space<smem>>
          memref.store %swap3A, %arg13[%swap3A_291] : memref<250xi32, #tpu.memory_space<smem>>
          %cond3A_293 = arith.constant 0 : i32
          scf.yield %cond3A_293 : i32
        }
        %scan3A_290 = arith.constant 0 : i32
        scf.yield %scan3A_290 : i32
      }
      %scan3A_113 = arith.constant 250 : i32
      %dma_wait3A_114 = tpu.memref_slice %arg2[%mul3A_94] : memref<4915200xf32, #tpu.memory_space<hbm>> -> memref<25600xf32, #tpu.memory_space<hbm>>
      %dma_wait3A_115 = tpu.memref_slice %arg2[%mul3A_94] : memref<4915200xf32, #tpu.memory_space<hbm>> -> memref<25600xf32, #tpu.memory_space<hbm>>
      tpu.wait_dma2 semaphore(%arg14 : memref<!tpu.dma_semaphore, #tpu.memory_space<semaphore_mem>>) src(%dma_wait3A_115 : memref<25600xf32, #tpu.memory_space<hbm>>) dst(%arg6 : memref<25600xf32, #tpu.memory_space<vmem>>)
      %dma_wait3A_116 = tpu.memref_slice %arg3[%add3A_99] : memref<480000xf32, #tpu.memory_space<hbm>> -> memref<4000xf32, #tpu.memory_space<hbm>>
      %dma_wait3A_117 = tpu.memref_slice %arg3[%add3A_99] : memref<480000xf32, #tpu.memory_space<hbm>> -> memref<4000xf32, #tpu.memory_space<hbm>>
      tpu.wait_dma2 semaphore(%arg14 : memref<!tpu.dma_semaphore, #tpu.memory_space<semaphore_mem>>) src(%dma_wait3A_117 : memref<4000xf32, #tpu.memory_space<hbm>>) dst(%arg8 : memref<4000xf32, #tpu.memory_space<vmem>>)
      %dma_wait3A_118 = tpu.memref_slice %arg4[%add3A_104] : memref<480000xf32, #tpu.memory_space<hbm>> -> memref<4000xf32, #tpu.memory_space<hbm>>
      %dma_wait3A_119 = tpu.memref_slice %arg4[%add3A_104] : memref<480000xf32, #tpu.memory_space<hbm>> -> memref<4000xf32, #tpu.memory_space<hbm>>
      tpu.wait_dma2 semaphore(%arg14 : memref<!tpu.dma_semaphore, #tpu.memory_space<semaphore_mem>>) src(%dma_wait3A_119 : memref<4000xf32, #tpu.memory_space<hbm>>) dst(%arg10 : memref<4000xf32, #tpu.memory_space<vmem>>)
      %mul3A_120 = arith.constant 6 : i32
      %mul3A_121 = arith.muli %div3A_18, %mul3A_120 : i32
      %add3A_122 = arith.constant 3 : i32
      %add3A_123 = arith.addi %mul3A_121, %add3A_122 : i32
      %mul3A_124 = arith.constant 64 : i32
      %mul3A_125 = arith.muli %add3A_123, %mul3A_124 : i32
      %mul3A_126 = arith.constant 8 : i32
      %mul3A_127 = arith.muli %rem3A_16, %mul3A_126 : i32
      %add3A_128 = arith.addi %mul3A_125, %mul3A_127 : i32
      %mul3A_129 = arith.constant 3200 : i32
      %mul3A_130 = arith.muli %add3A_128, %mul3A_129 : i32
      %dma_start3A_131 = tpu.memref_slice %arg2[%mul3A_130] : memref<4915200xf32, #tpu.memory_space<hbm>> -> memref<25600xf32, #tpu.memory_space<hbm>>
      %dma_start3A_132 = tpu.memref_slice %arg2[%mul3A_130] : memref<4915200xf32, #tpu.memory_space<hbm>> -> memref<25600xf32, #tpu.memory_space<hbm>>
      tpu.enqueue_dma source(%dma_start3A_132 : memref<25600xf32, #tpu.memory_space<hbm>>) target(%arg7 : memref<25600xf32, #tpu.memory_space<vmem>>) target_semaphore(%arg15 : memref<!tpu.dma_semaphore, #tpu.memory_space<semaphore_mem>>)
      %mul3A_133 = arith.constant 20000 : i32
      %mul3A_134 = arith.muli %add3A_123, %mul3A_133 : i32
      %add3A_135 = arith.addi %mul3A_134, %mul3A_20 : i32
      %dma_start3A_136 = tpu.memref_slice %arg3[%add3A_135] : memref<480000xf32, #tpu.memory_space<hbm>> -> memref<4000xf32, #tpu.memory_space<hbm>>
      %dma_start3A_137 = tpu.memref_slice %arg3[%add3A_135] : memref<480000xf32, #tpu.memory_space<hbm>> -> memref<4000xf32, #tpu.memory_space<hbm>>
      tpu.enqueue_dma source(%dma_start3A_137 : memref<4000xf32, #tpu.memory_space<hbm>>) target(%arg9 : memref<4000xf32, #tpu.memory_space<vmem>>) target_semaphore(%arg15 : memref<!tpu.dma_semaphore, #tpu.memory_space<semaphore_mem>>)
      %mul3A_138 = arith.constant 20000 : i32
      %mul3A_139 = arith.muli %add3A_123, %mul3A_138 : i32
      %add3A_140 = arith.addi %mul3A_139, %mul3A_20 : i32
      %dma_start3A_141 = tpu.memref_slice %arg4[%add3A_140] : memref<480000xf32, #tpu.memory_space<hbm>> -> memref<4000xf32, #tpu.memory_space<hbm>>
      %dma_start3A_142 = tpu.memref_slice %arg4[%add3A_140] : memref<480000xf32, #tpu.memory_space<hbm>> -> memref<4000xf32, #tpu.memory_space<hbm>>
      tpu.enqueue_dma source(%dma_start3A_142 : memref<4000xf32, #tpu.memory_space<hbm>>) target(%arg11 : memref<4000xf32, #tpu.memory_space<vmem>>) target_semaphore(%arg15 : memref<!tpu.dma_semaphore, #tpu.memory_space<semaphore_mem>>)
      %scan3A_143 = arith.constant 0 : i32
      %scan3A_144 = arith.constant 0 : i32
      %scan3A_145 = arith.constant 250 : i32
      %scan3A_146 = arith.addi %scan3A_144, %scan3A_145 : i32
      %scan3A_147 = arith.constant 1 : i32
      %scan3A_148 = scf.for %scan3A_245 = %scan3A_144 to %scan3A_146 step %scan3A_147 iter_args(%scan3A_246 = %scan3A_143) -> (i32)  : i32 {
        %mul3A_247 = arith.constant 16 : i32
        %mul3A_248 = arith.muli %scan3A_245, %mul3A_247 : i32
        %get3A = arith.index_cast %mul3A_248 : i32 to index
        %get3A_249 = tpu.vector_load %arg8[%get3A] {strides = array<i32>} : memref<4000xf32, #tpu.memory_space<vmem>>, vector<16xf32>,
        %jit3A = arith.constant -4.000000e+04 : f32
        %jit3A_250 = arith.constant 4.000000e+04 : f32
        %max3A = vector.broadcast %jit3A : f32 to vector<16xf32>
        %max3A_251 = arith.maximumf %max3A, %get3A_249 : vector<16xf32>
        %min3A = vector.broadcast %jit3A_250 : f32 to vector<16xf32>
        %min3A_252 = arith.minimumf %min3A, %max3A_251 : vector<16xf32>
        %get3A_253 = arith.index_cast %mul3A_248 : i32 to index
        %get3A_254 = tpu.vector_load %arg10[%get3A_253] {strides = array<i32>} : memref<4000xf32, #tpu.memory_space<vmem>>, vector<16xf32>,
        %jit3A_255 = arith.constant -4.000000e+04 : f32
        %jit3A_256 = arith.constant 4.000000e+04 : f32
        %max3A_257 = vector.broadcast %jit3A_255 : f32 to vector<16xf32>
        %max3A_258 = arith.maximumf %max3A_257, %get3A_254 : vector<16xf32>
        %min3A_259 = vector.broadcast %jit3A_256 : f32 to vector<16xf32>
        %min3A_260 = arith.minimumf %min3A_259, %max3A_258 : vector<16xf32>
        %convert_element_type3A = arith.fptosi %min3A_252 : vector<16xf32> to vector<16xi32>
        %convert_element_type3A_261 = arith.fptosi %min3A_260 : vector<16xf32> to vector<16xi32>
        %convert_element_type3A_262 = arith.sitofp %convert_element_type3A : vector<16xi32> to vector<16xf32>
        %lt3A = arith.cmpf olt, %min3A_252, %convert_element_type3A_262 : vector<16xf32>
        %sub3A = arith.constant 1 : i32
        %sub3A_263 = vector.broadcast %sub3A : i32 to vector<16xi32>
        %sub3A_264 = arith.subi %convert_element_type3A, %sub3A_263 : vector<16xi32>
        %select_n3A = arith.select %lt3A, %sub3A_264, %convert_element_type3A : vector<16xi1>, vector<16xi32>
        %convert_element_type3A_265 = arith.sitofp %convert_element_type3A_261 : vector<16xi32> to vector<16xf32>
        %lt3A_266 = arith.cmpf olt, %min3A_260, %convert_element_type3A_265 : vector<16xf32>
        %sub3A_267 = arith.constant 1 : i32
        %sub3A_268 = vector.broadcast %sub3A_267 : i32 to vector<16xi32>
        %sub3A_269 = arith.subi %convert_element_type3A_261, %sub3A_268 : vector<16xi32>
        %select_n3A_270 = arith.select %lt3A_266, %sub3A_269, %convert_element_type3A_261 : vector<16xi1>, vector<16xi32>
        %le3A = arith.constant 78 : i32
        %le3A_271 = vector.broadcast %le3A : i32 to vector<16xi32>
        %le3A_272 = arith.cmpi ule, %select_n3A, %le3A_271 : vector<16xi32>
        %le3A_273 = arith.constant 38 : i32
        %le3A_274 = vector.broadcast %le3A_273 : i32 to vector<16xi32>
        %le3A_275 = arith.cmpi ule, %select_n3A_270, %le3A_274 : vector<16xi32>
        %and3A = arith.andi %le3A_272, %le3A_275 : vector<16xi1>
        %reduce_or3A = arith.constant 1.000000e+00 : f32
        %reduce_or3A_276 = arith.constant 0.000000e+00 : f32
        %reduce_or3A_277 = vector.broadcast %reduce_or3A : f32 to vector<16xf32>
        %reduce_or3A_278 = vector.broadcast %reduce_or3A_276 : f32 to vector<16xf32>
        %reduce_or3A_279 = arith.select %and3A, %reduce_or3A_277, %reduce_or3A_278 : vector<16xi1>, vector<16xf32>
        %reduce_or3A_280 = arith.constant true
        %reduce_or3A_281 = vector.broadcast %reduce_or3A_280 : i1 to vector<16xi1>
        %reduce_or3A_282 = tpu.scan <max>, %reduce_or3A_279 masked %reduce_or3A_281 : vector<16xf32>, vector<16xi1> -> vector<16xf32>
        %reduce_or3A_283 = vector.extract %reduce_or3A_282[15] : f32 from vector<16xf32>
        %reduce_or3A_284 = arith.constant 0.000000e+00 : f32
        %reduce_or3A_285 = arith.cmpf ogt, %reduce_or3A_283, %reduce_or3A_284 : f32
        %convert_element_type3A_286 = arith.extui %reduce_or3A_285 : i1 to i32
        %cond3A = arith.constant 0 : i32
        %cond3A_287 = arith.constant 0 : i32
        %cond3A_288 = arith.cmpi ne, %convert_element_type3A_286, %cond3A_287 : i32
        %cond3A_289 = scf.if %cond3A_288 -> (i32) {
          %convert_element_type3A_291 = arith.sitofp %select_n3A : vector<16xi32> to vector<16xf32>
          %convert_element_type3A_292 = arith.sitofp %select_n3A_270 : vector<16xi32> to vector<16xf32>
          %sub3A_293 = arith.subf %min3A_252, %convert_element_type3A_291 : vector<16xf32>
          %add3A_294 = arith.constant 1.000000e+00 : f32
          %add3A_295 = vector.broadcast %add3A_294 : f32 to vector<16xf32>
          %add3A_296 = arith.addf %convert_element_type3A_291, %add3A_295 : vector<16xf32>
          %sub3A_297 = arith.subf %add3A_296, %min3A_252 : vector<16xf32>
          %jit3A_298 = arith.constant 1.000000e+00 : f32
          %jit3A_299 = arith.constant 0.000000e+00 : f32
          %broadcast_in_dim3A_300 = vector.broadcast %jit3A_298 : f32 to vector<16xf32>
          %broadcast_in_dim3A_301 = vector.broadcast %jit3A_299 : f32 to vector<16xf32>
          %select_n3A_302 = arith.select %and3A, %broadcast_in_dim3A_300, %broadcast_in_dim3A_301 : vector<16xi1>, vector<16xf32>
          %sub3A_303 = arith.subf %min3A_260, %convert_element_type3A_292 : vector<16xf32>
          %mul3A_304 = arith.mulf %sub3A_303, %select_n3A_302 : vector<16xf32>
          %add3A_305 = arith.constant 1.000000e+00 : f32
          %add3A_306 = vector.broadcast %add3A_305 : f32 to vector<16xf32>
          %add3A_307 = arith.addf %convert_element_type3A_292, %add3A_306 : vector<16xf32>
          %sub3A_308 = arith.subf %add3A_307, %min3A_260 : vector<16xf32>
          %mul3A_309 = arith.mulf %sub3A_308, %select_n3A_302 : vector<16xf32>
          %mul3A_310 = arith.mulf %sub3A_297, %mul3A_309 : vector<16xf32>
          %mul3A_311 = arith.mulf %sub3A_297, %mul3A_304 : vector<16xf32>
          %mul3A_312 = arith.mulf %sub3A_293, %mul3A_309 : vector<16xf32>
          %mul3A_313 = arith.mulf %sub3A_293, %mul3A_304 : vector<16xf32>
          %mul3A_314 = arith.constant 80 : i32
          %mul3A_315 = vector.broadcast %mul3A_314 : i32 to vector<16xi32>
          %mul3A_316 = arith.muli %select_n3A_270, %mul3A_315 : vector<16xi32>
          %add3A_317 = arith.addi %mul3A_316, %select_n3A : vector<16xi32>
          %jit3A_318 = arith.constant 0 : i32
          %broadcast_in_dim3A_319 = vector.broadcast %jit3A_318 : i32 to vector<16xi32>
          %select_n3A_320 = arith.select %and3A, %add3A_317, %broadcast_in_dim3A_319 : vector<16xi1>, vector<16xi32>
          %add3A_321 = arith.constant 80 : i32
          %add3A_322 = vector.broadcast %add3A_321 : i32 to vector<16xi32>
          %add3A_323 = arith.addi %select_n3A_320, %add3A_322 : vector<16xi32>
          %add3A_324 = arith.constant 1 : i32
          %add3A_325 = vector.broadcast %add3A_324 : i32 to vector<16xi32>
          %add3A_326 = arith.addi %select_n3A_320, %add3A_325 : vector<16xi32>
          %add3A_327 = arith.constant 80 : i32
          %add3A_328 = vector.broadcast %add3A_327 : i32 to vector<16xi32>
          %add3A_329 = arith.addi %select_n3A_320, %add3A_328 : vector<16xi32>
          %add3A_330 = arith.constant 1 : i32
          %add3A_331 = vector.broadcast %add3A_330 : i32 to vector<16xi32>
          %add3A_332 = arith.addi %add3A_329, %add3A_331 : vector<16xi32>
          %add3A_333 = arith.constant 0 : i32
          %add3A_334 = vector.broadcast %add3A_333 : i32 to vector<16xi32>
          %add3A_335 = arith.addi %select_n3A_320, %add3A_334 : vector<16xi32>
          %gather3A = tpu.vector_load_idx %arg6[%add3A_335] : memref<25600xf32, #tpu.memory_space<vmem>>[vector<16xi32>], vector<16xf32>,
          %add3A_336 = arith.constant 0 : i32
          %add3A_337 = vector.broadcast %add3A_336 : i32 to vector<16xi32>
          %add3A_338 = arith.addi %add3A_323, %add3A_337 : vector<16xi32>
          %gather3A_339 = tpu.vector_load_idx %arg6[%add3A_338] : memref<25600xf32, #tpu.memory_space<vmem>>[vector<16xi32>], vector<16xf32>,
          %add3A_340 = arith.constant 0 : i32
          %add3A_341 = vector.broadcast %add3A_340 : i32 to vector<16xi32>
          %add3A_342 = arith.addi %add3A_326, %add3A_341 : vector<16xi32>
          %gather3A_343 = tpu.vector_load_idx %arg6[%add3A_342] : memref<25600xf32, #tpu.memory_space<vmem>>[vector<16xi32>], vector<16xf32>,
          %add3A_344 = arith.constant 0 : i32
          %add3A_345 = vector.broadcast %add3A_344 : i32 to vector<16xi32>
          %add3A_346 = arith.addi %add3A_332, %add3A_345 : vector<16xi32>
          %gather3A_347 = tpu.vector_load_idx %arg6[%add3A_346] : memref<25600xf32, #tpu.memory_space<vmem>>[vector<16xi32>], vector<16xf32>,
          %mul3A_348 = arith.mulf %mul3A_310, %gather3A : vector<16xf32>
          %mul3A_349 = arith.mulf %mul3A_311, %gather3A_339 : vector<16xf32>
          %add3A_350 = arith.addf %mul3A_348, %mul3A_349 : vector<16xf32>
          %mul3A_351 = arith.mulf %mul3A_312, %gather3A_343 : vector<16xf32>
          %mul3A_352 = arith.mulf %mul3A_313, %gather3A_347 : vector<16xf32>
          %add3A_353 = arith.addf %mul3A_351, %mul3A_352 : vector<16xf32>
          %add3A_354 = arith.addf %add3A_350, %add3A_353 : vector<16xf32>
          %get3A_355 = arith.constant 0 : i32
          %get3A_356 = arith.index_cast %get3A_355 : i32 to index
          %get3A_357 = arith.index_cast %mul3A_248 : i32 to index
          %get3A_358 = tpu.vector_load %arg12[%get3A_356, %get3A_357] {strides = array<i32>} : memref<8x4000xf32, #tpu.memory_space<vmem>>, vector<16xf32>,
          %max3A_359 = arith.maximumf %get3A_358, %add3A_354 : vector<16xf32>
          %swap3A = arith.constant 0 : i32
          %swap3A_360 = arith.index_cast %swap3A : i32 to index
          %swap3A_361 = arith.index_cast %mul3A_248 : i32 to index
          %swap3A_362 = tpu.vector_load %arg12[%swap3A_360, %swap3A_361] {strides = array<i32>} : memref<8x4000xf32, #tpu.memory_space<vmem>>, vector<16xf32>,
          tpu.vector_store %arg12[%swap3A_360, %swap3A_361], %max3A_359 {strides = array<i32>} : memref<8x4000xf32, #tpu.memory_space<vmem>>, vector<16xf32>,
          %add3A_363 = arith.constant 3200 : i32
          %add3A_364 = vector.broadcast %add3A_363 : i32 to vector<16xi32>
          %add3A_365 = arith.addi %select_n3A_320, %add3A_364 : vector<16xi32>
          %gather3A_366 = tpu.vector_load_idx %arg6[%add3A_365] : memref<25600xf32, #tpu.memory_space<vmem>>[vector<16xi32>], vector<16xf32>,
          %add3A_367 = arith.constant 3200 : i32
          %add3A_368 = vector.broadcast %add3A_367 : i32 to vector<16xi32>
          %add3A_369 = arith.addi %add3A_323, %add3A_368 : vector<16xi32>
          %gather3A_370 = tpu.vector_load_idx %arg6[%add3A_369] : memref<25600xf32, #tpu.memory_space<vmem>>[vector<16xi32>], vector<16xf32>,
          %add3A_371 = arith.constant 3200 : i32
          %add3A_372 = vector.broadcast %add3A_371 : i32 to vector<16xi32>
          %add3A_373 = arith.addi %add3A_326, %add3A_372 : vector<16xi32>
          %gather3A_374 = tpu.vector_load_idx %arg6[%add3A_373] : memref<25600xf32, #tpu.memory_space<vmem>>[vector<16xi32>], vector<16xf32>,
          %add3A_375 = arith.constant 3200 : i32
          %add3A_376 = vector.broadcast %add3A_375 : i32 to vector<16xi32>
          %add3A_377 = arith.addi %add3A_332, %add3A_376 : vector<16xi32>
          %gather3A_378 = tpu.vector_load_idx %arg6[%add3A_377] : memref<25600xf32, #tpu.memory_space<vmem>>[vector<16xi32>], vector<16xf32>,
          %mul3A_379 = arith.mulf %mul3A_310, %gather3A_366 : vector<16xf32>
          %mul3A_380 = arith.mulf %mul3A_311, %gather3A_370 : vector<16xf32>
          %add3A_381 = arith.addf %mul3A_379, %mul3A_380 : vector<16xf32>
          %mul3A_382 = arith.mulf %mul3A_312, %gather3A_374 : vector<16xf32>
          %mul3A_383 = arith.mulf %mul3A_313, %gather3A_378 : vector<16xf32>
          %add3A_384 = arith.addf %mul3A_382, %mul3A_383 : vector<16xf32>
          %add3A_385 = arith.addf %add3A_381, %add3A_384 : vector<16xf32>
          %get3A_386 = arith.constant 1 : i32
          %get3A_387 = arith.index_cast %get3A_386 : i32 to index
          %get3A_388 = arith.index_cast %mul3A_248 : i32 to index
          %get3A_389 = tpu.vector_load %arg12[%get3A_387, %get3A_388] {strides = array<i32>} : memref<8x4000xf32, #tpu.memory_space<vmem>>, vector<16xf32>,
          %max3A_390 = arith.maximumf %get3A_389, %add3A_385 : vector<16xf32>
          %swap3A_391 = arith.constant 1 : i32
          %swap3A_392 = arith.index_cast %swap3A_391 : i32 to index
          %swap3A_393 = arith.index_cast %mul3A_248 : i32 to index
          %swap3A_394 = tpu.vector_load %arg12[%swap3A_392, %swap3A_393] {strides = array<i32>} : memref<8x4000xf32, #tpu.memory_space<vmem>>, vector<16xf32>,
          tpu.vector_store %arg12[%swap3A_392, %swap3A_393], %max3A_390 {strides = array<i32>} : memref<8x4000xf32, #tpu.memory_space<vmem>>, vector<16xf32>,
          %add3A_395 = arith.constant 6400 : i32
          %add3A_396 = vector.broadcast %add3A_395 : i32 to vector<16xi32>
          %add3A_397 = arith.addi %select_n3A_320, %add3A_396 : vector<16xi32>
          %gather3A_398 = tpu.vector_load_idx %arg6[%add3A_397] : memref<25600xf32, #tpu.memory_space<vmem>>[vector<16xi32>], vector<16xf32>,
          %add3A_399 = arith.constant 6400 : i32
          %add3A_400 = vector.broadcast %add3A_399 : i32 to vector<16xi32>
          %add3A_401 = arith.addi %add3A_323, %add3A_400 : vector<16xi32>
          %gather3A_402 = tpu.vector_load_idx %arg6[%add3A_401] : memref<25600xf32, #tpu.memory_space<vmem>>[vector<16xi32>], vector<16xf32>,
          %add3A_403 = arith.constant 6400 : i32
          %add3A_404 = vector.broadcast %add3A_403 : i32 to vector<16xi32>
          %add3A_405 = arith.addi %add3A_326, %add3A_404 : vector<16xi32>
          %gather3A_406 = tpu.vector_load_idx %arg6[%add3A_405] : memref<25600xf32, #tpu.memory_space<vmem>>[vector<16xi32>], vector<16xf32>,
          %add3A_407 = arith.constant 6400 : i32
          %add3A_408 = vector.broadcast %add3A_407 : i32 to vector<16xi32>
          %add3A_409 = arith.addi %add3A_332, %add3A_408 : vector<16xi32>
          %gather3A_410 = tpu.vector_load_idx %arg6[%add3A_409] : memref<25600xf32, #tpu.memory_space<vmem>>[vector<16xi32>], vector<16xf32>,
          %mul3A_411 = arith.mulf %mul3A_310, %gather3A_398 : vector<16xf32>
          %mul3A_412 = arith.mulf %mul3A_311, %gather3A_402 : vector<16xf32>
          %add3A_413 = arith.addf %mul3A_411, %mul3A_412 : vector<16xf32>
          %mul3A_414 = arith.mulf %mul3A_312, %gather3A_406 : vector<16xf32>
          %mul3A_415 = arith.mulf %mul3A_313, %gather3A_410 : vector<16xf32>
          %add3A_416 = arith.addf %mul3A_414, %mul3A_415 : vector<16xf32>
          %add3A_417 = arith.addf %add3A_413, %add3A_416 : vector<16xf32>
          %get3A_418 = arith.constant 2 : i32
          %get3A_419 = arith.index_cast %get3A_418 : i32 to index
          %get3A_420 = arith.index_cast %mul3A_248 : i32 to index
          %get3A_421 = tpu.vector_load %arg12[%get3A_419, %get3A_420] {strides = array<i32>} : memref<8x4000xf32, #tpu.memory_space<vmem>>, vector<16xf32>,
          %max3A_422 = arith.maximumf %get3A_421, %add3A_417 : vector<16xf32>
          %swap3A_423 = arith.constant 2 : i32
          %swap3A_424 = arith.index_cast %swap3A_423 : i32 to index
          %swap3A_425 = arith.index_cast %mul3A_248 : i32 to index
          %swap3A_426 = tpu.vector_load %arg12[%swap3A_424, %swap3A_425] {strides = array<i32>} : memref<8x4000xf32, #tpu.memory_space<vmem>>, vector<16xf32>,
          tpu.vector_store %arg12[%swap3A_424, %swap3A_425], %max3A_422 {strides = array<i32>} : memref<8x4000xf32, #tpu.memory_space<vmem>>, vector<16xf32>,
          %add3A_427 = arith.constant 9600 : i32
          %add3A_428 = vector.broadcast %add3A_427 : i32 to vector<16xi32>
          %add3A_429 = arith.addi %select_n3A_320, %add3A_428 : vector<16xi32>
          %gather3A_430 = tpu.vector_load_idx %arg6[%add3A_429] : memref<25600xf32, #tpu.memory_space<vmem>>[vector<16xi32>], vector<16xf32>,
          %add3A_431 = arith.constant 9600 : i32
          %add3A_432 = vector.broadcast %add3A_431 : i32 to vector<16xi32>
          %add3A_433 = arith.addi %add3A_323, %add3A_432 : vector<16xi32>
          %gather3A_434 = tpu.vector_load_idx %arg6[%add3A_433] : memref<25600xf32, #tpu.memory_space<vmem>>[vector<16xi32>], vector<16xf32>,
          %add3A_435 = arith.constant 9600 : i32
          %add3A_436 = vector.broadcast %add3A_435 : i32 to vector<16xi32>
          %add3A_437 = arith.addi %add3A_326, %add3A_436 : vector<16xi32>
          %gather3A_438 = tpu.vector_load_idx %arg6[%add3A_437] : memref<25600xf32, #tpu.memory_space<vmem>>[vector<16xi32>], vector<16xf32>,
          %add3A_439 = arith.constant 9600 : i32
          %add3A_440 = vector.broadcast %add3A_439 : i32 to vector<16xi32>
          %add3A_441 = arith.addi %add3A_332, %add3A_440 : vector<16xi32>
          %gather3A_442 = tpu.vector_load_idx %arg6[%add3A_441] : memref<25600xf32, #tpu.memory_space<vmem>>[vector<16xi32>], vector<16xf32>,
          %mul3A_443 = arith.mulf %mul3A_310, %gather3A_430 : vector<16xf32>
          %mul3A_444 = arith.mulf %mul3A_311, %gather3A_434 : vector<16xf32>
          %add3A_445 = arith.addf %mul3A_443, %mul3A_444 : vector<16xf32>
          %mul3A_446 = arith.mulf %mul3A_312, %gather3A_438 : vector<16xf32>
          %mul3A_447 = arith.mulf %mul3A_313, %gather3A_442 : vector<16xf32>
          %add3A_448 = arith.addf %mul3A_446, %mul3A_447 : vector<16xf32>
          %add3A_449 = arith.addf %add3A_445, %add3A_448 : vector<16xf32>
          %get3A_450 = arith.constant 3 : i32
          %get3A_451 = arith.index_cast %get3A_450 : i32 to index
          %get3A_452 = arith.index_cast %mul3A_248 : i32 to index
          %get3A_453 = tpu.vector_load %arg12[%get3A_451, %get3A_452] {strides = array<i32>} : memref<8x4000xf32, #tpu.memory_space<vmem>>, vector<16xf32>,
          %max3A_454 = arith.maximumf %get3A_453, %add3A_449 : vector<16xf32>
          %swap3A_455 = arith.constant 3 : i32
          %swap3A_456 = arith.index_cast %swap3A_455 : i32 to index
          %swap3A_457 = arith.index_cast %mul3A_248 : i32 to index
          %swap3A_458 = tpu.vector_load %arg12[%swap3A_456, %swap3A_457] {strides = array<i32>} : memref<8x4000xf32, #tpu.memory_space<vmem>>, vector<16xf32>,
          tpu.vector_store %arg12[%swap3A_456, %swap3A_457], %max3A_454 {strides = array<i32>} : memref<8x4000xf32, #tpu.memory_space<vmem>>, vector<16xf32>,
          %add3A_459 = arith.constant 12800 : i32
          %add3A_460 = vector.broadcast %add3A_459 : i32 to vector<16xi32>
          %add3A_461 = arith.addi %select_n3A_320, %add3A_460 : vector<16xi32>
          %gather3A_462 = tpu.vector_load_idx %arg6[%add3A_461] : memref<25600xf32, #tpu.memory_space<vmem>>[vector<16xi32>], vector<16xf32>,
          %add3A_463 = arith.constant 12800 : i32
          %add3A_464 = vector.broadcast %add3A_463 : i32 to vector<16xi32>
          %add3A_465 = arith.addi %add3A_323, %add3A_464 : vector<16xi32>
          %gather3A_466 = tpu.vector_load_idx %arg6[%add3A_465] : memref<25600xf32, #tpu.memory_space<vmem>>[vector<16xi32>], vector<16xf32>,
          %add3A_467 = arith.constant 12800 : i32
          %add3A_468 = vector.broadcast %add3A_467 : i32 to vector<16xi32>
          %add3A_469 = arith.addi %add3A_326, %add3A_468 : vector<16xi32>
          %gather3A_470 = tpu.vector_load_idx %arg6[%add3A_469] : memref<25600xf32, #tpu.memory_space<vmem>>[vector<16xi32>], vector<16xf32>,
          %add3A_471 = arith.constant 12800 : i32
          %add3A_472 = vector.broadcast %add3A_471 : i32 to vector<16xi32>
          %add3A_473 = arith.addi %add3A_332, %add3A_472 : vector<16xi32>
          %gather3A_474 = tpu.vector_load_idx %arg6[%add3A_473] : memref<25600xf32, #tpu.memory_space<vmem>>[vector<16xi32>], vector<16xf32>,
          %mul3A_475 = arith.mulf %mul3A_310, %gather3A_462 : vector<16xf32>
          %mul3A_476 = arith.mulf %mul3A_311, %gather3A_466 : vector<16xf32>
          %add3A_477 = arith.addf %mul3A_475, %mul3A_476 : vector<16xf32>
          %mul3A_478 = arith.mulf %mul3A_312, %gather3A_470 : vector<16xf32>
          %mul3A_479 = arith.mulf %mul3A_313, %gather3A_474 : vector<16xf32>
          %add3A_480 = arith.addf %mul3A_478, %mul3A_479 : vector<16xf32>
          %add3A_481 = arith.addf %add3A_477, %add3A_480 : vector<16xf32>
          %get3A_482 = arith.constant 4 : i32
          %get3A_483 = arith.index_cast %get3A_482 : i32 to index
          %get3A_484 = arith.index_cast %mul3A_248 : i32 to index
          %get3A_485 = tpu.vector_load %arg12[%get3A_483, %get3A_484] {strides = array<i32>} : memref<8x4000xf32, #tpu.memory_space<vmem>>, vector<16xf32>,
          %max3A_486 = arith.maximumf %get3A_485, %add3A_481 : vector<16xf32>
          %swap3A_487 = arith.constant 4 : i32
          %swap3A_488 = arith.index_cast %swap3A_487 : i32 to index
          %swap3A_489 = arith.index_cast %mul3A_248 : i32 to index
          %swap3A_490 = tpu.vector_load %arg12[%swap3A_488, %swap3A_489] {strides = array<i32>} : memref<8x4000xf32, #tpu.memory_space<vmem>>, vector<16xf32>,
          tpu.vector_store %arg12[%swap3A_488, %swap3A_489], %max3A_486 {strides = array<i32>} : memref<8x4000xf32, #tpu.memory_space<vmem>>, vector<16xf32>,
          %add3A_491 = arith.constant 16000 : i32
          %add3A_492 = vector.broadcast %add3A_491 : i32 to vector<16xi32>
          %add3A_493 = arith.addi %select_n3A_320, %add3A_492 : vector<16xi32>
          %gather3A_494 = tpu.vector_load_idx %arg6[%add3A_493] : memref<25600xf32, #tpu.memory_space<vmem>>[vector<16xi32>], vector<16xf32>,
          %add3A_495 = arith.constant 16000 : i32
          %add3A_496 = vector.broadcast %add3A_495 : i32 to vector<16xi32>
          %add3A_497 = arith.addi %add3A_323, %add3A_496 : vector<16xi32>
          %gather3A_498 = tpu.vector_load_idx %arg6[%add3A_497] : memref<25600xf32, #tpu.memory_space<vmem>>[vector<16xi32>], vector<16xf32>,
          %add3A_499 = arith.constant 16000 : i32
          %add3A_500 = vector.broadcast %add3A_499 : i32 to vector<16xi32>
          %add3A_501 = arith.addi %add3A_326, %add3A_500 : vector<16xi32>
          %gather3A_502 = tpu.vector_load_idx %arg6[%add3A_501] : memref<25600xf32, #tpu.memory_space<vmem>>[vector<16xi32>], vector<16xf32>,
          %add3A_503 = arith.constant 16000 : i32
          %add3A_504 = vector.broadcast %add3A_503 : i32 to vector<16xi32>
          %add3A_505 = arith.addi %add3A_332, %add3A_504 : vector<16xi32>
          %gather3A_506 = tpu.vector_load_idx %arg6[%add3A_505] : memref<25600xf32, #tpu.memory_space<vmem>>[vector<16xi32>], vector<16xf32>,
          %mul3A_507 = arith.mulf %mul3A_310, %gather3A_494 : vector<16xf32>
          %mul3A_508 = arith.mulf %mul3A_311, %gather3A_498 : vector<16xf32>
          %add3A_509 = arith.addf %mul3A_507, %mul3A_508 : vector<16xf32>
          %mul3A_510 = arith.mulf %mul3A_312, %gather3A_502 : vector<16xf32>
          %mul3A_511 = arith.mulf %mul3A_313, %gather3A_506 : vector<16xf32>
          %add3A_512 = arith.addf %mul3A_510, %mul3A_511 : vector<16xf32>
          %add3A_513 = arith.addf %add3A_509, %add3A_512 : vector<16xf32>
          %get3A_514 = arith.constant 5 : i32
          %get3A_515 = arith.index_cast %get3A_514 : i32 to index
          %get3A_516 = arith.index_cast %mul3A_248 : i32 to index
          %get3A_517 = tpu.vector_load %arg12[%get3A_515, %get3A_516] {strides = array<i32>} : memref<8x4000xf32, #tpu.memory_space<vmem>>, vector<16xf32>,
          %max3A_518 = arith.maximumf %get3A_517, %add3A_513 : vector<16xf32>
          %swap3A_519 = arith.constant 5 : i32
          %swap3A_520 = arith.index_cast %swap3A_519 : i32 to index
          %swap3A_521 = arith.index_cast %mul3A_248 : i32 to index
          %swap3A_522 = tpu.vector_load %arg12[%swap3A_520, %swap3A_521] {strides = array<i32>} : memref<8x4000xf32, #tpu.memory_space<vmem>>, vector<16xf32>,
          tpu.vector_store %arg12[%swap3A_520, %swap3A_521], %max3A_518 {strides = array<i32>} : memref<8x4000xf32, #tpu.memory_space<vmem>>, vector<16xf32>,
          %add3A_523 = arith.constant 19200 : i32
          %add3A_524 = vector.broadcast %add3A_523 : i32 to vector<16xi32>
          %add3A_525 = arith.addi %select_n3A_320, %add3A_524 : vector<16xi32>
          %gather3A_526 = tpu.vector_load_idx %arg6[%add3A_525] : memref<25600xf32, #tpu.memory_space<vmem>>[vector<16xi32>], vector<16xf32>,
          %add3A_527 = arith.constant 19200 : i32
          %add3A_528 = vector.broadcast %add3A_527 : i32 to vector<16xi32>
          %add3A_529 = arith.addi %add3A_323, %add3A_528 : vector<16xi32>
          %gather3A_530 = tpu.vector_load_idx %arg6[%add3A_529] : memref<25600xf32, #tpu.memory_space<vmem>>[vector<16xi32>], vector<16xf32>,
          %add3A_531 = arith.constant 19200 : i32
          %add3A_532 = vector.broadcast %add3A_531 : i32 to vector<16xi32>
          %add3A_533 = arith.addi %add3A_326, %add3A_532 : vector<16xi32>
          %gather3A_534 = tpu.vector_load_idx %arg6[%add3A_533] : memref<25600xf32, #tpu.memory_space<vmem>>[vector<16xi32>], vector<16xf32>,
          %add3A_535 = arith.constant 19200 : i32
          %add3A_536 = vector.broadcast %add3A_535 : i32 to vector<16xi32>
          %add3A_537 = arith.addi %add3A_332, %add3A_536 : vector<16xi32>
          %gather3A_538 = tpu.vector_load_idx %arg6[%add3A_537] : memref<25600xf32, #tpu.memory_space<vmem>>[vector<16xi32>], vector<16xf32>,
          %mul3A_539 = arith.mulf %mul3A_310, %gather3A_526 : vector<16xf32>
          %mul3A_540 = arith.mulf %mul3A_311, %gather3A_530 : vector<16xf32>
          %add3A_541 = arith.addf %mul3A_539, %mul3A_540 : vector<16xf32>
          %mul3A_542 = arith.mulf %mul3A_312, %gather3A_534 : vector<16xf32>
          %mul3A_543 = arith.mulf %mul3A_313, %gather3A_538 : vector<16xf32>
          %add3A_544 = arith.addf %mul3A_542, %mul3A_543 : vector<16xf32>
          %add3A_545 = arith.addf %add3A_541, %add3A_544 : vector<16xf32>
          %get3A_546 = arith.constant 6 : i32
          %get3A_547 = arith.index_cast %get3A_546 : i32 to index
          %get3A_548 = arith.index_cast %mul3A_248 : i32 to index
          %get3A_549 = tpu.vector_load %arg12[%get3A_547, %get3A_548] {strides = array<i32>} : memref<8x4000xf32, #tpu.memory_space<vmem>>, vector<16xf32>,
          %max3A_550 = arith.maximumf %get3A_549, %add3A_545 : vector<16xf32>
          %swap3A_551 = arith.constant 6 : i32
          %swap3A_552 = arith.index_cast %swap3A_551 : i32 to index
          %swap3A_553 = arith.index_cast %mul3A_248 : i32 to index
          %swap3A_554 = tpu.vector_load %arg12[%swap3A_552, %swap3A_553] {strides = array<i32>} : memref<8x4000xf32, #tpu.memory_space<vmem>>, vector<16xf32>,
          tpu.vector_store %arg12[%swap3A_552, %swap3A_553], %max3A_550 {strides = array<i32>} : memref<8x4000xf32, #tpu.memory_space<vmem>>, vector<16xf32>,
          %add3A_555 = arith.constant 22400 : i32
          %add3A_556 = vector.broadcast %add3A_555 : i32 to vector<16xi32>
          %add3A_557 = arith.addi %select_n3A_320, %add3A_556 : vector<16xi32>
          %gather3A_558 = tpu.vector_load_idx %arg6[%add3A_557] : memref<25600xf32, #tpu.memory_space<vmem>>[vector<16xi32>], vector<16xf32>,
          %add3A_559 = arith.constant 22400 : i32
          %add3A_560 = vector.broadcast %add3A_559 : i32 to vector<16xi32>
          %add3A_561 = arith.addi %add3A_323, %add3A_560 : vector<16xi32>
          %gather3A_562 = tpu.vector_load_idx %arg6[%add3A_561] : memref<25600xf32, #tpu.memory_space<vmem>>[vector<16xi32>], vector<16xf32>,
          %add3A_563 = arith.constant 22400 : i32
          %add3A_564 = vector.broadcast %add3A_563 : i32 to vector<16xi32>
          %add3A_565 = arith.addi %add3A_326, %add3A_564 : vector<16xi32>
          %gather3A_566 = tpu.vector_load_idx %arg6[%add3A_565] : memref<25600xf32, #tpu.memory_space<vmem>>[vector<16xi32>], vector<16xf32>,
          %add3A_567 = arith.constant 22400 : i32
          %add3A_568 = vector.broadcast %add3A_567 : i32 to vector<16xi32>
          %add3A_569 = arith.addi %add3A_332, %add3A_568 : vector<16xi32>
          %gather3A_570 = tpu.vector_load_idx %arg6[%add3A_569] : memref<25600xf32, #tpu.memory_space<vmem>>[vector<16xi32>], vector<16xf32>,
          %mul3A_571 = arith.mulf %mul3A_310, %gather3A_558 : vector<16xf32>
          %mul3A_572 = arith.mulf %mul3A_311, %gather3A_562 : vector<16xf32>
          %add3A_573 = arith.addf %mul3A_571, %mul3A_572 : vector<16xf32>
          %mul3A_574 = arith.mulf %mul3A_312, %gather3A_566 : vector<16xf32>
          %mul3A_575 = arith.mulf %mul3A_313, %gather3A_570 : vector<16xf32>
          %add3A_576 = arith.addf %mul3A_574, %mul3A_575 : vector<16xf32>
          %add3A_577 = arith.addf %add3A_573, %add3A_576 : vector<16xf32>
          %get3A_578 = arith.constant 7 : i32
          %get3A_579 = arith.index_cast %get3A_578 : i32 to index
          %get3A_580 = arith.index_cast %mul3A_248 : i32 to index
          %get3A_581 = tpu.vector_load %arg12[%get3A_579, %get3A_580] {strides = array<i32>} : memref<8x4000xf32, #tpu.memory_space<vmem>>, vector<16xf32>,
          %max3A_582 = arith.maximumf %get3A_581, %add3A_577 : vector<16xf32>
          %swap3A_583 = arith.constant 7 : i32
          %swap3A_584 = arith.index_cast %swap3A_583 : i32 to index
          %swap3A_585 = arith.index_cast %mul3A_248 : i32 to index
          %swap3A_586 = tpu.vector_load %arg12[%swap3A_584, %swap3A_585] {strides = array<i32>} : memref<8x4000xf32, #tpu.memory_space<vmem>>, vector<16xf32>,
          tpu.vector_store %arg12[%swap3A_584, %swap3A_585], %max3A_582 {strides = array<i32>} : memref<8x4000xf32, #tpu.memory_space<vmem>>, vector<16xf32>,
          %cond3A_587 = arith.constant 0 : i32
          scf.yield %cond3A_587 : i32
        } else {
          %swap3A = arith.constant 1 : i32
          %swap3A_291 = arith.index_cast %scan3A_245 : i32 to index
          %swap3A_292 = memref.load %arg13[%swap3A_291] : memref<250xi32, #tpu.memory_space<smem>>
          memref.store %swap3A, %arg13[%swap3A_291] : memref<250xi32, #tpu.memory_space<smem>>
          %cond3A_293 = arith.constant 0 : i32
          scf.yield %cond3A_293 : i32
        }
        %scan3A_290 = arith.constant 0 : i32
        scf.yield %scan3A_290 : i32
      }
      %scan3A_149 = arith.constant 250 : i32
      %dma_wait3A_150 = tpu.memref_slice %arg2[%mul3A_130] : memref<4915200xf32, #tpu.memory_space<hbm>> -> memref<25600xf32, #tpu.memory_space<hbm>>
      %dma_wait3A_151 = tpu.memref_slice %arg2[%mul3A_130] : memref<4915200xf32, #tpu.memory_space<hbm>> -> memref<25600xf32, #tpu.memory_space<hbm>>
      tpu.wait_dma2 semaphore(%arg15 : memref<!tpu.dma_semaphore, #tpu.memory_space<semaphore_mem>>) src(%dma_wait3A_151 : memref<25600xf32, #tpu.memory_space<hbm>>) dst(%arg7 : memref<25600xf32, #tpu.memory_space<vmem>>)
      %dma_wait3A_152 = tpu.memref_slice %arg3[%add3A_135] : memref<480000xf32, #tpu.memory_space<hbm>> -> memref<4000xf32, #tpu.memory_space<hbm>>
      %dma_wait3A_153 = tpu.memref_slice %arg3[%add3A_135] : memref<480000xf32, #tpu.memory_space<hbm>> -> memref<4000xf32, #tpu.memory_space<hbm>>
      tpu.wait_dma2 semaphore(%arg15 : memref<!tpu.dma_semaphore, #tpu.memory_space<semaphore_mem>>) src(%dma_wait3A_153 : memref<4000xf32, #tpu.memory_space<hbm>>) dst(%arg9 : memref<4000xf32, #tpu.memory_space<vmem>>)
      %dma_wait3A_154 = tpu.memref_slice %arg4[%add3A_140] : memref<480000xf32, #tpu.memory_space<hbm>> -> memref<4000xf32, #tpu.memory_space<hbm>>
      %dma_wait3A_155 = tpu.memref_slice %arg4[%add3A_140] : memref<480000xf32, #tpu.memory_space<hbm>> -> memref<4000xf32, #tpu.memory_space<hbm>>
      tpu.wait_dma2 semaphore(%arg15 : memref<!tpu.dma_semaphore, #tpu.memory_space<semaphore_mem>>) src(%dma_wait3A_155 : memref<4000xf32, #tpu.memory_space<hbm>>) dst(%arg11 : memref<4000xf32, #tpu.memory_space<vmem>>)
      %mul3A_156 = arith.constant 6 : i32
      %mul3A_157 = arith.muli %div3A_18, %mul3A_156 : i32
      %add3A_158 = arith.constant 4 : i32
      %add3A_159 = arith.addi %mul3A_157, %add3A_158 : i32
      %mul3A_160 = arith.constant 64 : i32
      %mul3A_161 = arith.muli %add3A_159, %mul3A_160 : i32
      %mul3A_162 = arith.constant 8 : i32
      %mul3A_163 = arith.muli %rem3A_16, %mul3A_162 : i32
      %add3A_164 = arith.addi %mul3A_161, %mul3A_163 : i32
      %mul3A_165 = arith.constant 3200 : i32
      %mul3A_166 = arith.muli %add3A_164, %mul3A_165 : i32
      %dma_start3A_167 = tpu.memref_slice %arg2[%mul3A_166] : memref<4915200xf32, #tpu.memory_space<hbm>> -> memref<25600xf32, #tpu.memory_space<hbm>>
      %dma_start3A_168 = tpu.memref_slice %arg2[%mul3A_166] : memref<4915200xf32, #tpu.memory_space<hbm>> -> memref<25600xf32, #tpu.memory_space<hbm>>
      tpu.enqueue_dma source(%dma_start3A_168 : memref<25600xf32, #tpu.memory_space<hbm>>) target(%arg6 : memref<25600xf32, #tpu.memory_space<vmem>>) target_semaphore(%arg14 : memref<!tpu.dma_semaphore, #tpu.memory_space<semaphore_mem>>)
      %mul3A_169 = arith.constant 20000 : i32
      %mul3A_170 = arith.muli %add3A_159, %mul3A_169 : i32
      %add3A_171 = arith.addi %mul3A_170, %mul3A_20 : i32
      %dma_start3A_172 = tpu.memref_slice %arg3[%add3A_171] : memref<480000xf32, #tpu.memory_space<hbm>> -> memref<4000xf32, #tpu.memory_space<hbm>>
      %dma_start3A_173 = tpu.memref_slice %arg3[%add3A_171] : memref<480000xf32, #tpu.memory_space<hbm>> -> memref<4000xf32, #tpu.memory_space<hbm>>
      tpu.enqueue_dma source(%dma_start3A_173 : memref<4000xf32, #tpu.memory_space<hbm>>) target(%arg8 : memref<4000xf32, #tpu.memory_space<vmem>>) target_semaphore(%arg14 : memref<!tpu.dma_semaphore, #tpu.memory_space<semaphore_mem>>)
      %mul3A_174 = arith.constant 20000 : i32
      %mul3A_175 = arith.muli %add3A_159, %mul3A_174 : i32
      %add3A_176 = arith.addi %mul3A_175, %mul3A_20 : i32
      %dma_start3A_177 = tpu.memref_slice %arg4[%add3A_176] : memref<480000xf32, #tpu.memory_space<hbm>> -> memref<4000xf32, #tpu.memory_space<hbm>>
      %dma_start3A_178 = tpu.memref_slice %arg4[%add3A_176] : memref<480000xf32, #tpu.memory_space<hbm>> -> memref<4000xf32, #tpu.memory_space<hbm>>
      tpu.enqueue_dma source(%dma_start3A_178 : memref<4000xf32, #tpu.memory_space<hbm>>) target(%arg10 : memref<4000xf32, #tpu.memory_space<vmem>>) target_semaphore(%arg14 : memref<!tpu.dma_semaphore, #tpu.memory_space<semaphore_mem>>)
      %scan3A_179 = arith.constant 0 : i32
      %scan3A_180 = arith.constant 0 : i32
      %scan3A_181 = arith.constant 250 : i32
      %scan3A_182 = arith.addi %scan3A_180, %scan3A_181 : i32
      %scan3A_183 = arith.constant 1 : i32
      %scan3A_184 = scf.for %scan3A_245 = %scan3A_180 to %scan3A_182 step %scan3A_183 iter_args(%scan3A_246 = %scan3A_179) -> (i32)  : i32 {
        %mul3A_247 = arith.constant 16 : i32
        %mul3A_248 = arith.muli %scan3A_245, %mul3A_247 : i32
        %get3A = arith.index_cast %mul3A_248 : i32 to index
        %get3A_249 = tpu.vector_load %arg9[%get3A] {strides = array<i32>} : memref<4000xf32, #tpu.memory_space<vmem>>, vector<16xf32>,
        %jit3A = arith.constant -4.000000e+04 : f32
        %jit3A_250 = arith.constant 4.000000e+04 : f32
        %max3A = vector.broadcast %jit3A : f32 to vector<16xf32>
        %max3A_251 = arith.maximumf %max3A, %get3A_249 : vector<16xf32>
        %min3A = vector.broadcast %jit3A_250 : f32 to vector<16xf32>
        %min3A_252 = arith.minimumf %min3A, %max3A_251 : vector<16xf32>
        %get3A_253 = arith.index_cast %mul3A_248 : i32 to index
        %get3A_254 = tpu.vector_load %arg11[%get3A_253] {strides = array<i32>} : memref<4000xf32, #tpu.memory_space<vmem>>, vector<16xf32>,
        %jit3A_255 = arith.constant -4.000000e+04 : f32
        %jit3A_256 = arith.constant 4.000000e+04 : f32
        %max3A_257 = vector.broadcast %jit3A_255 : f32 to vector<16xf32>
        %max3A_258 = arith.maximumf %max3A_257, %get3A_254 : vector<16xf32>
        %min3A_259 = vector.broadcast %jit3A_256 : f32 to vector<16xf32>
        %min3A_260 = arith.minimumf %min3A_259, %max3A_258 : vector<16xf32>
        %convert_element_type3A = arith.fptosi %min3A_252 : vector<16xf32> to vector<16xi32>
        %convert_element_type3A_261 = arith.fptosi %min3A_260 : vector<16xf32> to vector<16xi32>
        %convert_element_type3A_262 = arith.sitofp %convert_element_type3A : vector<16xi32> to vector<16xf32>
        %lt3A = arith.cmpf olt, %min3A_252, %convert_element_type3A_262 : vector<16xf32>
        %sub3A = arith.constant 1 : i32
        %sub3A_263 = vector.broadcast %sub3A : i32 to vector<16xi32>
        %sub3A_264 = arith.subi %convert_element_type3A, %sub3A_263 : vector<16xi32>
        %select_n3A = arith.select %lt3A, %sub3A_264, %convert_element_type3A : vector<16xi1>, vector<16xi32>
        %convert_element_type3A_265 = arith.sitofp %convert_element_type3A_261 : vector<16xi32> to vector<16xf32>
        %lt3A_266 = arith.cmpf olt, %min3A_260, %convert_element_type3A_265 : vector<16xf32>
        %sub3A_267 = arith.constant 1 : i32
        %sub3A_268 = vector.broadcast %sub3A_267 : i32 to vector<16xi32>
        %sub3A_269 = arith.subi %convert_element_type3A_261, %sub3A_268 : vector<16xi32>
        %select_n3A_270 = arith.select %lt3A_266, %sub3A_269, %convert_element_type3A_261 : vector<16xi1>, vector<16xi32>
        %le3A = arith.constant 78 : i32
        %le3A_271 = vector.broadcast %le3A : i32 to vector<16xi32>
        %le3A_272 = arith.cmpi ule, %select_n3A, %le3A_271 : vector<16xi32>
        %le3A_273 = arith.constant 38 : i32
        %le3A_274 = vector.broadcast %le3A_273 : i32 to vector<16xi32>
        %le3A_275 = arith.cmpi ule, %select_n3A_270, %le3A_274 : vector<16xi32>
        %and3A = arith.andi %le3A_272, %le3A_275 : vector<16xi1>
        %reduce_or3A = arith.constant 1.000000e+00 : f32
        %reduce_or3A_276 = arith.constant 0.000000e+00 : f32
        %reduce_or3A_277 = vector.broadcast %reduce_or3A : f32 to vector<16xf32>
        %reduce_or3A_278 = vector.broadcast %reduce_or3A_276 : f32 to vector<16xf32>
        %reduce_or3A_279 = arith.select %and3A, %reduce_or3A_277, %reduce_or3A_278 : vector<16xi1>, vector<16xf32>
        %reduce_or3A_280 = arith.constant true
        %reduce_or3A_281 = vector.broadcast %reduce_or3A_280 : i1 to vector<16xi1>
        %reduce_or3A_282 = tpu.scan <max>, %reduce_or3A_279 masked %reduce_or3A_281 : vector<16xf32>, vector<16xi1> -> vector<16xf32>
        %reduce_or3A_283 = vector.extract %reduce_or3A_282[15] : f32 from vector<16xf32>
        %reduce_or3A_284 = arith.constant 0.000000e+00 : f32
        %reduce_or3A_285 = arith.cmpf ogt, %reduce_or3A_283, %reduce_or3A_284 : f32
        %convert_element_type3A_286 = arith.extui %reduce_or3A_285 : i1 to i32
        %cond3A = arith.constant 0 : i32
        %cond3A_287 = arith.constant 0 : i32
        %cond3A_288 = arith.cmpi ne, %convert_element_type3A_286, %cond3A_287 : i32
        %cond3A_289 = scf.if %cond3A_288 -> (i32) {
          %convert_element_type3A_291 = arith.sitofp %select_n3A : vector<16xi32> to vector<16xf32>
          %convert_element_type3A_292 = arith.sitofp %select_n3A_270 : vector<16xi32> to vector<16xf32>
          %sub3A_293 = arith.subf %min3A_252, %convert_element_type3A_291 : vector<16xf32>
          %add3A_294 = arith.constant 1.000000e+00 : f32
          %add3A_295 = vector.broadcast %add3A_294 : f32 to vector<16xf32>
          %add3A_296 = arith.addf %convert_element_type3A_291, %add3A_295 : vector<16xf32>
          %sub3A_297 = arith.subf %add3A_296, %min3A_252 : vector<16xf32>
          %jit3A_298 = arith.constant 1.000000e+00 : f32
          %jit3A_299 = arith.constant 0.000000e+00 : f32
          %broadcast_in_dim3A_300 = vector.broadcast %jit3A_298 : f32 to vector<16xf32>
          %broadcast_in_dim3A_301 = vector.broadcast %jit3A_299 : f32 to vector<16xf32>
          %select_n3A_302 = arith.select %and3A, %broadcast_in_dim3A_300, %broadcast_in_dim3A_301 : vector<16xi1>, vector<16xf32>
          %sub3A_303 = arith.subf %min3A_260, %convert_element_type3A_292 : vector<16xf32>
          %mul3A_304 = arith.mulf %sub3A_303, %select_n3A_302 : vector<16xf32>
          %add3A_305 = arith.constant 1.000000e+00 : f32
          %add3A_306 = vector.broadcast %add3A_305 : f32 to vector<16xf32>
          %add3A_307 = arith.addf %convert_element_type3A_292, %add3A_306 : vector<16xf32>
          %sub3A_308 = arith.subf %add3A_307, %min3A_260 : vector<16xf32>
          %mul3A_309 = arith.mulf %sub3A_308, %select_n3A_302 : vector<16xf32>
          %mul3A_310 = arith.mulf %sub3A_297, %mul3A_309 : vector<16xf32>
          %mul3A_311 = arith.mulf %sub3A_297, %mul3A_304 : vector<16xf32>
          %mul3A_312 = arith.mulf %sub3A_293, %mul3A_309 : vector<16xf32>
          %mul3A_313 = arith.mulf %sub3A_293, %mul3A_304 : vector<16xf32>
          %mul3A_314 = arith.constant 80 : i32
          %mul3A_315 = vector.broadcast %mul3A_314 : i32 to vector<16xi32>
          %mul3A_316 = arith.muli %select_n3A_270, %mul3A_315 : vector<16xi32>
          %add3A_317 = arith.addi %mul3A_316, %select_n3A : vector<16xi32>
          %jit3A_318 = arith.constant 0 : i32
          %broadcast_in_dim3A_319 = vector.broadcast %jit3A_318 : i32 to vector<16xi32>
          %select_n3A_320 = arith.select %and3A, %add3A_317, %broadcast_in_dim3A_319 : vector<16xi1>, vector<16xi32>
          %add3A_321 = arith.constant 80 : i32
          %add3A_322 = vector.broadcast %add3A_321 : i32 to vector<16xi32>
          %add3A_323 = arith.addi %select_n3A_320, %add3A_322 : vector<16xi32>
          %add3A_324 = arith.constant 1 : i32
          %add3A_325 = vector.broadcast %add3A_324 : i32 to vector<16xi32>
          %add3A_326 = arith.addi %select_n3A_320, %add3A_325 : vector<16xi32>
          %add3A_327 = arith.constant 80 : i32
          %add3A_328 = vector.broadcast %add3A_327 : i32 to vector<16xi32>
          %add3A_329 = arith.addi %select_n3A_320, %add3A_328 : vector<16xi32>
          %add3A_330 = arith.constant 1 : i32
          %add3A_331 = vector.broadcast %add3A_330 : i32 to vector<16xi32>
          %add3A_332 = arith.addi %add3A_329, %add3A_331 : vector<16xi32>
          %add3A_333 = arith.constant 0 : i32
          %add3A_334 = vector.broadcast %add3A_333 : i32 to vector<16xi32>
          %add3A_335 = arith.addi %select_n3A_320, %add3A_334 : vector<16xi32>
          %gather3A = tpu.vector_load_idx %arg7[%add3A_335] : memref<25600xf32, #tpu.memory_space<vmem>>[vector<16xi32>], vector<16xf32>,
          %add3A_336 = arith.constant 0 : i32
          %add3A_337 = vector.broadcast %add3A_336 : i32 to vector<16xi32>
          %add3A_338 = arith.addi %add3A_323, %add3A_337 : vector<16xi32>
          %gather3A_339 = tpu.vector_load_idx %arg7[%add3A_338] : memref<25600xf32, #tpu.memory_space<vmem>>[vector<16xi32>], vector<16xf32>,
          %add3A_340 = arith.constant 0 : i32
          %add3A_341 = vector.broadcast %add3A_340 : i32 to vector<16xi32>
          %add3A_342 = arith.addi %add3A_326, %add3A_341 : vector<16xi32>
          %gather3A_343 = tpu.vector_load_idx %arg7[%add3A_342] : memref<25600xf32, #tpu.memory_space<vmem>>[vector<16xi32>], vector<16xf32>,
          %add3A_344 = arith.constant 0 : i32
          %add3A_345 = vector.broadcast %add3A_344 : i32 to vector<16xi32>
          %add3A_346 = arith.addi %add3A_332, %add3A_345 : vector<16xi32>
          %gather3A_347 = tpu.vector_load_idx %arg7[%add3A_346] : memref<25600xf32, #tpu.memory_space<vmem>>[vector<16xi32>], vector<16xf32>,
          %mul3A_348 = arith.mulf %mul3A_310, %gather3A : vector<16xf32>
          %mul3A_349 = arith.mulf %mul3A_311, %gather3A_339 : vector<16xf32>
          %add3A_350 = arith.addf %mul3A_348, %mul3A_349 : vector<16xf32>
          %mul3A_351 = arith.mulf %mul3A_312, %gather3A_343 : vector<16xf32>
          %mul3A_352 = arith.mulf %mul3A_313, %gather3A_347 : vector<16xf32>
          %add3A_353 = arith.addf %mul3A_351, %mul3A_352 : vector<16xf32>
          %add3A_354 = arith.addf %add3A_350, %add3A_353 : vector<16xf32>
          %get3A_355 = arith.constant 0 : i32
          %get3A_356 = arith.index_cast %get3A_355 : i32 to index
          %get3A_357 = arith.index_cast %mul3A_248 : i32 to index
          %get3A_358 = tpu.vector_load %arg12[%get3A_356, %get3A_357] {strides = array<i32>} : memref<8x4000xf32, #tpu.memory_space<vmem>>, vector<16xf32>,
          %max3A_359 = arith.maximumf %get3A_358, %add3A_354 : vector<16xf32>
          %swap3A = arith.constant 0 : i32
          %swap3A_360 = arith.index_cast %swap3A : i32 to index
          %swap3A_361 = arith.index_cast %mul3A_248 : i32 to index
          %swap3A_362 = tpu.vector_load %arg12[%swap3A_360, %swap3A_361] {strides = array<i32>} : memref<8x4000xf32, #tpu.memory_space<vmem>>, vector<16xf32>,
          tpu.vector_store %arg12[%swap3A_360, %swap3A_361], %max3A_359 {strides = array<i32>} : memref<8x4000xf32, #tpu.memory_space<vmem>>, vector<16xf32>,
          %add3A_363 = arith.constant 3200 : i32
          %add3A_364 = vector.broadcast %add3A_363 : i32 to vector<16xi32>
          %add3A_365 = arith.addi %select_n3A_320, %add3A_364 : vector<16xi32>
          %gather3A_366 = tpu.vector_load_idx %arg7[%add3A_365] : memref<25600xf32, #tpu.memory_space<vmem>>[vector<16xi32>], vector<16xf32>,
          %add3A_367 = arith.constant 3200 : i32
          %add3A_368 = vector.broadcast %add3A_367 : i32 to vector<16xi32>
          %add3A_369 = arith.addi %add3A_323, %add3A_368 : vector<16xi32>
          %gather3A_370 = tpu.vector_load_idx %arg7[%add3A_369] : memref<25600xf32, #tpu.memory_space<vmem>>[vector<16xi32>], vector<16xf32>,
          %add3A_371 = arith.constant 3200 : i32
          %add3A_372 = vector.broadcast %add3A_371 : i32 to vector<16xi32>
          %add3A_373 = arith.addi %add3A_326, %add3A_372 : vector<16xi32>
          %gather3A_374 = tpu.vector_load_idx %arg7[%add3A_373] : memref<25600xf32, #tpu.memory_space<vmem>>[vector<16xi32>], vector<16xf32>,
          %add3A_375 = arith.constant 3200 : i32
          %add3A_376 = vector.broadcast %add3A_375 : i32 to vector<16xi32>
          %add3A_377 = arith.addi %add3A_332, %add3A_376 : vector<16xi32>
          %gather3A_378 = tpu.vector_load_idx %arg7[%add3A_377] : memref<25600xf32, #tpu.memory_space<vmem>>[vector<16xi32>], vector<16xf32>,
          %mul3A_379 = arith.mulf %mul3A_310, %gather3A_366 : vector<16xf32>
          %mul3A_380 = arith.mulf %mul3A_311, %gather3A_370 : vector<16xf32>
          %add3A_381 = arith.addf %mul3A_379, %mul3A_380 : vector<16xf32>
          %mul3A_382 = arith.mulf %mul3A_312, %gather3A_374 : vector<16xf32>
          %mul3A_383 = arith.mulf %mul3A_313, %gather3A_378 : vector<16xf32>
          %add3A_384 = arith.addf %mul3A_382, %mul3A_383 : vector<16xf32>
          %add3A_385 = arith.addf %add3A_381, %add3A_384 : vector<16xf32>
          %get3A_386 = arith.constant 1 : i32
          %get3A_387 = arith.index_cast %get3A_386 : i32 to index
          %get3A_388 = arith.index_cast %mul3A_248 : i32 to index
          %get3A_389 = tpu.vector_load %arg12[%get3A_387, %get3A_388] {strides = array<i32>} : memref<8x4000xf32, #tpu.memory_space<vmem>>, vector<16xf32>,
          %max3A_390 = arith.maximumf %get3A_389, %add3A_385 : vector<16xf32>
          %swap3A_391 = arith.constant 1 : i32
          %swap3A_392 = arith.index_cast %swap3A_391 : i32 to index
          %swap3A_393 = arith.index_cast %mul3A_248 : i32 to index
          %swap3A_394 = tpu.vector_load %arg12[%swap3A_392, %swap3A_393] {strides = array<i32>} : memref<8x4000xf32, #tpu.memory_space<vmem>>, vector<16xf32>,
          tpu.vector_store %arg12[%swap3A_392, %swap3A_393], %max3A_390 {strides = array<i32>} : memref<8x4000xf32, #tpu.memory_space<vmem>>, vector<16xf32>,
          %add3A_395 = arith.constant 6400 : i32
          %add3A_396 = vector.broadcast %add3A_395 : i32 to vector<16xi32>
          %add3A_397 = arith.addi %select_n3A_320, %add3A_396 : vector<16xi32>
          %gather3A_398 = tpu.vector_load_idx %arg7[%add3A_397] : memref<25600xf32, #tpu.memory_space<vmem>>[vector<16xi32>], vector<16xf32>,
          %add3A_399 = arith.constant 6400 : i32
          %add3A_400 = vector.broadcast %add3A_399 : i32 to vector<16xi32>
          %add3A_401 = arith.addi %add3A_323, %add3A_400 : vector<16xi32>
          %gather3A_402 = tpu.vector_load_idx %arg7[%add3A_401] : memref<25600xf32, #tpu.memory_space<vmem>>[vector<16xi32>], vector<16xf32>,
          %add3A_403 = arith.constant 6400 : i32
          %add3A_404 = vector.broadcast %add3A_403 : i32 to vector<16xi32>
          %add3A_405 = arith.addi %add3A_326, %add3A_404 : vector<16xi32>
          %gather3A_406 = tpu.vector_load_idx %arg7[%add3A_405] : memref<25600xf32, #tpu.memory_space<vmem>>[vector<16xi32>], vector<16xf32>,
          %add3A_407 = arith.constant 6400 : i32
          %add3A_408 = vector.broadcast %add3A_407 : i32 to vector<16xi32>
          %add3A_409 = arith.addi %add3A_332, %add3A_408 : vector<16xi32>
          %gather3A_410 = tpu.vector_load_idx %arg7[%add3A_409] : memref<25600xf32, #tpu.memory_space<vmem>>[vector<16xi32>], vector<16xf32>,
          %mul3A_411 = arith.mulf %mul3A_310, %gather3A_398 : vector<16xf32>
          %mul3A_412 = arith.mulf %mul3A_311, %gather3A_402 : vector<16xf32>
          %add3A_413 = arith.addf %mul3A_411, %mul3A_412 : vector<16xf32>
          %mul3A_414 = arith.mulf %mul3A_312, %gather3A_406 : vector<16xf32>
          %mul3A_415 = arith.mulf %mul3A_313, %gather3A_410 : vector<16xf32>
          %add3A_416 = arith.addf %mul3A_414, %mul3A_415 : vector<16xf32>
          %add3A_417 = arith.addf %add3A_413, %add3A_416 : vector<16xf32>
          %get3A_418 = arith.constant 2 : i32
          %get3A_419 = arith.index_cast %get3A_418 : i32 to index
          %get3A_420 = arith.index_cast %mul3A_248 : i32 to index
          %get3A_421 = tpu.vector_load %arg12[%get3A_419, %get3A_420] {strides = array<i32>} : memref<8x4000xf32, #tpu.memory_space<vmem>>, vector<16xf32>,
          %max3A_422 = arith.maximumf %get3A_421, %add3A_417 : vector<16xf32>
          %swap3A_423 = arith.constant 2 : i32
          %swap3A_424 = arith.index_cast %swap3A_423 : i32 to index
          %swap3A_425 = arith.index_cast %mul3A_248 : i32 to index
          %swap3A_426 = tpu.vector_load %arg12[%swap3A_424, %swap3A_425] {strides = array<i32>} : memref<8x4000xf32, #tpu.memory_space<vmem>>, vector<16xf32>,
          tpu.vector_store %arg12[%swap3A_424, %swap3A_425], %max3A_422 {strides = array<i32>} : memref<8x4000xf32, #tpu.memory_space<vmem>>, vector<16xf32>,
          %add3A_427 = arith.constant 9600 : i32
          %add3A_428 = vector.broadcast %add3A_427 : i32 to vector<16xi32>
          %add3A_429 = arith.addi %select_n3A_320, %add3A_428 : vector<16xi32>
          %gather3A_430 = tpu.vector_load_idx %arg7[%add3A_429] : memref<25600xf32, #tpu.memory_space<vmem>>[vector<16xi32>], vector<16xf32>,
          %add3A_431 = arith.constant 9600 : i32
          %add3A_432 = vector.broadcast %add3A_431 : i32 to vector<16xi32>
          %add3A_433 = arith.addi %add3A_323, %add3A_432 : vector<16xi32>
          %gather3A_434 = tpu.vector_load_idx %arg7[%add3A_433] : memref<25600xf32, #tpu.memory_space<vmem>>[vector<16xi32>], vector<16xf32>,
          %add3A_435 = arith.constant 9600 : i32
          %add3A_436 = vector.broadcast %add3A_435 : i32 to vector<16xi32>
          %add3A_437 = arith.addi %add3A_326, %add3A_436 : vector<16xi32>
          %gather3A_438 = tpu.vector_load_idx %arg7[%add3A_437] : memref<25600xf32, #tpu.memory_space<vmem>>[vector<16xi32>], vector<16xf32>,
          %add3A_439 = arith.constant 9600 : i32
          %add3A_440 = vector.broadcast %add3A_439 : i32 to vector<16xi32>
          %add3A_441 = arith.addi %add3A_332, %add3A_440 : vector<16xi32>
          %gather3A_442 = tpu.vector_load_idx %arg7[%add3A_441] : memref<25600xf32, #tpu.memory_space<vmem>>[vector<16xi32>], vector<16xf32>,
          %mul3A_443 = arith.mulf %mul3A_310, %gather3A_430 : vector<16xf32>
          %mul3A_444 = arith.mulf %mul3A_311, %gather3A_434 : vector<16xf32>
          %add3A_445 = arith.addf %mul3A_443, %mul3A_444 : vector<16xf32>
          %mul3A_446 = arith.mulf %mul3A_312, %gather3A_438 : vector<16xf32>
          %mul3A_447 = arith.mulf %mul3A_313, %gather3A_442 : vector<16xf32>
          %add3A_448 = arith.addf %mul3A_446, %mul3A_447 : vector<16xf32>
          %add3A_449 = arith.addf %add3A_445, %add3A_448 : vector<16xf32>
          %get3A_450 = arith.constant 3 : i32
          %get3A_451 = arith.index_cast %get3A_450 : i32 to index
          %get3A_452 = arith.index_cast %mul3A_248 : i32 to index
          %get3A_453 = tpu.vector_load %arg12[%get3A_451, %get3A_452] {strides = array<i32>} : memref<8x4000xf32, #tpu.memory_space<vmem>>, vector<16xf32>,
          %max3A_454 = arith.maximumf %get3A_453, %add3A_449 : vector<16xf32>
          %swap3A_455 = arith.constant 3 : i32
          %swap3A_456 = arith.index_cast %swap3A_455 : i32 to index
          %swap3A_457 = arith.index_cast %mul3A_248 : i32 to index
          %swap3A_458 = tpu.vector_load %arg12[%swap3A_456, %swap3A_457] {strides = array<i32>} : memref<8x4000xf32, #tpu.memory_space<vmem>>, vector<16xf32>,
          tpu.vector_store %arg12[%swap3A_456, %swap3A_457], %max3A_454 {strides = array<i32>} : memref<8x4000xf32, #tpu.memory_space<vmem>>, vector<16xf32>,
          %add3A_459 = arith.constant 12800 : i32
          %add3A_460 = vector.broadcast %add3A_459 : i32 to vector<16xi32>
          %add3A_461 = arith.addi %select_n3A_320, %add3A_460 : vector<16xi32>
          %gather3A_462 = tpu.vector_load_idx %arg7[%add3A_461] : memref<25600xf32, #tpu.memory_space<vmem>>[vector<16xi32>], vector<16xf32>,
          %add3A_463 = arith.constant 12800 : i32
          %add3A_464 = vector.broadcast %add3A_463 : i32 to vector<16xi32>
          %add3A_465 = arith.addi %add3A_323, %add3A_464 : vector<16xi32>
          %gather3A_466 = tpu.vector_load_idx %arg7[%add3A_465] : memref<25600xf32, #tpu.memory_space<vmem>>[vector<16xi32>], vector<16xf32>,
          %add3A_467 = arith.constant 12800 : i32
          %add3A_468 = vector.broadcast %add3A_467 : i32 to vector<16xi32>
          %add3A_469 = arith.addi %add3A_326, %add3A_468 : vector<16xi32>
          %gather3A_470 = tpu.vector_load_idx %arg7[%add3A_469] : memref<25600xf32, #tpu.memory_space<vmem>>[vector<16xi32>], vector<16xf32>,
          %add3A_471 = arith.constant 12800 : i32
          %add3A_472 = vector.broadcast %add3A_471 : i32 to vector<16xi32>
          %add3A_473 = arith.addi %add3A_332, %add3A_472 : vector<16xi32>
          %gather3A_474 = tpu.vector_load_idx %arg7[%add3A_473] : memref<25600xf32, #tpu.memory_space<vmem>>[vector<16xi32>], vector<16xf32>,
          %mul3A_475 = arith.mulf %mul3A_310, %gather3A_462 : vector<16xf32>
          %mul3A_476 = arith.mulf %mul3A_311, %gather3A_466 : vector<16xf32>
          %add3A_477 = arith.addf %mul3A_475, %mul3A_476 : vector<16xf32>
          %mul3A_478 = arith.mulf %mul3A_312, %gather3A_470 : vector<16xf32>
          %mul3A_479 = arith.mulf %mul3A_313, %gather3A_474 : vector<16xf32>
          %add3A_480 = arith.addf %mul3A_478, %mul3A_479 : vector<16xf32>
          %add3A_481 = arith.addf %add3A_477, %add3A_480 : vector<16xf32>
          %get3A_482 = arith.constant 4 : i32
          %get3A_483 = arith.index_cast %get3A_482 : i32 to index
          %get3A_484 = arith.index_cast %mul3A_248 : i32 to index
          %get3A_485 = tpu.vector_load %arg12[%get3A_483, %get3A_484] {strides = array<i32>} : memref<8x4000xf32, #tpu.memory_space<vmem>>, vector<16xf32>,
          %max3A_486 = arith.maximumf %get3A_485, %add3A_481 : vector<16xf32>
          %swap3A_487 = arith.constant 4 : i32
          %swap3A_488 = arith.index_cast %swap3A_487 : i32 to index
          %swap3A_489 = arith.index_cast %mul3A_248 : i32 to index
          %swap3A_490 = tpu.vector_load %arg12[%swap3A_488, %swap3A_489] {strides = array<i32>} : memref<8x4000xf32, #tpu.memory_space<vmem>>, vector<16xf32>,
          tpu.vector_store %arg12[%swap3A_488, %swap3A_489], %max3A_486 {strides = array<i32>} : memref<8x4000xf32, #tpu.memory_space<vmem>>, vector<16xf32>,
          %add3A_491 = arith.constant 16000 : i32
          %add3A_492 = vector.broadcast %add3A_491 : i32 to vector<16xi32>
          %add3A_493 = arith.addi %select_n3A_320, %add3A_492 : vector<16xi32>
          %gather3A_494 = tpu.vector_load_idx %arg7[%add3A_493] : memref<25600xf32, #tpu.memory_space<vmem>>[vector<16xi32>], vector<16xf32>,
          %add3A_495 = arith.constant 16000 : i32
          %add3A_496 = vector.broadcast %add3A_495 : i32 to vector<16xi32>
          %add3A_497 = arith.addi %add3A_323, %add3A_496 : vector<16xi32>
          %gather3A_498 = tpu.vector_load_idx %arg7[%add3A_497] : memref<25600xf32, #tpu.memory_space<vmem>>[vector<16xi32>], vector<16xf32>,
          %add3A_499 = arith.constant 16000 : i32
          %add3A_500 = vector.broadcast %add3A_499 : i32 to vector<16xi32>
          %add3A_501 = arith.addi %add3A_326, %add3A_500 : vector<16xi32>
          %gather3A_502 = tpu.vector_load_idx %arg7[%add3A_501] : memref<25600xf32, #tpu.memory_space<vmem>>[vector<16xi32>], vector<16xf32>,
          %add3A_503 = arith.constant 16000 : i32
          %add3A_504 = vector.broadcast %add3A_503 : i32 to vector<16xi32>
          %add3A_505 = arith.addi %add3A_332, %add3A_504 : vector<16xi32>
          %gather3A_506 = tpu.vector_load_idx %arg7[%add3A_505] : memref<25600xf32, #tpu.memory_space<vmem>>[vector<16xi32>], vector<16xf32>,
          %mul3A_507 = arith.mulf %mul3A_310, %gather3A_494 : vector<16xf32>
          %mul3A_508 = arith.mulf %mul3A_311, %gather3A_498 : vector<16xf32>
          %add3A_509 = arith.addf %mul3A_507, %mul3A_508 : vector<16xf32>
          %mul3A_510 = arith.mulf %mul3A_312, %gather3A_502 : vector<16xf32>
          %mul3A_511 = arith.mulf %mul3A_313, %gather3A_506 : vector<16xf32>
          %add3A_512 = arith.addf %mul3A_510, %mul3A_511 : vector<16xf32>
          %add3A_513 = arith.addf %add3A_509, %add3A_512 : vector<16xf32>
          %get3A_514 = arith.constant 5 : i32
          %get3A_515 = arith.index_cast %get3A_514 : i32 to index
          %get3A_516 = arith.index_cast %mul3A_248 : i32 to index
          %get3A_517 = tpu.vector_load %arg12[%get3A_515, %get3A_516] {strides = array<i32>} : memref<8x4000xf32, #tpu.memory_space<vmem>>, vector<16xf32>,
          %max3A_518 = arith.maximumf %get3A_517, %add3A_513 : vector<16xf32>
          %swap3A_519 = arith.constant 5 : i32
          %swap3A_520 = arith.index_cast %swap3A_519 : i32 to index
          %swap3A_521 = arith.index_cast %mul3A_248 : i32 to index
          %swap3A_522 = tpu.vector_load %arg12[%swap3A_520, %swap3A_521] {strides = array<i32>} : memref<8x4000xf32, #tpu.memory_space<vmem>>, vector<16xf32>,
          tpu.vector_store %arg12[%swap3A_520, %swap3A_521], %max3A_518 {strides = array<i32>} : memref<8x4000xf32, #tpu.memory_space<vmem>>, vector<16xf32>,
          %add3A_523 = arith.constant 19200 : i32
          %add3A_524 = vector.broadcast %add3A_523 : i32 to vector<16xi32>
          %add3A_525 = arith.addi %select_n3A_320, %add3A_524 : vector<16xi32>
          %gather3A_526 = tpu.vector_load_idx %arg7[%add3A_525] : memref<25600xf32, #tpu.memory_space<vmem>>[vector<16xi32>], vector<16xf32>,
          %add3A_527 = arith.constant 19200 : i32
          %add3A_528 = vector.broadcast %add3A_527 : i32 to vector<16xi32>
          %add3A_529 = arith.addi %add3A_323, %add3A_528 : vector<16xi32>
          %gather3A_530 = tpu.vector_load_idx %arg7[%add3A_529] : memref<25600xf32, #tpu.memory_space<vmem>>[vector<16xi32>], vector<16xf32>,
          %add3A_531 = arith.constant 19200 : i32
          %add3A_532 = vector.broadcast %add3A_531 : i32 to vector<16xi32>
          %add3A_533 = arith.addi %add3A_326, %add3A_532 : vector<16xi32>
          %gather3A_534 = tpu.vector_load_idx %arg7[%add3A_533] : memref<25600xf32, #tpu.memory_space<vmem>>[vector<16xi32>], vector<16xf32>,
          %add3A_535 = arith.constant 19200 : i32
          %add3A_536 = vector.broadcast %add3A_535 : i32 to vector<16xi32>
          %add3A_537 = arith.addi %add3A_332, %add3A_536 : vector<16xi32>
          %gather3A_538 = tpu.vector_load_idx %arg7[%add3A_537] : memref<25600xf32, #tpu.memory_space<vmem>>[vector<16xi32>], vector<16xf32>,
          %mul3A_539 = arith.mulf %mul3A_310, %gather3A_526 : vector<16xf32>
          %mul3A_540 = arith.mulf %mul3A_311, %gather3A_530 : vector<16xf32>
          %add3A_541 = arith.addf %mul3A_539, %mul3A_540 : vector<16xf32>
          %mul3A_542 = arith.mulf %mul3A_312, %gather3A_534 : vector<16xf32>
          %mul3A_543 = arith.mulf %mul3A_313, %gather3A_538 : vector<16xf32>
          %add3A_544 = arith.addf %mul3A_542, %mul3A_543 : vector<16xf32>
          %add3A_545 = arith.addf %add3A_541, %add3A_544 : vector<16xf32>
          %get3A_546 = arith.constant 6 : i32
          %get3A_547 = arith.index_cast %get3A_546 : i32 to index
          %get3A_548 = arith.index_cast %mul3A_248 : i32 to index
          %get3A_549 = tpu.vector_load %arg12[%get3A_547, %get3A_548] {strides = array<i32>} : memref<8x4000xf32, #tpu.memory_space<vmem>>, vector<16xf32>,
          %max3A_550 = arith.maximumf %get3A_549, %add3A_545 : vector<16xf32>
          %swap3A_551 = arith.constant 6 : i32
          %swap3A_552 = arith.index_cast %swap3A_551 : i32 to index
          %swap3A_553 = arith.index_cast %mul3A_248 : i32 to index
          %swap3A_554 = tpu.vector_load %arg12[%swap3A_552, %swap3A_553] {strides = array<i32>} : memref<8x4000xf32, #tpu.memory_space<vmem>>, vector<16xf32>,
          tpu.vector_store %arg12[%swap3A_552, %swap3A_553], %max3A_550 {strides = array<i32>} : memref<8x4000xf32, #tpu.memory_space<vmem>>, vector<16xf32>,
          %add3A_555 = arith.constant 22400 : i32
          %add3A_556 = vector.broadcast %add3A_555 : i32 to vector<16xi32>
          %add3A_557 = arith.addi %select_n3A_320, %add3A_556 : vector<16xi32>
          %gather3A_558 = tpu.vector_load_idx %arg7[%add3A_557] : memref<25600xf32, #tpu.memory_space<vmem>>[vector<16xi32>], vector<16xf32>,
          %add3A_559 = arith.constant 22400 : i32
          %add3A_560 = vector.broadcast %add3A_559 : i32 to vector<16xi32>
          %add3A_561 = arith.addi %add3A_323, %add3A_560 : vector<16xi32>
          %gather3A_562 = tpu.vector_load_idx %arg7[%add3A_561] : memref<25600xf32, #tpu.memory_space<vmem>>[vector<16xi32>], vector<16xf32>,
          %add3A_563 = arith.constant 22400 : i32
          %add3A_564 = vector.broadcast %add3A_563 : i32 to vector<16xi32>
          %add3A_565 = arith.addi %add3A_326, %add3A_564 : vector<16xi32>
          %gather3A_566 = tpu.vector_load_idx %arg7[%add3A_565] : memref<25600xf32, #tpu.memory_space<vmem>>[vector<16xi32>], vector<16xf32>,
          %add3A_567 = arith.constant 22400 : i32
          %add3A_568 = vector.broadcast %add3A_567 : i32 to vector<16xi32>
          %add3A_569 = arith.addi %add3A_332, %add3A_568 : vector<16xi32>
          %gather3A_570 = tpu.vector_load_idx %arg7[%add3A_569] : memref<25600xf32, #tpu.memory_space<vmem>>[vector<16xi32>], vector<16xf32>,
          %mul3A_571 = arith.mulf %mul3A_310, %gather3A_558 : vector<16xf32>
          %mul3A_572 = arith.mulf %mul3A_311, %gather3A_562 : vector<16xf32>
          %add3A_573 = arith.addf %mul3A_571, %mul3A_572 : vector<16xf32>
          %mul3A_574 = arith.mulf %mul3A_312, %gather3A_566 : vector<16xf32>
          %mul3A_575 = arith.mulf %mul3A_313, %gather3A_570 : vector<16xf32>
          %add3A_576 = arith.addf %mul3A_574, %mul3A_575 : vector<16xf32>
          %add3A_577 = arith.addf %add3A_573, %add3A_576 : vector<16xf32>
          %get3A_578 = arith.constant 7 : i32
          %get3A_579 = arith.index_cast %get3A_578 : i32 to index
          %get3A_580 = arith.index_cast %mul3A_248 : i32 to index
          %get3A_581 = tpu.vector_load %arg12[%get3A_579, %get3A_580] {strides = array<i32>} : memref<8x4000xf32, #tpu.memory_space<vmem>>, vector<16xf32>,
          %max3A_582 = arith.maximumf %get3A_581, %add3A_577 : vector<16xf32>
          %swap3A_583 = arith.constant 7 : i32
          %swap3A_584 = arith.index_cast %swap3A_583 : i32 to index
          %swap3A_585 = arith.index_cast %mul3A_248 : i32 to index
          %swap3A_586 = tpu.vector_load %arg12[%swap3A_584, %swap3A_585] {strides = array<i32>} : memref<8x4000xf32, #tpu.memory_space<vmem>>, vector<16xf32>,
          tpu.vector_store %arg12[%swap3A_584, %swap3A_585], %max3A_582 {strides = array<i32>} : memref<8x4000xf32, #tpu.memory_space<vmem>>, vector<16xf32>,
          %cond3A_587 = arith.constant 0 : i32
          scf.yield %cond3A_587 : i32
        } else {
          %swap3A = arith.constant 1 : i32
          %swap3A_291 = arith.index_cast %scan3A_245 : i32 to index
          %swap3A_292 = memref.load %arg13[%swap3A_291] : memref<250xi32, #tpu.memory_space<smem>>
          memref.store %swap3A, %arg13[%swap3A_291] : memref<250xi32, #tpu.memory_space<smem>>
          %cond3A_293 = arith.constant 0 : i32
          scf.yield %cond3A_293 : i32
        }
        %scan3A_290 = arith.constant 0 : i32
        scf.yield %scan3A_290 : i32
      }
      %scan3A_185 = arith.constant 250 : i32
      %dma_wait3A_186 = tpu.memref_slice %arg2[%mul3A_166] : memref<4915200xf32, #tpu.memory_space<hbm>> -> memref<25600xf32, #tpu.memory_space<hbm>>
      %dma_wait3A_187 = tpu.memref_slice %arg2[%mul3A_166] : memref<4915200xf32, #tpu.memory_space<hbm>> -> memref<25600xf32, #tpu.memory_space<hbm>>
      tpu.wait_dma2 semaphore(%arg14 : memref<!tpu.dma_semaphore, #tpu.memory_space<semaphore_mem>>) src(%dma_wait3A_187 : memref<25600xf32, #tpu.memory_space<hbm>>) dst(%arg6 : memref<25600xf32, #tpu.memory_space<vmem>>)
      %dma_wait3A_188 = tpu.memref_slice %arg3[%add3A_171] : memref<480000xf32, #tpu.memory_space<hbm>> -> memref<4000xf32, #tpu.memory_space<hbm>>
      %dma_wait3A_189 = tpu.memref_slice %arg3[%add3A_171] : memref<480000xf32, #tpu.memory_space<hbm>> -> memref<4000xf32, #tpu.memory_space<hbm>>
      tpu.wait_dma2 semaphore(%arg14 : memref<!tpu.dma_semaphore, #tpu.memory_space<semaphore_mem>>) src(%dma_wait3A_189 : memref<4000xf32, #tpu.memory_space<hbm>>) dst(%arg8 : memref<4000xf32, #tpu.memory_space<vmem>>)
      %dma_wait3A_190 = tpu.memref_slice %arg4[%add3A_176] : memref<480000xf32, #tpu.memory_space<hbm>> -> memref<4000xf32, #tpu.memory_space<hbm>>
      %dma_wait3A_191 = tpu.memref_slice %arg4[%add3A_176] : memref<480000xf32, #tpu.memory_space<hbm>> -> memref<4000xf32, #tpu.memory_space<hbm>>
      tpu.wait_dma2 semaphore(%arg14 : memref<!tpu.dma_semaphore, #tpu.memory_space<semaphore_mem>>) src(%dma_wait3A_191 : memref<4000xf32, #tpu.memory_space<hbm>>) dst(%arg10 : memref<4000xf32, #tpu.memory_space<vmem>>)
      %mul3A_192 = arith.constant 6 : i32
      %mul3A_193 = arith.muli %div3A_18, %mul3A_192 : i32
      %add3A_194 = arith.constant 5 : i32
      %add3A_195 = arith.addi %mul3A_193, %add3A_194 : i32
      %mul3A_196 = arith.constant 64 : i32
      %mul3A_197 = arith.muli %add3A_195, %mul3A_196 : i32
      %mul3A_198 = arith.constant 8 : i32
      %mul3A_199 = arith.muli %rem3A_16, %mul3A_198 : i32
      %add3A_200 = arith.addi %mul3A_197, %mul3A_199 : i32
      %mul3A_201 = arith.constant 3200 : i32
      %mul3A_202 = arith.muli %add3A_200, %mul3A_201 : i32
      %dma_start3A_203 = tpu.memref_slice %arg2[%mul3A_202] : memref<4915200xf32, #tpu.memory_space<hbm>> -> memref<25600xf32, #tpu.memory_space<hbm>>
      %dma_start3A_204 = tpu.memref_slice %arg2[%mul3A_202] : memref<4915200xf32, #tpu.memory_space<hbm>> -> memref<25600xf32, #tpu.memory_space<hbm>>
      tpu.enqueue_dma source(%dma_start3A_204 : memref<25600xf32, #tpu.memory_space<hbm>>) target(%arg7 : memref<25600xf32, #tpu.memory_space<vmem>>) target_semaphore(%arg15 : memref<!tpu.dma_semaphore, #tpu.memory_space<semaphore_mem>>)
      %mul3A_205 = arith.constant 20000 : i32
      %mul3A_206 = arith.muli %add3A_195, %mul3A_205 : i32
      %add3A_207 = arith.addi %mul3A_206, %mul3A_20 : i32
      %dma_start3A_208 = tpu.memref_slice %arg3[%add3A_207] : memref<480000xf32, #tpu.memory_space<hbm>> -> memref<4000xf32, #tpu.memory_space<hbm>>
      %dma_start3A_209 = tpu.memref_slice %arg3[%add3A_207] : memref<480000xf32, #tpu.memory_space<hbm>> -> memref<4000xf32, #tpu.memory_space<hbm>>
      tpu.enqueue_dma source(%dma_start3A_209 : memref<4000xf32, #tpu.memory_space<hbm>>) target(%arg9 : memref<4000xf32, #tpu.memory_space<vmem>>) target_semaphore(%arg15 : memref<!tpu.dma_semaphore, #tpu.memory_space<semaphore_mem>>)
      %mul3A_210 = arith.constant 20000 : i32
      %mul3A_211 = arith.muli %add3A_195, %mul3A_210 : i32
      %add3A_212 = arith.addi %mul3A_211, %mul3A_20 : i32
      %dma_start3A_213 = tpu.memref_slice %arg4[%add3A_212] : memref<480000xf32, #tpu.memory_space<hbm>> -> memref<4000xf32, #tpu.memory_space<hbm>>
      %dma_start3A_214 = tpu.memref_slice %arg4[%add3A_212] : memref<480000xf32, #tpu.memory_space<hbm>> -> memref<4000xf32, #tpu.memory_space<hbm>>
      tpu.enqueue_dma source(%dma_start3A_214 : memref<4000xf32, #tpu.memory_space<hbm>>) target(%arg11 : memref<4000xf32, #tpu.memory_space<vmem>>) target_semaphore(%arg15 : memref<!tpu.dma_semaphore, #tpu.memory_space<semaphore_mem>>)
      %scan3A_215 = arith.constant 0 : i32
      %scan3A_216 = arith.constant 0 : i32
      %scan3A_217 = arith.constant 250 : i32
      %scan3A_218 = arith.addi %scan3A_216, %scan3A_217 : i32
      %scan3A_219 = arith.constant 1 : i32
      %scan3A_220 = scf.for %scan3A_245 = %scan3A_216 to %scan3A_218 step %scan3A_219 iter_args(%scan3A_246 = %scan3A_215) -> (i32)  : i32 {
        %mul3A_247 = arith.constant 16 : i32
        %mul3A_248 = arith.muli %scan3A_245, %mul3A_247 : i32
        %get3A = arith.index_cast %mul3A_248 : i32 to index
        %get3A_249 = tpu.vector_load %arg8[%get3A] {strides = array<i32>} : memref<4000xf32, #tpu.memory_space<vmem>>, vector<16xf32>,
        %jit3A = arith.constant -4.000000e+04 : f32
        %jit3A_250 = arith.constant 4.000000e+04 : f32
        %max3A = vector.broadcast %jit3A : f32 to vector<16xf32>
        %max3A_251 = arith.maximumf %max3A, %get3A_249 : vector<16xf32>
        %min3A = vector.broadcast %jit3A_250 : f32 to vector<16xf32>
        %min3A_252 = arith.minimumf %min3A, %max3A_251 : vector<16xf32>
        %get3A_253 = arith.index_cast %mul3A_248 : i32 to index
        %get3A_254 = tpu.vector_load %arg10[%get3A_253] {strides = array<i32>} : memref<4000xf32, #tpu.memory_space<vmem>>, vector<16xf32>,
        %jit3A_255 = arith.constant -4.000000e+04 : f32
        %jit3A_256 = arith.constant 4.000000e+04 : f32
        %max3A_257 = vector.broadcast %jit3A_255 : f32 to vector<16xf32>
        %max3A_258 = arith.maximumf %max3A_257, %get3A_254 : vector<16xf32>
        %min3A_259 = vector.broadcast %jit3A_256 : f32 to vector<16xf32>
        %min3A_260 = arith.minimumf %min3A_259, %max3A_258 : vector<16xf32>
        %convert_element_type3A = arith.fptosi %min3A_252 : vector<16xf32> to vector<16xi32>
        %convert_element_type3A_261 = arith.fptosi %min3A_260 : vector<16xf32> to vector<16xi32>
        %convert_element_type3A_262 = arith.sitofp %convert_element_type3A : vector<16xi32> to vector<16xf32>
        %lt3A = arith.cmpf olt, %min3A_252, %convert_element_type3A_262 : vector<16xf32>
        %sub3A = arith.constant 1 : i32
        %sub3A_263 = vector.broadcast %sub3A : i32 to vector<16xi32>
        %sub3A_264 = arith.subi %convert_element_type3A, %sub3A_263 : vector<16xi32>
        %select_n3A = arith.select %lt3A, %sub3A_264, %convert_element_type3A : vector<16xi1>, vector<16xi32>
        %convert_element_type3A_265 = arith.sitofp %convert_element_type3A_261 : vector<16xi32> to vector<16xf32>
        %lt3A_266 = arith.cmpf olt, %min3A_260, %convert_element_type3A_265 : vector<16xf32>
        %sub3A_267 = arith.constant 1 : i32
        %sub3A_268 = vector.broadcast %sub3A_267 : i32 to vector<16xi32>
        %sub3A_269 = arith.subi %convert_element_type3A_261, %sub3A_268 : vector<16xi32>
        %select_n3A_270 = arith.select %lt3A_266, %sub3A_269, %convert_element_type3A_261 : vector<16xi1>, vector<16xi32>
        %le3A = arith.constant 78 : i32
        %le3A_271 = vector.broadcast %le3A : i32 to vector<16xi32>
        %le3A_272 = arith.cmpi ule, %select_n3A, %le3A_271 : vector<16xi32>
        %le3A_273 = arith.constant 38 : i32
        %le3A_274 = vector.broadcast %le3A_273 : i32 to vector<16xi32>
        %le3A_275 = arith.cmpi ule, %select_n3A_270, %le3A_274 : vector<16xi32>
        %and3A = arith.andi %le3A_272, %le3A_275 : vector<16xi1>
        %reduce_or3A = arith.constant 1.000000e+00 : f32
        %reduce_or3A_276 = arith.constant 0.000000e+00 : f32
        %reduce_or3A_277 = vector.broadcast %reduce_or3A : f32 to vector<16xf32>
        %reduce_or3A_278 = vector.broadcast %reduce_or3A_276 : f32 to vector<16xf32>
        %reduce_or3A_279 = arith.select %and3A, %reduce_or3A_277, %reduce_or3A_278 : vector<16xi1>, vector<16xf32>
        %reduce_or3A_280 = arith.constant true
        %reduce_or3A_281 = vector.broadcast %reduce_or3A_280 : i1 to vector<16xi1>
        %reduce_or3A_282 = tpu.scan <max>, %reduce_or3A_279 masked %reduce_or3A_281 : vector<16xf32>, vector<16xi1> -> vector<16xf32>
        %reduce_or3A_283 = vector.extract %reduce_or3A_282[15] : f32 from vector<16xf32>
        %reduce_or3A_284 = arith.constant 0.000000e+00 : f32
        %reduce_or3A_285 = arith.cmpf ogt, %reduce_or3A_283, %reduce_or3A_284 : f32
        %convert_element_type3A_286 = arith.extui %reduce_or3A_285 : i1 to i32
        %cond3A = arith.constant 0 : i32
        %cond3A_287 = arith.constant 0 : i32
        %cond3A_288 = arith.cmpi ne, %convert_element_type3A_286, %cond3A_287 : i32
        %cond3A_289 = scf.if %cond3A_288 -> (i32) {
          %convert_element_type3A_291 = arith.sitofp %select_n3A : vector<16xi32> to vector<16xf32>
          %convert_element_type3A_292 = arith.sitofp %select_n3A_270 : vector<16xi32> to vector<16xf32>
          %sub3A_293 = arith.subf %min3A_252, %convert_element_type3A_291 : vector<16xf32>
          %add3A_294 = arith.constant 1.000000e+00 : f32
          %add3A_295 = vector.broadcast %add3A_294 : f32 to vector<16xf32>
          %add3A_296 = arith.addf %convert_element_type3A_291, %add3A_295 : vector<16xf32>
          %sub3A_297 = arith.subf %add3A_296, %min3A_252 : vector<16xf32>
          %jit3A_298 = arith.constant 1.000000e+00 : f32
          %jit3A_299 = arith.constant 0.000000e+00 : f32
          %broadcast_in_dim3A_300 = vector.broadcast %jit3A_298 : f32 to vector<16xf32>
          %broadcast_in_dim3A_301 = vector.broadcast %jit3A_299 : f32 to vector<16xf32>
          %select_n3A_302 = arith.select %and3A, %broadcast_in_dim3A_300, %broadcast_in_dim3A_301 : vector<16xi1>, vector<16xf32>
          %sub3A_303 = arith.subf %min3A_260, %convert_element_type3A_292 : vector<16xf32>
          %mul3A_304 = arith.mulf %sub3A_303, %select_n3A_302 : vector<16xf32>
          %add3A_305 = arith.constant 1.000000e+00 : f32
          %add3A_306 = vector.broadcast %add3A_305 : f32 to vector<16xf32>
          %add3A_307 = arith.addf %convert_element_type3A_292, %add3A_306 : vector<16xf32>
          %sub3A_308 = arith.subf %add3A_307, %min3A_260 : vector<16xf32>
          %mul3A_309 = arith.mulf %sub3A_308, %select_n3A_302 : vector<16xf32>
          %mul3A_310 = arith.mulf %sub3A_297, %mul3A_309 : vector<16xf32>
          %mul3A_311 = arith.mulf %sub3A_297, %mul3A_304 : vector<16xf32>
          %mul3A_312 = arith.mulf %sub3A_293, %mul3A_309 : vector<16xf32>
          %mul3A_313 = arith.mulf %sub3A_293, %mul3A_304 : vector<16xf32>
          %mul3A_314 = arith.constant 80 : i32
          %mul3A_315 = vector.broadcast %mul3A_314 : i32 to vector<16xi32>
          %mul3A_316 = arith.muli %select_n3A_270, %mul3A_315 : vector<16xi32>
          %add3A_317 = arith.addi %mul3A_316, %select_n3A : vector<16xi32>
          %jit3A_318 = arith.constant 0 : i32
          %broadcast_in_dim3A_319 = vector.broadcast %jit3A_318 : i32 to vector<16xi32>
          %select_n3A_320 = arith.select %and3A, %add3A_317, %broadcast_in_dim3A_319 : vector<16xi1>, vector<16xi32>
          %add3A_321 = arith.constant 80 : i32
          %add3A_322 = vector.broadcast %add3A_321 : i32 to vector<16xi32>
          %add3A_323 = arith.addi %select_n3A_320, %add3A_322 : vector<16xi32>
          %add3A_324 = arith.constant 1 : i32
          %add3A_325 = vector.broadcast %add3A_324 : i32 to vector<16xi32>
          %add3A_326 = arith.addi %select_n3A_320, %add3A_325 : vector<16xi32>
          %add3A_327 = arith.constant 80 : i32
          %add3A_328 = vector.broadcast %add3A_327 : i32 to vector<16xi32>
          %add3A_329 = arith.addi %select_n3A_320, %add3A_328 : vector<16xi32>
          %add3A_330 = arith.constant 1 : i32
          %add3A_331 = vector.broadcast %add3A_330 : i32 to vector<16xi32>
          %add3A_332 = arith.addi %add3A_329, %add3A_331 : vector<16xi32>
          %add3A_333 = arith.constant 0 : i32
          %add3A_334 = vector.broadcast %add3A_333 : i32 to vector<16xi32>
          %add3A_335 = arith.addi %select_n3A_320, %add3A_334 : vector<16xi32>
          %gather3A = tpu.vector_load_idx %arg6[%add3A_335] : memref<25600xf32, #tpu.memory_space<vmem>>[vector<16xi32>], vector<16xf32>,
          %add3A_336 = arith.constant 0 : i32
          %add3A_337 = vector.broadcast %add3A_336 : i32 to vector<16xi32>
          %add3A_338 = arith.addi %add3A_323, %add3A_337 : vector<16xi32>
          %gather3A_339 = tpu.vector_load_idx %arg6[%add3A_338] : memref<25600xf32, #tpu.memory_space<vmem>>[vector<16xi32>], vector<16xf32>,
          %add3A_340 = arith.constant 0 : i32
          %add3A_341 = vector.broadcast %add3A_340 : i32 to vector<16xi32>
          %add3A_342 = arith.addi %add3A_326, %add3A_341 : vector<16xi32>
          %gather3A_343 = tpu.vector_load_idx %arg6[%add3A_342] : memref<25600xf32, #tpu.memory_space<vmem>>[vector<16xi32>], vector<16xf32>,
          %add3A_344 = arith.constant 0 : i32
          %add3A_345 = vector.broadcast %add3A_344 : i32 to vector<16xi32>
          %add3A_346 = arith.addi %add3A_332, %add3A_345 : vector<16xi32>
          %gather3A_347 = tpu.vector_load_idx %arg6[%add3A_346] : memref<25600xf32, #tpu.memory_space<vmem>>[vector<16xi32>], vector<16xf32>,
          %mul3A_348 = arith.mulf %mul3A_310, %gather3A : vector<16xf32>
          %mul3A_349 = arith.mulf %mul3A_311, %gather3A_339 : vector<16xf32>
          %add3A_350 = arith.addf %mul3A_348, %mul3A_349 : vector<16xf32>
          %mul3A_351 = arith.mulf %mul3A_312, %gather3A_343 : vector<16xf32>
          %mul3A_352 = arith.mulf %mul3A_313, %gather3A_347 : vector<16xf32>
          %add3A_353 = arith.addf %mul3A_351, %mul3A_352 : vector<16xf32>
          %add3A_354 = arith.addf %add3A_350, %add3A_353 : vector<16xf32>
          %get3A_355 = arith.constant 0 : i32
          %get3A_356 = arith.index_cast %get3A_355 : i32 to index
          %get3A_357 = arith.index_cast %mul3A_248 : i32 to index
          %get3A_358 = tpu.vector_load %arg12[%get3A_356, %get3A_357] {strides = array<i32>} : memref<8x4000xf32, #tpu.memory_space<vmem>>, vector<16xf32>,
          %max3A_359 = arith.maximumf %get3A_358, %add3A_354 : vector<16xf32>
          %swap3A = arith.constant 0 : i32
          %swap3A_360 = arith.index_cast %swap3A : i32 to index
          %swap3A_361 = arith.index_cast %mul3A_248 : i32 to index
          %swap3A_362 = tpu.vector_load %arg12[%swap3A_360, %swap3A_361] {strides = array<i32>} : memref<8x4000xf32, #tpu.memory_space<vmem>>, vector<16xf32>,
          tpu.vector_store %arg12[%swap3A_360, %swap3A_361], %max3A_359 {strides = array<i32>} : memref<8x4000xf32, #tpu.memory_space<vmem>>, vector<16xf32>,
          %add3A_363 = arith.constant 3200 : i32
          %add3A_364 = vector.broadcast %add3A_363 : i32 to vector<16xi32>
          %add3A_365 = arith.addi %select_n3A_320, %add3A_364 : vector<16xi32>
          %gather3A_366 = tpu.vector_load_idx %arg6[%add3A_365] : memref<25600xf32, #tpu.memory_space<vmem>>[vector<16xi32>], vector<16xf32>,
          %add3A_367 = arith.constant 3200 : i32
          %add3A_368 = vector.broadcast %add3A_367 : i32 to vector<16xi32>
          %add3A_369 = arith.addi %add3A_323, %add3A_368 : vector<16xi32>
          %gather3A_370 = tpu.vector_load_idx %arg6[%add3A_369] : memref<25600xf32, #tpu.memory_space<vmem>>[vector<16xi32>], vector<16xf32>,
          %add3A_371 = arith.constant 3200 : i32
          %add3A_372 = vector.broadcast %add3A_371 : i32 to vector<16xi32>
          %add3A_373 = arith.addi %add3A_326, %add3A_372 : vector<16xi32>
          %gather3A_374 = tpu.vector_load_idx %arg6[%add3A_373] : memref<25600xf32, #tpu.memory_space<vmem>>[vector<16xi32>], vector<16xf32>,
          %add3A_375 = arith.constant 3200 : i32
          %add3A_376 = vector.broadcast %add3A_375 : i32 to vector<16xi32>
          %add3A_377 = arith.addi %add3A_332, %add3A_376 : vector<16xi32>
          %gather3A_378 = tpu.vector_load_idx %arg6[%add3A_377] : memref<25600xf32, #tpu.memory_space<vmem>>[vector<16xi32>], vector<16xf32>,
          %mul3A_379 = arith.mulf %mul3A_310, %gather3A_366 : vector<16xf32>
          %mul3A_380 = arith.mulf %mul3A_311, %gather3A_370 : vector<16xf32>
          %add3A_381 = arith.addf %mul3A_379, %mul3A_380 : vector<16xf32>
          %mul3A_382 = arith.mulf %mul3A_312, %gather3A_374 : vector<16xf32>
          %mul3A_383 = arith.mulf %mul3A_313, %gather3A_378 : vector<16xf32>
          %add3A_384 = arith.addf %mul3A_382, %mul3A_383 : vector<16xf32>
          %add3A_385 = arith.addf %add3A_381, %add3A_384 : vector<16xf32>
          %get3A_386 = arith.constant 1 : i32
          %get3A_387 = arith.index_cast %get3A_386 : i32 to index
          %get3A_388 = arith.index_cast %mul3A_248 : i32 to index
          %get3A_389 = tpu.vector_load %arg12[%get3A_387, %get3A_388] {strides = array<i32>} : memref<8x4000xf32, #tpu.memory_space<vmem>>, vector<16xf32>,
          %max3A_390 = arith.maximumf %get3A_389, %add3A_385 : vector<16xf32>
          %swap3A_391 = arith.constant 1 : i32
          %swap3A_392 = arith.index_cast %swap3A_391 : i32 to index
          %swap3A_393 = arith.index_cast %mul3A_248 : i32 to index
          %swap3A_394 = tpu.vector_load %arg12[%swap3A_392, %swap3A_393] {strides = array<i32>} : memref<8x4000xf32, #tpu.memory_space<vmem>>, vector<16xf32>,
          tpu.vector_store %arg12[%swap3A_392, %swap3A_393], %max3A_390 {strides = array<i32>} : memref<8x4000xf32, #tpu.memory_space<vmem>>, vector<16xf32>,
          %add3A_395 = arith.constant 6400 : i32
          %add3A_396 = vector.broadcast %add3A_395 : i32 to vector<16xi32>
          %add3A_397 = arith.addi %select_n3A_320, %add3A_396 : vector<16xi32>
          %gather3A_398 = tpu.vector_load_idx %arg6[%add3A_397] : memref<25600xf32, #tpu.memory_space<vmem>>[vector<16xi32>], vector<16xf32>,
          %add3A_399 = arith.constant 6400 : i32
          %add3A_400 = vector.broadcast %add3A_399 : i32 to vector<16xi32>
          %add3A_401 = arith.addi %add3A_323, %add3A_400 : vector<16xi32>
          %gather3A_402 = tpu.vector_load_idx %arg6[%add3A_401] : memref<25600xf32, #tpu.memory_space<vmem>>[vector<16xi32>], vector<16xf32>,
          %add3A_403 = arith.constant 6400 : i32
          %add3A_404 = vector.broadcast %add3A_403 : i32 to vector<16xi32>
          %add3A_405 = arith.addi %add3A_326, %add3A_404 : vector<16xi32>
          %gather3A_406 = tpu.vector_load_idx %arg6[%add3A_405] : memref<25600xf32, #tpu.memory_space<vmem>>[vector<16xi32>], vector<16xf32>,
          %add3A_407 = arith.constant 6400 : i32
          %add3A_408 = vector.broadcast %add3A_407 : i32 to vector<16xi32>
          %add3A_409 = arith.addi %add3A_332, %add3A_408 : vector<16xi32>
          %gather3A_410 = tpu.vector_load_idx %arg6[%add3A_409] : memref<25600xf32, #tpu.memory_space<vmem>>[vector<16xi32>], vector<16xf32>,
          %mul3A_411 = arith.mulf %mul3A_310, %gather3A_398 : vector<16xf32>
          %mul3A_412 = arith.mulf %mul3A_311, %gather3A_402 : vector<16xf32>
          %add3A_413 = arith.addf %mul3A_411, %mul3A_412 : vector<16xf32>
          %mul3A_414 = arith.mulf %mul3A_312, %gather3A_406 : vector<16xf32>
          %mul3A_415 = arith.mulf %mul3A_313, %gather3A_410 : vector<16xf32>
          %add3A_416 = arith.addf %mul3A_414, %mul3A_415 : vector<16xf32>
          %add3A_417 = arith.addf %add3A_413, %add3A_416 : vector<16xf32>
          %get3A_418 = arith.constant 2 : i32
          %get3A_419 = arith.index_cast %get3A_418 : i32 to index
          %get3A_420 = arith.index_cast %mul3A_248 : i32 to index
          %get3A_421 = tpu.vector_load %arg12[%get3A_419, %get3A_420] {strides = array<i32>} : memref<8x4000xf32, #tpu.memory_space<vmem>>, vector<16xf32>,
          %max3A_422 = arith.maximumf %get3A_421, %add3A_417 : vector<16xf32>
          %swap3A_423 = arith.constant 2 : i32
          %swap3A_424 = arith.index_cast %swap3A_423 : i32 to index
          %swap3A_425 = arith.index_cast %mul3A_248 : i32 to index
          %swap3A_426 = tpu.vector_load %arg12[%swap3A_424, %swap3A_425] {strides = array<i32>} : memref<8x4000xf32, #tpu.memory_space<vmem>>, vector<16xf32>,
          tpu.vector_store %arg12[%swap3A_424, %swap3A_425], %max3A_422 {strides = array<i32>} : memref<8x4000xf32, #tpu.memory_space<vmem>>, vector<16xf32>,
          %add3A_427 = arith.constant 9600 : i32
          %add3A_428 = vector.broadcast %add3A_427 : i32 to vector<16xi32>
          %add3A_429 = arith.addi %select_n3A_320, %add3A_428 : vector<16xi32>
          %gather3A_430 = tpu.vector_load_idx %arg6[%add3A_429] : memref<25600xf32, #tpu.memory_space<vmem>>[vector<16xi32>], vector<16xf32>,
          %add3A_431 = arith.constant 9600 : i32
          %add3A_432 = vector.broadcast %add3A_431 : i32 to vector<16xi32>
          %add3A_433 = arith.addi %add3A_323, %add3A_432 : vector<16xi32>
          %gather3A_434 = tpu.vector_load_idx %arg6[%add3A_433] : memref<25600xf32, #tpu.memory_space<vmem>>[vector<16xi32>], vector<16xf32>,
          %add3A_435 = arith.constant 9600 : i32
          %add3A_436 = vector.broadcast %add3A_435 : i32 to vector<16xi32>
          %add3A_437 = arith.addi %add3A_326, %add3A_436 : vector<16xi32>
          %gather3A_438 = tpu.vector_load_idx %arg6[%add3A_437] : memref<25600xf32, #tpu.memory_space<vmem>>[vector<16xi32>], vector<16xf32>,
          %add3A_439 = arith.constant 9600 : i32
          %add3A_440 = vector.broadcast %add3A_439 : i32 to vector<16xi32>
          %add3A_441 = arith.addi %add3A_332, %add3A_440 : vector<16xi32>
          %gather3A_442 = tpu.vector_load_idx %arg6[%add3A_441] : memref<25600xf32, #tpu.memory_space<vmem>>[vector<16xi32>], vector<16xf32>,
          %mul3A_443 = arith.mulf %mul3A_310, %gather3A_430 : vector<16xf32>
          %mul3A_444 = arith.mulf %mul3A_311, %gather3A_434 : vector<16xf32>
          %add3A_445 = arith.addf %mul3A_443, %mul3A_444 : vector<16xf32>
          %mul3A_446 = arith.mulf %mul3A_312, %gather3A_438 : vector<16xf32>
          %mul3A_447 = arith.mulf %mul3A_313, %gather3A_442 : vector<16xf32>
          %add3A_448 = arith.addf %mul3A_446, %mul3A_447 : vector<16xf32>
          %add3A_449 = arith.addf %add3A_445, %add3A_448 : vector<16xf32>
          %get3A_450 = arith.constant 3 : i32
          %get3A_451 = arith.index_cast %get3A_450 : i32 to index
          %get3A_452 = arith.index_cast %mul3A_248 : i32 to index
          %get3A_453 = tpu.vector_load %arg12[%get3A_451, %get3A_452] {strides = array<i32>} : memref<8x4000xf32, #tpu.memory_space<vmem>>, vector<16xf32>,
          %max3A_454 = arith.maximumf %get3A_453, %add3A_449 : vector<16xf32>
          %swap3A_455 = arith.constant 3 : i32
          %swap3A_456 = arith.index_cast %swap3A_455 : i32 to index
          %swap3A_457 = arith.index_cast %mul3A_248 : i32 to index
          %swap3A_458 = tpu.vector_load %arg12[%swap3A_456, %swap3A_457] {strides = array<i32>} : memref<8x4000xf32, #tpu.memory_space<vmem>>, vector<16xf32>,
          tpu.vector_store %arg12[%swap3A_456, %swap3A_457], %max3A_454 {strides = array<i32>} : memref<8x4000xf32, #tpu.memory_space<vmem>>, vector<16xf32>,
          %add3A_459 = arith.constant 12800 : i32
          %add3A_460 = vector.broadcast %add3A_459 : i32 to vector<16xi32>
          %add3A_461 = arith.addi %select_n3A_320, %add3A_460 : vector<16xi32>
          %gather3A_462 = tpu.vector_load_idx %arg6[%add3A_461] : memref<25600xf32, #tpu.memory_space<vmem>>[vector<16xi32>], vector<16xf32>,
          %add3A_463 = arith.constant 12800 : i32
          %add3A_464 = vector.broadcast %add3A_463 : i32 to vector<16xi32>
          %add3A_465 = arith.addi %add3A_323, %add3A_464 : vector<16xi32>
          %gather3A_466 = tpu.vector_load_idx %arg6[%add3A_465] : memref<25600xf32, #tpu.memory_space<vmem>>[vector<16xi32>], vector<16xf32>,
          %add3A_467 = arith.constant 12800 : i32
          %add3A_468 = vector.broadcast %add3A_467 : i32 to vector<16xi32>
          %add3A_469 = arith.addi %add3A_326, %add3A_468 : vector<16xi32>
          %gather3A_470 = tpu.vector_load_idx %arg6[%add3A_469] : memref<25600xf32, #tpu.memory_space<vmem>>[vector<16xi32>], vector<16xf32>,
          %add3A_471 = arith.constant 12800 : i32
          %add3A_472 = vector.broadcast %add3A_471 : i32 to vector<16xi32>
          %add3A_473 = arith.addi %add3A_332, %add3A_472 : vector<16xi32>
          %gather3A_474 = tpu.vector_load_idx %arg6[%add3A_473] : memref<25600xf32, #tpu.memory_space<vmem>>[vector<16xi32>], vector<16xf32>,
          %mul3A_475 = arith.mulf %mul3A_310, %gather3A_462 : vector<16xf32>
          %mul3A_476 = arith.mulf %mul3A_311, %gather3A_466 : vector<16xf32>
          %add3A_477 = arith.addf %mul3A_475, %mul3A_476 : vector<16xf32>
          %mul3A_478 = arith.mulf %mul3A_312, %gather3A_470 : vector<16xf32>
          %mul3A_479 = arith.mulf %mul3A_313, %gather3A_474 : vector<16xf32>
          %add3A_480 = arith.addf %mul3A_478, %mul3A_479 : vector<16xf32>
          %add3A_481 = arith.addf %add3A_477, %add3A_480 : vector<16xf32>
          %get3A_482 = arith.constant 4 : i32
          %get3A_483 = arith.index_cast %get3A_482 : i32 to index
          %get3A_484 = arith.index_cast %mul3A_248 : i32 to index
          %get3A_485 = tpu.vector_load %arg12[%get3A_483, %get3A_484] {strides = array<i32>} : memref<8x4000xf32, #tpu.memory_space<vmem>>, vector<16xf32>,
          %max3A_486 = arith.maximumf %get3A_485, %add3A_481 : vector<16xf32>
          %swap3A_487 = arith.constant 4 : i32
          %swap3A_488 = arith.index_cast %swap3A_487 : i32 to index
          %swap3A_489 = arith.index_cast %mul3A_248 : i32 to index
          %swap3A_490 = tpu.vector_load %arg12[%swap3A_488, %swap3A_489] {strides = array<i32>} : memref<8x4000xf32, #tpu.memory_space<vmem>>, vector<16xf32>,
          tpu.vector_store %arg12[%swap3A_488, %swap3A_489], %max3A_486 {strides = array<i32>} : memref<8x4000xf32, #tpu.memory_space<vmem>>, vector<16xf32>,
          %add3A_491 = arith.constant 16000 : i32
          %add3A_492 = vector.broadcast %add3A_491 : i32 to vector<16xi32>
          %add3A_493 = arith.addi %select_n3A_320, %add3A_492 : vector<16xi32>
          %gather3A_494 = tpu.vector_load_idx %arg6[%add3A_493] : memref<25600xf32, #tpu.memory_space<vmem>>[vector<16xi32>], vector<16xf32>,
          %add3A_495 = arith.constant 16000 : i32
          %add3A_496 = vector.broadcast %add3A_495 : i32 to vector<16xi32>
          %add3A_497 = arith.addi %add3A_323, %add3A_496 : vector<16xi32>
          %gather3A_498 = tpu.vector_load_idx %arg6[%add3A_497] : memref<25600xf32, #tpu.memory_space<vmem>>[vector<16xi32>], vector<16xf32>,
          %add3A_499 = arith.constant 16000 : i32
          %add3A_500 = vector.broadcast %add3A_499 : i32 to vector<16xi32>
          %add3A_501 = arith.addi %add3A_326, %add3A_500 : vector<16xi32>
          %gather3A_502 = tpu.vector_load_idx %arg6[%add3A_501] : memref<25600xf32, #tpu.memory_space<vmem>>[vector<16xi32>], vector<16xf32>,
          %add3A_503 = arith.constant 16000 : i32
          %add3A_504 = vector.broadcast %add3A_503 : i32 to vector<16xi32>
          %add3A_505 = arith.addi %add3A_332, %add3A_504 : vector<16xi32>
          %gather3A_506 = tpu.vector_load_idx %arg6[%add3A_505] : memref<25600xf32, #tpu.memory_space<vmem>>[vector<16xi32>], vector<16xf32>,
          %mul3A_507 = arith.mulf %mul3A_310, %gather3A_494 : vector<16xf32>
          %mul3A_508 = arith.mulf %mul3A_311, %gather3A_498 : vector<16xf32>
          %add3A_509 = arith.addf %mul3A_507, %mul3A_508 : vector<16xf32>
          %mul3A_510 = arith.mulf %mul3A_312, %gather3A_502 : vector<16xf32>
          %mul3A_511 = arith.mulf %mul3A_313, %gather3A_506 : vector<16xf32>
          %add3A_512 = arith.addf %mul3A_510, %mul3A_511 : vector<16xf32>
          %add3A_513 = arith.addf %add3A_509, %add3A_512 : vector<16xf32>
          %get3A_514 = arith.constant 5 : i32
          %get3A_515 = arith.index_cast %get3A_514 : i32 to index
          %get3A_516 = arith.index_cast %mul3A_248 : i32 to index
          %get3A_517 = tpu.vector_load %arg12[%get3A_515, %get3A_516] {strides = array<i32>} : memref<8x4000xf32, #tpu.memory_space<vmem>>, vector<16xf32>,
          %max3A_518 = arith.maximumf %get3A_517, %add3A_513 : vector<16xf32>
          %swap3A_519 = arith.constant 5 : i32
          %swap3A_520 = arith.index_cast %swap3A_519 : i32 to index
          %swap3A_521 = arith.index_cast %mul3A_248 : i32 to index
          %swap3A_522 = tpu.vector_load %arg12[%swap3A_520, %swap3A_521] {strides = array<i32>} : memref<8x4000xf32, #tpu.memory_space<vmem>>, vector<16xf32>,
          tpu.vector_store %arg12[%swap3A_520, %swap3A_521], %max3A_518 {strides = array<i32>} : memref<8x4000xf32, #tpu.memory_space<vmem>>, vector<16xf32>,
          %add3A_523 = arith.constant 19200 : i32
          %add3A_524 = vector.broadcast %add3A_523 : i32 to vector<16xi32>
          %add3A_525 = arith.addi %select_n3A_320, %add3A_524 : vector<16xi32>
          %gather3A_526 = tpu.vector_load_idx %arg6[%add3A_525] : memref<25600xf32, #tpu.memory_space<vmem>>[vector<16xi32>], vector<16xf32>,
          %add3A_527 = arith.constant 19200 : i32
          %add3A_528 = vector.broadcast %add3A_527 : i32 to vector<16xi32>
          %add3A_529 = arith.addi %add3A_323, %add3A_528 : vector<16xi32>
          %gather3A_530 = tpu.vector_load_idx %arg6[%add3A_529] : memref<25600xf32, #tpu.memory_space<vmem>>[vector<16xi32>], vector<16xf32>,
          %add3A_531 = arith.constant 19200 : i32
          %add3A_532 = vector.broadcast %add3A_531 : i32 to vector<16xi32>
          %add3A_533 = arith.addi %add3A_326, %add3A_532 : vector<16xi32>
          %gather3A_534 = tpu.vector_load_idx %arg6[%add3A_533] : memref<25600xf32, #tpu.memory_space<vmem>>[vector<16xi32>], vector<16xf32>,
          %add3A_535 = arith.constant 19200 : i32
          %add3A_536 = vector.broadcast %add3A_535 : i32 to vector<16xi32>
          %add3A_537 = arith.addi %add3A_332, %add3A_536 : vector<16xi32>
          %gather3A_538 = tpu.vector_load_idx %arg6[%add3A_537] : memref<25600xf32, #tpu.memory_space<vmem>>[vector<16xi32>], vector<16xf32>,
          %mul3A_539 = arith.mulf %mul3A_310, %gather3A_526 : vector<16xf32>
          %mul3A_540 = arith.mulf %mul3A_311, %gather3A_530 : vector<16xf32>
          %add3A_541 = arith.addf %mul3A_539, %mul3A_540 : vector<16xf32>
          %mul3A_542 = arith.mulf %mul3A_312, %gather3A_534 : vector<16xf32>
          %mul3A_543 = arith.mulf %mul3A_313, %gather3A_538 : vector<16xf32>
          %add3A_544 = arith.addf %mul3A_542, %mul3A_543 : vector<16xf32>
          %add3A_545 = arith.addf %add3A_541, %add3A_544 : vector<16xf32>
          %get3A_546 = arith.constant 6 : i32
          %get3A_547 = arith.index_cast %get3A_546 : i32 to index
          %get3A_548 = arith.index_cast %mul3A_248 : i32 to index
          %get3A_549 = tpu.vector_load %arg12[%get3A_547, %get3A_548] {strides = array<i32>} : memref<8x4000xf32, #tpu.memory_space<vmem>>, vector<16xf32>,
          %max3A_550 = arith.maximumf %get3A_549, %add3A_545 : vector<16xf32>
          %swap3A_551 = arith.constant 6 : i32
          %swap3A_552 = arith.index_cast %swap3A_551 : i32 to index
          %swap3A_553 = arith.index_cast %mul3A_248 : i32 to index
          %swap3A_554 = tpu.vector_load %arg12[%swap3A_552, %swap3A_553] {strides = array<i32>} : memref<8x4000xf32, #tpu.memory_space<vmem>>, vector<16xf32>,
          tpu.vector_store %arg12[%swap3A_552, %swap3A_553], %max3A_550 {strides = array<i32>} : memref<8x4000xf32, #tpu.memory_space<vmem>>, vector<16xf32>,
          %add3A_555 = arith.constant 22400 : i32
          %add3A_556 = vector.broadcast %add3A_555 : i32 to vector<16xi32>
          %add3A_557 = arith.addi %select_n3A_320, %add3A_556 : vector<16xi32>
          %gather3A_558 = tpu.vector_load_idx %arg6[%add3A_557] : memref<25600xf32, #tpu.memory_space<vmem>>[vector<16xi32>], vector<16xf32>,
          %add3A_559 = arith.constant 22400 : i32
          %add3A_560 = vector.broadcast %add3A_559 : i32 to vector<16xi32>
          %add3A_561 = arith.addi %add3A_323, %add3A_560 : vector<16xi32>
          %gather3A_562 = tpu.vector_load_idx %arg6[%add3A_561] : memref<25600xf32, #tpu.memory_space<vmem>>[vector<16xi32>], vector<16xf32>,
          %add3A_563 = arith.constant 22400 : i32
          %add3A_564 = vector.broadcast %add3A_563 : i32 to vector<16xi32>
          %add3A_565 = arith.addi %add3A_326, %add3A_564 : vector<16xi32>
          %gather3A_566 = tpu.vector_load_idx %arg6[%add3A_565] : memref<25600xf32, #tpu.memory_space<vmem>>[vector<16xi32>], vector<16xf32>,
          %add3A_567 = arith.constant 22400 : i32
          %add3A_568 = vector.broadcast %add3A_567 : i32 to vector<16xi32>
          %add3A_569 = arith.addi %add3A_332, %add3A_568 : vector<16xi32>
          %gather3A_570 = tpu.vector_load_idx %arg6[%add3A_569] : memref<25600xf32, #tpu.memory_space<vmem>>[vector<16xi32>], vector<16xf32>,
          %mul3A_571 = arith.mulf %mul3A_310, %gather3A_558 : vector<16xf32>
          %mul3A_572 = arith.mulf %mul3A_311, %gather3A_562 : vector<16xf32>
          %add3A_573 = arith.addf %mul3A_571, %mul3A_572 : vector<16xf32>
          %mul3A_574 = arith.mulf %mul3A_312, %gather3A_566 : vector<16xf32>
          %mul3A_575 = arith.mulf %mul3A_313, %gather3A_570 : vector<16xf32>
          %add3A_576 = arith.addf %mul3A_574, %mul3A_575 : vector<16xf32>
          %add3A_577 = arith.addf %add3A_573, %add3A_576 : vector<16xf32>
          %get3A_578 = arith.constant 7 : i32
          %get3A_579 = arith.index_cast %get3A_578 : i32 to index
          %get3A_580 = arith.index_cast %mul3A_248 : i32 to index
          %get3A_581 = tpu.vector_load %arg12[%get3A_579, %get3A_580] {strides = array<i32>} : memref<8x4000xf32, #tpu.memory_space<vmem>>, vector<16xf32>,
          %max3A_582 = arith.maximumf %get3A_581, %add3A_577 : vector<16xf32>
          %swap3A_583 = arith.constant 7 : i32
          %swap3A_584 = arith.index_cast %swap3A_583 : i32 to index
          %swap3A_585 = arith.index_cast %mul3A_248 : i32 to index
          %swap3A_586 = tpu.vector_load %arg12[%swap3A_584, %swap3A_585] {strides = array<i32>} : memref<8x4000xf32, #tpu.memory_space<vmem>>, vector<16xf32>,
          tpu.vector_store %arg12[%swap3A_584, %swap3A_585], %max3A_582 {strides = array<i32>} : memref<8x4000xf32, #tpu.memory_space<vmem>>, vector<16xf32>,
          %cond3A_587 = arith.constant 0 : i32
          scf.yield %cond3A_587 : i32
        } else {
          %swap3A = arith.constant 1 : i32
          %swap3A_291 = arith.index_cast %scan3A_245 : i32 to index
          %swap3A_292 = memref.load %arg13[%swap3A_291] : memref<250xi32, #tpu.memory_space<smem>>
          memref.store %swap3A, %arg13[%swap3A_291] : memref<250xi32, #tpu.memory_space<smem>>
          %cond3A_293 = arith.constant 0 : i32
          scf.yield %cond3A_293 : i32
        }
        %scan3A_290 = arith.constant 0 : i32
        scf.yield %scan3A_290 : i32
      }
      %scan3A_221 = arith.constant 250 : i32
      %dma_wait3A_222 = tpu.memref_slice %arg2[%mul3A_202] : memref<4915200xf32, #tpu.memory_space<hbm>> -> memref<25600xf32, #tpu.memory_space<hbm>>
      %dma_wait3A_223 = tpu.memref_slice %arg2[%mul3A_202] : memref<4915200xf32, #tpu.memory_space<hbm>> -> memref<25600xf32, #tpu.memory_space<hbm>>
      tpu.wait_dma2 semaphore(%arg15 : memref<!tpu.dma_semaphore, #tpu.memory_space<semaphore_mem>>) src(%dma_wait3A_223 : memref<25600xf32, #tpu.memory_space<hbm>>) dst(%arg7 : memref<25600xf32, #tpu.memory_space<vmem>>)
      %dma_wait3A_224 = tpu.memref_slice %arg3[%add3A_207] : memref<480000xf32, #tpu.memory_space<hbm>> -> memref<4000xf32, #tpu.memory_space<hbm>>
      %dma_wait3A_225 = tpu.memref_slice %arg3[%add3A_207] : memref<480000xf32, #tpu.memory_space<hbm>> -> memref<4000xf32, #tpu.memory_space<hbm>>
      tpu.wait_dma2 semaphore(%arg15 : memref<!tpu.dma_semaphore, #tpu.memory_space<semaphore_mem>>) src(%dma_wait3A_225 : memref<4000xf32, #tpu.memory_space<hbm>>) dst(%arg9 : memref<4000xf32, #tpu.memory_space<vmem>>)
      %dma_wait3A_226 = tpu.memref_slice %arg4[%add3A_212] : memref<480000xf32, #tpu.memory_space<hbm>> -> memref<4000xf32, #tpu.memory_space<hbm>>
      %dma_wait3A_227 = tpu.memref_slice %arg4[%add3A_212] : memref<480000xf32, #tpu.memory_space<hbm>> -> memref<4000xf32, #tpu.memory_space<hbm>>
      tpu.wait_dma2 semaphore(%arg15 : memref<!tpu.dma_semaphore, #tpu.memory_space<semaphore_mem>>) src(%dma_wait3A_227 : memref<4000xf32, #tpu.memory_space<hbm>>) dst(%arg11 : memref<4000xf32, #tpu.memory_space<vmem>>)
      %scan3A_228 = arith.constant 0 : i32
      %scan3A_229 = arith.constant 0 : i32
      %scan3A_230 = arith.constant 250 : i32
      %scan3A_231 = arith.addi %scan3A_229, %scan3A_230 : i32
      %scan3A_232 = arith.constant 1 : i32
      %scan3A_233 = scf.for %scan3A_245 = %scan3A_229 to %scan3A_231 step %scan3A_232 iter_args(%scan3A_246 = %scan3A_228) -> (i32)  : i32 {
        %mul3A_247 = arith.constant 16 : i32
        %mul3A_248 = arith.muli %scan3A_245, %mul3A_247 : i32
        %get3A = arith.index_cast %mul3A_248 : i32 to index
        %get3A_249 = tpu.vector_load %arg9[%get3A] {strides = array<i32>} : memref<4000xf32, #tpu.memory_space<vmem>>, vector<16xf32>,
        %jit3A = arith.constant -4.000000e+04 : f32
        %jit3A_250 = arith.constant 4.000000e+04 : f32
        %max3A = vector.broadcast %jit3A : f32 to vector<16xf32>
        %max3A_251 = arith.maximumf %max3A, %get3A_249 : vector<16xf32>
        %min3A = vector.broadcast %jit3A_250 : f32 to vector<16xf32>
        %min3A_252 = arith.minimumf %min3A, %max3A_251 : vector<16xf32>
        %get3A_253 = arith.index_cast %mul3A_248 : i32 to index
        %get3A_254 = tpu.vector_load %arg11[%get3A_253] {strides = array<i32>} : memref<4000xf32, #tpu.memory_space<vmem>>, vector<16xf32>,
        %jit3A_255 = arith.constant -4.000000e+04 : f32
        %jit3A_256 = arith.constant 4.000000e+04 : f32
        %max3A_257 = vector.broadcast %jit3A_255 : f32 to vector<16xf32>
        %max3A_258 = arith.maximumf %max3A_257, %get3A_254 : vector<16xf32>
        %min3A_259 = vector.broadcast %jit3A_256 : f32 to vector<16xf32>
        %min3A_260 = arith.minimumf %min3A_259, %max3A_258 : vector<16xf32>
        %convert_element_type3A = arith.fptosi %min3A_252 : vector<16xf32> to vector<16xi32>
        %convert_element_type3A_261 = arith.fptosi %min3A_260 : vector<16xf32> to vector<16xi32>
        %convert_element_type3A_262 = arith.sitofp %convert_element_type3A : vector<16xi32> to vector<16xf32>
        %lt3A = arith.cmpf olt, %min3A_252, %convert_element_type3A_262 : vector<16xf32>
        %sub3A = arith.constant 1 : i32
        %sub3A_263 = vector.broadcast %sub3A : i32 to vector<16xi32>
        %sub3A_264 = arith.subi %convert_element_type3A, %sub3A_263 : vector<16xi32>
        %select_n3A = arith.select %lt3A, %sub3A_264, %convert_element_type3A : vector<16xi1>, vector<16xi32>
        %convert_element_type3A_265 = arith.sitofp %convert_element_type3A_261 : vector<16xi32> to vector<16xf32>
        %lt3A_266 = arith.cmpf olt, %min3A_260, %convert_element_type3A_265 : vector<16xf32>
        %sub3A_267 = arith.constant 1 : i32
        %sub3A_268 = vector.broadcast %sub3A_267 : i32 to vector<16xi32>
        %sub3A_269 = arith.subi %convert_element_type3A_261, %sub3A_268 : vector<16xi32>
        %select_n3A_270 = arith.select %lt3A_266, %sub3A_269, %convert_element_type3A_261 : vector<16xi1>, vector<16xi32>
        %le3A = arith.constant 78 : i32
        %le3A_271 = vector.broadcast %le3A : i32 to vector<16xi32>
        %le3A_272 = arith.cmpi ule, %select_n3A, %le3A_271 : vector<16xi32>
        %le3A_273 = arith.constant 38 : i32
        %le3A_274 = vector.broadcast %le3A_273 : i32 to vector<16xi32>
        %le3A_275 = arith.cmpi ule, %select_n3A_270, %le3A_274 : vector<16xi32>
        %and3A = arith.andi %le3A_272, %le3A_275 : vector<16xi1>
        %reduce_or3A = arith.constant 1.000000e+00 : f32
        %reduce_or3A_276 = arith.constant 0.000000e+00 : f32
        %reduce_or3A_277 = vector.broadcast %reduce_or3A : f32 to vector<16xf32>
        %reduce_or3A_278 = vector.broadcast %reduce_or3A_276 : f32 to vector<16xf32>
        %reduce_or3A_279 = arith.select %and3A, %reduce_or3A_277, %reduce_or3A_278 : vector<16xi1>, vector<16xf32>
        %reduce_or3A_280 = arith.constant true
        %reduce_or3A_281 = vector.broadcast %reduce_or3A_280 : i1 to vector<16xi1>
        %reduce_or3A_282 = tpu.scan <max>, %reduce_or3A_279 masked %reduce_or3A_281 : vector<16xf32>, vector<16xi1> -> vector<16xf32>
        %reduce_or3A_283 = vector.extract %reduce_or3A_282[15] : f32 from vector<16xf32>
        %reduce_or3A_284 = arith.constant 0.000000e+00 : f32
        %reduce_or3A_285 = arith.cmpf ogt, %reduce_or3A_283, %reduce_or3A_284 : f32
        %convert_element_type3A_286 = arith.extui %reduce_or3A_285 : i1 to i32
        %cond3A = arith.constant 0 : i32
        %cond3A_287 = arith.constant 0 : i32
        %cond3A_288 = arith.cmpi ne, %convert_element_type3A_286, %cond3A_287 : i32
        %cond3A_289 = scf.if %cond3A_288 -> (i32) {
          %convert_element_type3A_291 = arith.sitofp %select_n3A : vector<16xi32> to vector<16xf32>
          %convert_element_type3A_292 = arith.sitofp %select_n3A_270 : vector<16xi32> to vector<16xf32>
          %sub3A_293 = arith.subf %min3A_252, %convert_element_type3A_291 : vector<16xf32>
          %add3A_294 = arith.constant 1.000000e+00 : f32
          %add3A_295 = vector.broadcast %add3A_294 : f32 to vector<16xf32>
          %add3A_296 = arith.addf %convert_element_type3A_291, %add3A_295 : vector<16xf32>
          %sub3A_297 = arith.subf %add3A_296, %min3A_252 : vector<16xf32>
          %jit3A_298 = arith.constant 1.000000e+00 : f32
          %jit3A_299 = arith.constant 0.000000e+00 : f32
          %broadcast_in_dim3A_300 = vector.broadcast %jit3A_298 : f32 to vector<16xf32>
          %broadcast_in_dim3A_301 = vector.broadcast %jit3A_299 : f32 to vector<16xf32>
          %select_n3A_302 = arith.select %and3A, %broadcast_in_dim3A_300, %broadcast_in_dim3A_301 : vector<16xi1>, vector<16xf32>
          %sub3A_303 = arith.subf %min3A_260, %convert_element_type3A_292 : vector<16xf32>
          %mul3A_304 = arith.mulf %sub3A_303, %select_n3A_302 : vector<16xf32>
          %add3A_305 = arith.constant 1.000000e+00 : f32
          %add3A_306 = vector.broadcast %add3A_305 : f32 to vector<16xf32>
          %add3A_307 = arith.addf %convert_element_type3A_292, %add3A_306 : vector<16xf32>
          %sub3A_308 = arith.subf %add3A_307, %min3A_260 : vector<16xf32>
          %mul3A_309 = arith.mulf %sub3A_308, %select_n3A_302 : vector<16xf32>
          %mul3A_310 = arith.mulf %sub3A_297, %mul3A_309 : vector<16xf32>
          %mul3A_311 = arith.mulf %sub3A_297, %mul3A_304 : vector<16xf32>
          %mul3A_312 = arith.mulf %sub3A_293, %mul3A_309 : vector<16xf32>
          %mul3A_313 = arith.mulf %sub3A_293, %mul3A_304 : vector<16xf32>
          %mul3A_314 = arith.constant 80 : i32
          %mul3A_315 = vector.broadcast %mul3A_314 : i32 to vector<16xi32>
          %mul3A_316 = arith.muli %select_n3A_270, %mul3A_315 : vector<16xi32>
          %add3A_317 = arith.addi %mul3A_316, %select_n3A : vector<16xi32>
          %jit3A_318 = arith.constant 0 : i32
          %broadcast_in_dim3A_319 = vector.broadcast %jit3A_318 : i32 to vector<16xi32>
          %select_n3A_320 = arith.select %and3A, %add3A_317, %broadcast_in_dim3A_319 : vector<16xi1>, vector<16xi32>
          %add3A_321 = arith.constant 80 : i32
          %add3A_322 = vector.broadcast %add3A_321 : i32 to vector<16xi32>
          %add3A_323 = arith.addi %select_n3A_320, %add3A_322 : vector<16xi32>
          %add3A_324 = arith.constant 1 : i32
          %add3A_325 = vector.broadcast %add3A_324 : i32 to vector<16xi32>
          %add3A_326 = arith.addi %select_n3A_320, %add3A_325 : vector<16xi32>
          %add3A_327 = arith.constant 80 : i32
          %add3A_328 = vector.broadcast %add3A_327 : i32 to vector<16xi32>
          %add3A_329 = arith.addi %select_n3A_320, %add3A_328 : vector<16xi32>
          %add3A_330 = arith.constant 1 : i32
          %add3A_331 = vector.broadcast %add3A_330 : i32 to vector<16xi32>
          %add3A_332 = arith.addi %add3A_329, %add3A_331 : vector<16xi32>
          %add3A_333 = arith.constant 0 : i32
          %add3A_334 = vector.broadcast %add3A_333 : i32 to vector<16xi32>
          %add3A_335 = arith.addi %select_n3A_320, %add3A_334 : vector<16xi32>
          %gather3A = tpu.vector_load_idx %arg7[%add3A_335] : memref<25600xf32, #tpu.memory_space<vmem>>[vector<16xi32>], vector<16xf32>,
          %add3A_336 = arith.constant 0 : i32
          %add3A_337 = vector.broadcast %add3A_336 : i32 to vector<16xi32>
          %add3A_338 = arith.addi %add3A_323, %add3A_337 : vector<16xi32>
          %gather3A_339 = tpu.vector_load_idx %arg7[%add3A_338] : memref<25600xf32, #tpu.memory_space<vmem>>[vector<16xi32>], vector<16xf32>,
          %add3A_340 = arith.constant 0 : i32
          %add3A_341 = vector.broadcast %add3A_340 : i32 to vector<16xi32>
          %add3A_342 = arith.addi %add3A_326, %add3A_341 : vector<16xi32>
          %gather3A_343 = tpu.vector_load_idx %arg7[%add3A_342] : memref<25600xf32, #tpu.memory_space<vmem>>[vector<16xi32>], vector<16xf32>,
          %add3A_344 = arith.constant 0 : i32
          %add3A_345 = vector.broadcast %add3A_344 : i32 to vector<16xi32>
          %add3A_346 = arith.addi %add3A_332, %add3A_345 : vector<16xi32>
          %gather3A_347 = tpu.vector_load_idx %arg7[%add3A_346] : memref<25600xf32, #tpu.memory_space<vmem>>[vector<16xi32>], vector<16xf32>,
          %mul3A_348 = arith.mulf %mul3A_310, %gather3A : vector<16xf32>
          %mul3A_349 = arith.mulf %mul3A_311, %gather3A_339 : vector<16xf32>
          %add3A_350 = arith.addf %mul3A_348, %mul3A_349 : vector<16xf32>
          %mul3A_351 = arith.mulf %mul3A_312, %gather3A_343 : vector<16xf32>
          %mul3A_352 = arith.mulf %mul3A_313, %gather3A_347 : vector<16xf32>
          %add3A_353 = arith.addf %mul3A_351, %mul3A_352 : vector<16xf32>
          %add3A_354 = arith.addf %add3A_350, %add3A_353 : vector<16xf32>
          %get3A_355 = arith.constant 0 : i32
          %get3A_356 = arith.index_cast %get3A_355 : i32 to index
          %get3A_357 = arith.index_cast %mul3A_248 : i32 to index
          %get3A_358 = tpu.vector_load %arg12[%get3A_356, %get3A_357] {strides = array<i32>} : memref<8x4000xf32, #tpu.memory_space<vmem>>, vector<16xf32>,
          %max3A_359 = arith.maximumf %get3A_358, %add3A_354 : vector<16xf32>
          %swap3A = arith.constant 0 : i32
          %swap3A_360 = arith.index_cast %swap3A : i32 to index
          %swap3A_361 = arith.index_cast %mul3A_248 : i32 to index
          %swap3A_362 = tpu.vector_load %arg12[%swap3A_360, %swap3A_361] {strides = array<i32>} : memref<8x4000xf32, #tpu.memory_space<vmem>>, vector<16xf32>,
          tpu.vector_store %arg12[%swap3A_360, %swap3A_361], %max3A_359 {strides = array<i32>} : memref<8x4000xf32, #tpu.memory_space<vmem>>, vector<16xf32>,
          %add3A_363 = arith.constant 3200 : i32
          %add3A_364 = vector.broadcast %add3A_363 : i32 to vector<16xi32>
          %add3A_365 = arith.addi %select_n3A_320, %add3A_364 : vector<16xi32>
          %gather3A_366 = tpu.vector_load_idx %arg7[%add3A_365] : memref<25600xf32, #tpu.memory_space<vmem>>[vector<16xi32>], vector<16xf32>,
          %add3A_367 = arith.constant 3200 : i32
          %add3A_368 = vector.broadcast %add3A_367 : i32 to vector<16xi32>
          %add3A_369 = arith.addi %add3A_323, %add3A_368 : vector<16xi32>
          %gather3A_370 = tpu.vector_load_idx %arg7[%add3A_369] : memref<25600xf32, #tpu.memory_space<vmem>>[vector<16xi32>], vector<16xf32>,
          %add3A_371 = arith.constant 3200 : i32
          %add3A_372 = vector.broadcast %add3A_371 : i32 to vector<16xi32>
          %add3A_373 = arith.addi %add3A_326, %add3A_372 : vector<16xi32>
          %gather3A_374 = tpu.vector_load_idx %arg7[%add3A_373] : memref<25600xf32, #tpu.memory_space<vmem>>[vector<16xi32>], vector<16xf32>,
          %add3A_375 = arith.constant 3200 : i32
          %add3A_376 = vector.broadcast %add3A_375 : i32 to vector<16xi32>
          %add3A_377 = arith.addi %add3A_332, %add3A_376 : vector<16xi32>
          %gather3A_378 = tpu.vector_load_idx %arg7[%add3A_377] : memref<25600xf32, #tpu.memory_space<vmem>>[vector<16xi32>], vector<16xf32>,
          %mul3A_379 = arith.mulf %mul3A_310, %gather3A_366 : vector<16xf32>
          %mul3A_380 = arith.mulf %mul3A_311, %gather3A_370 : vector<16xf32>
          %add3A_381 = arith.addf %mul3A_379, %mul3A_380 : vector<16xf32>
          %mul3A_382 = arith.mulf %mul3A_312, %gather3A_374 : vector<16xf32>
          %mul3A_383 = arith.mulf %mul3A_313, %gather3A_378 : vector<16xf32>
          %add3A_384 = arith.addf %mul3A_382, %mul3A_383 : vector<16xf32>
          %add3A_385 = arith.addf %add3A_381, %add3A_384 : vector<16xf32>
          %get3A_386 = arith.constant 1 : i32
          %get3A_387 = arith.index_cast %get3A_386 : i32 to index
          %get3A_388 = arith.index_cast %mul3A_248 : i32 to index
          %get3A_389 = tpu.vector_load %arg12[%get3A_387, %get3A_388] {strides = array<i32>} : memref<8x4000xf32, #tpu.memory_space<vmem>>, vector<16xf32>,
          %max3A_390 = arith.maximumf %get3A_389, %add3A_385 : vector<16xf32>
          %swap3A_391 = arith.constant 1 : i32
          %swap3A_392 = arith.index_cast %swap3A_391 : i32 to index
          %swap3A_393 = arith.index_cast %mul3A_248 : i32 to index
          %swap3A_394 = tpu.vector_load %arg12[%swap3A_392, %swap3A_393] {strides = array<i32>} : memref<8x4000xf32, #tpu.memory_space<vmem>>, vector<16xf32>,
          tpu.vector_store %arg12[%swap3A_392, %swap3A_393], %max3A_390 {strides = array<i32>} : memref<8x4000xf32, #tpu.memory_space<vmem>>, vector<16xf32>,
          %add3A_395 = arith.constant 6400 : i32
          %add3A_396 = vector.broadcast %add3A_395 : i32 to vector<16xi32>
          %add3A_397 = arith.addi %select_n3A_320, %add3A_396 : vector<16xi32>
          %gather3A_398 = tpu.vector_load_idx %arg7[%add3A_397] : memref<25600xf32, #tpu.memory_space<vmem>>[vector<16xi32>], vector<16xf32>,
          %add3A_399 = arith.constant 6400 : i32
          %add3A_400 = vector.broadcast %add3A_399 : i32 to vector<16xi32>
          %add3A_401 = arith.addi %add3A_323, %add3A_400 : vector<16xi32>
          %gather3A_402 = tpu.vector_load_idx %arg7[%add3A_401] : memref<25600xf32, #tpu.memory_space<vmem>>[vector<16xi32>], vector<16xf32>,
          %add3A_403 = arith.constant 6400 : i32
          %add3A_404 = vector.broadcast %add3A_403 : i32 to vector<16xi32>
          %add3A_405 = arith.addi %add3A_326, %add3A_404 : vector<16xi32>
          %gather3A_406 = tpu.vector_load_idx %arg7[%add3A_405] : memref<25600xf32, #tpu.memory_space<vmem>>[vector<16xi32>], vector<16xf32>,
          %add3A_407 = arith.constant 6400 : i32
          %add3A_408 = vector.broadcast %add3A_407 : i32 to vector<16xi32>
          %add3A_409 = arith.addi %add3A_332, %add3A_408 : vector<16xi32>
          %gather3A_410 = tpu.vector_load_idx %arg7[%add3A_409] : memref<25600xf32, #tpu.memory_space<vmem>>[vector<16xi32>], vector<16xf32>,
          %mul3A_411 = arith.mulf %mul3A_310, %gather3A_398 : vector<16xf32>
          %mul3A_412 = arith.mulf %mul3A_311, %gather3A_402 : vector<16xf32>
          %add3A_413 = arith.addf %mul3A_411, %mul3A_412 : vector<16xf32>
          %mul3A_414 = arith.mulf %mul3A_312, %gather3A_406 : vector<16xf32>
          %mul3A_415 = arith.mulf %mul3A_313, %gather3A_410 : vector<16xf32>
          %add3A_416 = arith.addf %mul3A_414, %mul3A_415 : vector<16xf32>
          %add3A_417 = arith.addf %add3A_413, %add3A_416 : vector<16xf32>
          %get3A_418 = arith.constant 2 : i32
          %get3A_419 = arith.index_cast %get3A_418 : i32 to index
          %get3A_420 = arith.index_cast %mul3A_248 : i32 to index
          %get3A_421 = tpu.vector_load %arg12[%get3A_419, %get3A_420] {strides = array<i32>} : memref<8x4000xf32, #tpu.memory_space<vmem>>, vector<16xf32>,
          %max3A_422 = arith.maximumf %get3A_421, %add3A_417 : vector<16xf32>
          %swap3A_423 = arith.constant 2 : i32
          %swap3A_424 = arith.index_cast %swap3A_423 : i32 to index
          %swap3A_425 = arith.index_cast %mul3A_248 : i32 to index
          %swap3A_426 = tpu.vector_load %arg12[%swap3A_424, %swap3A_425] {strides = array<i32>} : memref<8x4000xf32, #tpu.memory_space<vmem>>, vector<16xf32>,
          tpu.vector_store %arg12[%swap3A_424, %swap3A_425], %max3A_422 {strides = array<i32>} : memref<8x4000xf32, #tpu.memory_space<vmem>>, vector<16xf32>,
          %add3A_427 = arith.constant 9600 : i32
          %add3A_428 = vector.broadcast %add3A_427 : i32 to vector<16xi32>
          %add3A_429 = arith.addi %select_n3A_320, %add3A_428 : vector<16xi32>
          %gather3A_430 = tpu.vector_load_idx %arg7[%add3A_429] : memref<25600xf32, #tpu.memory_space<vmem>>[vector<16xi32>], vector<16xf32>,
          %add3A_431 = arith.constant 9600 : i32
          %add3A_432 = vector.broadcast %add3A_431 : i32 to vector<16xi32>
          %add3A_433 = arith.addi %add3A_323, %add3A_432 : vector<16xi32>
          %gather3A_434 = tpu.vector_load_idx %arg7[%add3A_433] : memref<25600xf32, #tpu.memory_space<vmem>>[vector<16xi32>], vector<16xf32>,
          %add3A_435 = arith.constant 9600 : i32
          %add3A_436 = vector.broadcast %add3A_435 : i32 to vector<16xi32>
          %add3A_437 = arith.addi %add3A_326, %add3A_436 : vector<16xi32>
          %gather3A_438 = tpu.vector_load_idx %arg7[%add3A_437] : memref<25600xf32, #tpu.memory_space<vmem>>[vector<16xi32>], vector<16xf32>,
          %add3A_439 = arith.constant 9600 : i32
          %add3A_440 = vector.broadcast %add3A_439 : i32 to vector<16xi32>
          %add3A_441 = arith.addi %add3A_332, %add3A_440 : vector<16xi32>
          %gather3A_442 = tpu.vector_load_idx %arg7[%add3A_441] : memref<25600xf32, #tpu.memory_space<vmem>>[vector<16xi32>], vector<16xf32>,
          %mul3A_443 = arith.mulf %mul3A_310, %gather3A_430 : vector<16xf32>
          %mul3A_444 = arith.mulf %mul3A_311, %gather3A_434 : vector<16xf32>
          %add3A_445 = arith.addf %mul3A_443, %mul3A_444 : vector<16xf32>
          %mul3A_446 = arith.mulf %mul3A_312, %gather3A_438 : vector<16xf32>
          %mul3A_447 = arith.mulf %mul3A_313, %gather3A_442 : vector<16xf32>
          %add3A_448 = arith.addf %mul3A_446, %mul3A_447 : vector<16xf32>
          %add3A_449 = arith.addf %add3A_445, %add3A_448 : vector<16xf32>
          %get3A_450 = arith.constant 3 : i32
          %get3A_451 = arith.index_cast %get3A_450 : i32 to index
          %get3A_452 = arith.index_cast %mul3A_248 : i32 to index
          %get3A_453 = tpu.vector_load %arg12[%get3A_451, %get3A_452] {strides = array<i32>} : memref<8x4000xf32, #tpu.memory_space<vmem>>, vector<16xf32>,
          %max3A_454 = arith.maximumf %get3A_453, %add3A_449 : vector<16xf32>
          %swap3A_455 = arith.constant 3 : i32
          %swap3A_456 = arith.index_cast %swap3A_455 : i32 to index
          %swap3A_457 = arith.index_cast %mul3A_248 : i32 to index
          %swap3A_458 = tpu.vector_load %arg12[%swap3A_456, %swap3A_457] {strides = array<i32>} : memref<8x4000xf32, #tpu.memory_space<vmem>>, vector<16xf32>,
          tpu.vector_store %arg12[%swap3A_456, %swap3A_457], %max3A_454 {strides = array<i32>} : memref<8x4000xf32, #tpu.memory_space<vmem>>, vector<16xf32>,
          %add3A_459 = arith.constant 12800 : i32
          %add3A_460 = vector.broadcast %add3A_459 : i32 to vector<16xi32>
          %add3A_461 = arith.addi %select_n3A_320, %add3A_460 : vector<16xi32>
          %gather3A_462 = tpu.vector_load_idx %arg7[%add3A_461] : memref<25600xf32, #tpu.memory_space<vmem>>[vector<16xi32>], vector<16xf32>,
          %add3A_463 = arith.constant 12800 : i32
          %add3A_464 = vector.broadcast %add3A_463 : i32 to vector<16xi32>
          %add3A_465 = arith.addi %add3A_323, %add3A_464 : vector<16xi32>
          %gather3A_466 = tpu.vector_load_idx %arg7[%add3A_465] : memref<25600xf32, #tpu.memory_space<vmem>>[vector<16xi32>], vector<16xf32>,
          %add3A_467 = arith.constant 12800 : i32
          %add3A_468 = vector.broadcast %add3A_467 : i32 to vector<16xi32>
          %add3A_469 = arith.addi %add3A_326, %add3A_468 : vector<16xi32>
          %gather3A_470 = tpu.vector_load_idx %arg7[%add3A_469] : memref<25600xf32, #tpu.memory_space<vmem>>[vector<16xi32>], vector<16xf32>,
          %add3A_471 = arith.constant 12800 : i32
          %add3A_472 = vector.broadcast %add3A_471 : i32 to vector<16xi32>
          %add3A_473 = arith.addi %add3A_332, %add3A_472 : vector<16xi32>
          %gather3A_474 = tpu.vector_load_idx %arg7[%add3A_473] : memref<25600xf32, #tpu.memory_space<vmem>>[vector<16xi32>], vector<16xf32>,
          %mul3A_475 = arith.mulf %mul3A_310, %gather3A_462 : vector<16xf32>
          %mul3A_476 = arith.mulf %mul3A_311, %gather3A_466 : vector<16xf32>
          %add3A_477 = arith.addf %mul3A_475, %mul3A_476 : vector<16xf32>
          %mul3A_478 = arith.mulf %mul3A_312, %gather3A_470 : vector<16xf32>
          %mul3A_479 = arith.mulf %mul3A_313, %gather3A_474 : vector<16xf32>
          %add3A_480 = arith.addf %mul3A_478, %mul3A_479 : vector<16xf32>
          %add3A_481 = arith.addf %add3A_477, %add3A_480 : vector<16xf32>
          %get3A_482 = arith.constant 4 : i32
          %get3A_483 = arith.index_cast %get3A_482 : i32 to index
          %get3A_484 = arith.index_cast %mul3A_248 : i32 to index
          %get3A_485 = tpu.vector_load %arg12[%get3A_483, %get3A_484] {strides = array<i32>} : memref<8x4000xf32, #tpu.memory_space<vmem>>, vector<16xf32>,
          %max3A_486 = arith.maximumf %get3A_485, %add3A_481 : vector<16xf32>
          %swap3A_487 = arith.constant 4 : i32
          %swap3A_488 = arith.index_cast %swap3A_487 : i32 to index
          %swap3A_489 = arith.index_cast %mul3A_248 : i32 to index
          %swap3A_490 = tpu.vector_load %arg12[%swap3A_488, %swap3A_489] {strides = array<i32>} : memref<8x4000xf32, #tpu.memory_space<vmem>>, vector<16xf32>,
          tpu.vector_store %arg12[%swap3A_488, %swap3A_489], %max3A_486 {strides = array<i32>} : memref<8x4000xf32, #tpu.memory_space<vmem>>, vector<16xf32>,
          %add3A_491 = arith.constant 16000 : i32
          %add3A_492 = vector.broadcast %add3A_491 : i32 to vector<16xi32>
          %add3A_493 = arith.addi %select_n3A_320, %add3A_492 : vector<16xi32>
          %gather3A_494 = tpu.vector_load_idx %arg7[%add3A_493] : memref<25600xf32, #tpu.memory_space<vmem>>[vector<16xi32>], vector<16xf32>,
          %add3A_495 = arith.constant 16000 : i32
          %add3A_496 = vector.broadcast %add3A_495 : i32 to vector<16xi32>
          %add3A_497 = arith.addi %add3A_323, %add3A_496 : vector<16xi32>
          %gather3A_498 = tpu.vector_load_idx %arg7[%add3A_497] : memref<25600xf32, #tpu.memory_space<vmem>>[vector<16xi32>], vector<16xf32>,
          %add3A_499 = arith.constant 16000 : i32
          %add3A_500 = vector.broadcast %add3A_499 : i32 to vector<16xi32>
          %add3A_501 = arith.addi %add3A_326, %add3A_500 : vector<16xi32>
          %gather3A_502 = tpu.vector_load_idx %arg7[%add3A_501] : memref<25600xf32, #tpu.memory_space<vmem>>[vector<16xi32>], vector<16xf32>,
          %add3A_503 = arith.constant 16000 : i32
          %add3A_504 = vector.broadcast %add3A_503 : i32 to vector<16xi32>
          %add3A_505 = arith.addi %add3A_332, %add3A_504 : vector<16xi32>
          %gather3A_506 = tpu.vector_load_idx %arg7[%add3A_505] : memref<25600xf32, #tpu.memory_space<vmem>>[vector<16xi32>], vector<16xf32>,
          %mul3A_507 = arith.mulf %mul3A_310, %gather3A_494 : vector<16xf32>
          %mul3A_508 = arith.mulf %mul3A_311, %gather3A_498 : vector<16xf32>
          %add3A_509 = arith.addf %mul3A_507, %mul3A_508 : vector<16xf32>
          %mul3A_510 = arith.mulf %mul3A_312, %gather3A_502 : vector<16xf32>
          %mul3A_511 = arith.mulf %mul3A_313, %gather3A_506 : vector<16xf32>
          %add3A_512 = arith.addf %mul3A_510, %mul3A_511 : vector<16xf32>
          %add3A_513 = arith.addf %add3A_509, %add3A_512 : vector<16xf32>
          %get3A_514 = arith.constant 5 : i32
          %get3A_515 = arith.index_cast %get3A_514 : i32 to index
          %get3A_516 = arith.index_cast %mul3A_248 : i32 to index
          %get3A_517 = tpu.vector_load %arg12[%get3A_515, %get3A_516] {strides = array<i32>} : memref<8x4000xf32, #tpu.memory_space<vmem>>, vector<16xf32>,
          %max3A_518 = arith.maximumf %get3A_517, %add3A_513 : vector<16xf32>
          %swap3A_519 = arith.constant 5 : i32
          %swap3A_520 = arith.index_cast %swap3A_519 : i32 to index
          %swap3A_521 = arith.index_cast %mul3A_248 : i32 to index
          %swap3A_522 = tpu.vector_load %arg12[%swap3A_520, %swap3A_521] {strides = array<i32>} : memref<8x4000xf32, #tpu.memory_space<vmem>>, vector<16xf32>,
          tpu.vector_store %arg12[%swap3A_520, %swap3A_521], %max3A_518 {strides = array<i32>} : memref<8x4000xf32, #tpu.memory_space<vmem>>, vector<16xf32>,
          %add3A_523 = arith.constant 19200 : i32
          %add3A_524 = vector.broadcast %add3A_523 : i32 to vector<16xi32>
          %add3A_525 = arith.addi %select_n3A_320, %add3A_524 : vector<16xi32>
          %gather3A_526 = tpu.vector_load_idx %arg7[%add3A_525] : memref<25600xf32, #tpu.memory_space<vmem>>[vector<16xi32>], vector<16xf32>,
          %add3A_527 = arith.constant 19200 : i32
          %add3A_528 = vector.broadcast %add3A_527 : i32 to vector<16xi32>
          %add3A_529 = arith.addi %add3A_323, %add3A_528 : vector<16xi32>
          %gather3A_530 = tpu.vector_load_idx %arg7[%add3A_529] : memref<25600xf32, #tpu.memory_space<vmem>>[vector<16xi32>], vector<16xf32>,
          %add3A_531 = arith.constant 19200 : i32
          %add3A_532 = vector.broadcast %add3A_531 : i32 to vector<16xi32>
          %add3A_533 = arith.addi %add3A_326, %add3A_532 : vector<16xi32>
          %gather3A_534 = tpu.vector_load_idx %arg7[%add3A_533] : memref<25600xf32, #tpu.memory_space<vmem>>[vector<16xi32>], vector<16xf32>,
          %add3A_535 = arith.constant 19200 : i32
          %add3A_536 = vector.broadcast %add3A_535 : i32 to vector<16xi32>
          %add3A_537 = arith.addi %add3A_332, %add3A_536 : vector<16xi32>
          %gather3A_538 = tpu.vector_load_idx %arg7[%add3A_537] : memref<25600xf32, #tpu.memory_space<vmem>>[vector<16xi32>], vector<16xf32>,
          %mul3A_539 = arith.mulf %mul3A_310, %gather3A_526 : vector<16xf32>
          %mul3A_540 = arith.mulf %mul3A_311, %gather3A_530 : vector<16xf32>
          %add3A_541 = arith.addf %mul3A_539, %mul3A_540 : vector<16xf32>
          %mul3A_542 = arith.mulf %mul3A_312, %gather3A_534 : vector<16xf32>
          %mul3A_543 = arith.mulf %mul3A_313, %gather3A_538 : vector<16xf32>
          %add3A_544 = arith.addf %mul3A_542, %mul3A_543 : vector<16xf32>
          %add3A_545 = arith.addf %add3A_541, %add3A_544 : vector<16xf32>
          %get3A_546 = arith.constant 6 : i32
          %get3A_547 = arith.index_cast %get3A_546 : i32 to index
          %get3A_548 = arith.index_cast %mul3A_248 : i32 to index
          %get3A_549 = tpu.vector_load %arg12[%get3A_547, %get3A_548] {strides = array<i32>} : memref<8x4000xf32, #tpu.memory_space<vmem>>, vector<16xf32>,
          %max3A_550 = arith.maximumf %get3A_549, %add3A_545 : vector<16xf32>
          %swap3A_551 = arith.constant 6 : i32
          %swap3A_552 = arith.index_cast %swap3A_551 : i32 to index
          %swap3A_553 = arith.index_cast %mul3A_248 : i32 to index
          %swap3A_554 = tpu.vector_load %arg12[%swap3A_552, %swap3A_553] {strides = array<i32>} : memref<8x4000xf32, #tpu.memory_space<vmem>>, vector<16xf32>,
          tpu.vector_store %arg12[%swap3A_552, %swap3A_553], %max3A_550 {strides = array<i32>} : memref<8x4000xf32, #tpu.memory_space<vmem>>, vector<16xf32>,
          %add3A_555 = arith.constant 22400 : i32
          %add3A_556 = vector.broadcast %add3A_555 : i32 to vector<16xi32>
          %add3A_557 = arith.addi %select_n3A_320, %add3A_556 : vector<16xi32>
          %gather3A_558 = tpu.vector_load_idx %arg7[%add3A_557] : memref<25600xf32, #tpu.memory_space<vmem>>[vector<16xi32>], vector<16xf32>,
          %add3A_559 = arith.constant 22400 : i32
          %add3A_560 = vector.broadcast %add3A_559 : i32 to vector<16xi32>
          %add3A_561 = arith.addi %add3A_323, %add3A_560 : vector<16xi32>
          %gather3A_562 = tpu.vector_load_idx %arg7[%add3A_561] : memref<25600xf32, #tpu.memory_space<vmem>>[vector<16xi32>], vector<16xf32>,
          %add3A_563 = arith.constant 22400 : i32
          %add3A_564 = vector.broadcast %add3A_563 : i32 to vector<16xi32>
          %add3A_565 = arith.addi %add3A_326, %add3A_564 : vector<16xi32>
          %gather3A_566 = tpu.vector_load_idx %arg7[%add3A_565] : memref<25600xf32, #tpu.memory_space<vmem>>[vector<16xi32>], vector<16xf32>,
          %add3A_567 = arith.constant 22400 : i32
          %add3A_568 = vector.broadcast %add3A_567 : i32 to vector<16xi32>
          %add3A_569 = arith.addi %add3A_332, %add3A_568 : vector<16xi32>
          %gather3A_570 = tpu.vector_load_idx %arg7[%add3A_569] : memref<25600xf32, #tpu.memory_space<vmem>>[vector<16xi32>], vector<16xf32>,
          %mul3A_571 = arith.mulf %mul3A_310, %gather3A_558 : vector<16xf32>
          %mul3A_572 = arith.mulf %mul3A_311, %gather3A_562 : vector<16xf32>
          %add3A_573 = arith.addf %mul3A_571, %mul3A_572 : vector<16xf32>
          %mul3A_574 = arith.mulf %mul3A_312, %gather3A_566 : vector<16xf32>
          %mul3A_575 = arith.mulf %mul3A_313, %gather3A_570 : vector<16xf32>
          %add3A_576 = arith.addf %mul3A_574, %mul3A_575 : vector<16xf32>
          %add3A_577 = arith.addf %add3A_573, %add3A_576 : vector<16xf32>
          %get3A_578 = arith.constant 7 : i32
          %get3A_579 = arith.index_cast %get3A_578 : i32 to index
          %get3A_580 = arith.index_cast %mul3A_248 : i32 to index
          %get3A_581 = tpu.vector_load %arg12[%get3A_579, %get3A_580] {strides = array<i32>} : memref<8x4000xf32, #tpu.memory_space<vmem>>, vector<16xf32>,
          %max3A_582 = arith.maximumf %get3A_581, %add3A_577 : vector<16xf32>
          %swap3A_583 = arith.constant 7 : i32
          %swap3A_584 = arith.index_cast %swap3A_583 : i32 to index
          %swap3A_585 = arith.index_cast %mul3A_248 : i32 to index
          %swap3A_586 = tpu.vector_load %arg12[%swap3A_584, %swap3A_585] {strides = array<i32>} : memref<8x4000xf32, #tpu.memory_space<vmem>>, vector<16xf32>,
          tpu.vector_store %arg12[%swap3A_584, %swap3A_585], %max3A_582 {strides = array<i32>} : memref<8x4000xf32, #tpu.memory_space<vmem>>, vector<16xf32>,
          %cond3A_587 = arith.constant 0 : i32
          scf.yield %cond3A_587 : i32
        } else {
          %swap3A = arith.constant 1 : i32
          %swap3A_291 = arith.index_cast %scan3A_245 : i32 to index
          %swap3A_292 = memref.load %arg13[%swap3A_291] : memref<250xi32, #tpu.memory_space<smem>>
          memref.store %swap3A, %arg13[%swap3A_291] : memref<250xi32, #tpu.memory_space<smem>>
          %cond3A_293 = arith.constant 0 : i32
          scf.yield %cond3A_293 : i32
        }
        %scan3A_290 = arith.constant 0 : i32
        scf.yield %scan3A_290 : i32
      }
      %scan3A_234 = arith.constant 250 : i32
      %scan3A_235 = arith.constant 0 : i32
      %scan3A_236 = arith.constant 0 : i32
      %scan3A_237 = arith.constant 250 : i32
      %scan3A_238 = arith.addi %scan3A_236, %scan3A_237 : i32
      %scan3A_239 = arith.constant 1 : i32
      %scan3A_240 = scf.for %scan3A_245 = %scan3A_236 to %scan3A_238 step %scan3A_239 iter_args(%scan3A_246 = %scan3A_235) -> (i32)  : i32 {
        %mul3A_247 = arith.constant 16 : i32
        %mul3A_248 = arith.muli %scan3A_245, %mul3A_247 : i32
        %get3A = arith.index_cast %scan3A_245 : i32 to index
        %get3A_249 = memref.load %arg13[%get3A] : memref<250xi32, #tpu.memory_space<smem>>
        %gt3A = arith.constant 0 : i32
        %gt3A_250 = arith.cmpi sgt, %get3A_249, %gt3A : i32
        %jit3A = arith.constant 0.000000e+00 : f32
        %jit3A_251 = arith.constant 0xFF800000 : f32
        %select_n3A = arith.select %gt3A_250, %jit3A, %jit3A_251 : f32
        %get3A_252 = arith.constant 0 : i32
        %get3A_253 = arith.index_cast %get3A_252 : i32 to index
        %get3A_254 = arith.index_cast %mul3A_248 : i32 to index
        %get3A_255 = tpu.vector_load %arg12[%get3A_253, %get3A_254] {strides = array<i32>} : memref<8x4000xf32, #tpu.memory_space<vmem>>, vector<16xf32>,
        %max3A = vector.broadcast %select_n3A : f32 to vector<16xf32>
        %max3A_256 = arith.maximumf %get3A_255, %max3A : vector<16xf32>
        %swap3A = arith.constant 0 : i32
        %swap3A_257 = arith.index_cast %swap3A : i32 to index
        %swap3A_258 = arith.index_cast %mul3A_248 : i32 to index
        %swap3A_259 = tpu.vector_load %arg12[%swap3A_257, %swap3A_258] {strides = array<i32>} : memref<8x4000xf32, #tpu.memory_space<vmem>>, vector<16xf32>,
        tpu.vector_store %arg12[%swap3A_257, %swap3A_258], %max3A_256 {strides = array<i32>} : memref<8x4000xf32, #tpu.memory_space<vmem>>, vector<16xf32>,
        %get3A_260 = arith.constant 1 : i32
        %get3A_261 = arith.index_cast %get3A_260 : i32 to index
        %get3A_262 = arith.index_cast %mul3A_248 : i32 to index
        %get3A_263 = tpu.vector_load %arg12[%get3A_261, %get3A_262] {strides = array<i32>} : memref<8x4000xf32, #tpu.memory_space<vmem>>, vector<16xf32>,
        %max3A_264 = vector.broadcast %select_n3A : f32 to vector<16xf32>
        %max3A_265 = arith.maximumf %get3A_263, %max3A_264 : vector<16xf32>
        %swap3A_266 = arith.constant 1 : i32
        %swap3A_267 = arith.index_cast %swap3A_266 : i32 to index
        %swap3A_268 = arith.index_cast %mul3A_248 : i32 to index
        %swap3A_269 = tpu.vector_load %arg12[%swap3A_267, %swap3A_268] {strides = array<i32>} : memref<8x4000xf32, #tpu.memory_space<vmem>>, vector<16xf32>,
        tpu.vector_store %arg12[%swap3A_267, %swap3A_268], %max3A_265 {strides = array<i32>} : memref<8x4000xf32, #tpu.memory_space<vmem>>, vector<16xf32>,
        %get3A_270 = arith.constant 2 : i32
        %get3A_271 = arith.index_cast %get3A_270 : i32 to index
        %get3A_272 = arith.index_cast %mul3A_248 : i32 to index
        %get3A_273 = tpu.vector_load %arg12[%get3A_271, %get3A_272] {strides = array<i32>} : memref<8x4000xf32, #tpu.memory_space<vmem>>, vector<16xf32>,
        %max3A_274 = vector.broadcast %select_n3A : f32 to vector<16xf32>
        %max3A_275 = arith.maximumf %get3A_273, %max3A_274 : vector<16xf32>
        %swap3A_276 = arith.constant 2 : i32
        %swap3A_277 = arith.index_cast %swap3A_276 : i32 to index
        %swap3A_278 = arith.index_cast %mul3A_248 : i32 to index
        %swap3A_279 = tpu.vector_load %arg12[%swap3A_277, %swap3A_278] {strides = array<i32>} : memref<8x4000xf32, #tpu.memory_space<vmem>>, vector<16xf32>,
        tpu.vector_store %arg12[%swap3A_277, %swap3A_278], %max3A_275 {strides = array<i32>} : memref<8x4000xf32, #tpu.memory_space<vmem>>, vector<16xf32>,
        %get3A_280 = arith.constant 3 : i32
        %get3A_281 = arith.index_cast %get3A_280 : i32 to index
        %get3A_282 = arith.index_cast %mul3A_248 : i32 to index
        %get3A_283 = tpu.vector_load %arg12[%get3A_281, %get3A_282] {strides = array<i32>} : memref<8x4000xf32, #tpu.memory_space<vmem>>, vector<16xf32>,
        %max3A_284 = vector.broadcast %select_n3A : f32 to vector<16xf32>
        %max3A_285 = arith.maximumf %get3A_283, %max3A_284 : vector<16xf32>
        %swap3A_286 = arith.constant 3 : i32
        %swap3A_287 = arith.index_cast %swap3A_286 : i32 to index
        %swap3A_288 = arith.index_cast %mul3A_248 : i32 to index
        %swap3A_289 = tpu.vector_load %arg12[%swap3A_287, %swap3A_288] {strides = array<i32>} : memref<8x4000xf32, #tpu.memory_space<vmem>>, vector<16xf32>,
        tpu.vector_store %arg12[%swap3A_287, %swap3A_288], %max3A_285 {strides = array<i32>} : memref<8x4000xf32, #tpu.memory_space<vmem>>, vector<16xf32>,
        %get3A_290 = arith.constant 4 : i32
        %get3A_291 = arith.index_cast %get3A_290 : i32 to index
        %get3A_292 = arith.index_cast %mul3A_248 : i32 to index
        %get3A_293 = tpu.vector_load %arg12[%get3A_291, %get3A_292] {strides = array<i32>} : memref<8x4000xf32, #tpu.memory_space<vmem>>, vector<16xf32>,
        %max3A_294 = vector.broadcast %select_n3A : f32 to vector<16xf32>
        %max3A_295 = arith.maximumf %get3A_293, %max3A_294 : vector<16xf32>
        %swap3A_296 = arith.constant 4 : i32
        %swap3A_297 = arith.index_cast %swap3A_296 : i32 to index
        %swap3A_298 = arith.index_cast %mul3A_248 : i32 to index
        %swap3A_299 = tpu.vector_load %arg12[%swap3A_297, %swap3A_298] {strides = array<i32>} : memref<8x4000xf32, #tpu.memory_space<vmem>>, vector<16xf32>,
        tpu.vector_store %arg12[%swap3A_297, %swap3A_298], %max3A_295 {strides = array<i32>} : memref<8x4000xf32, #tpu.memory_space<vmem>>, vector<16xf32>,
        %get3A_300 = arith.constant 5 : i32
        %get3A_301 = arith.index_cast %get3A_300 : i32 to index
        %get3A_302 = arith.index_cast %mul3A_248 : i32 to index
        %get3A_303 = tpu.vector_load %arg12[%get3A_301, %get3A_302] {strides = array<i32>} : memref<8x4000xf32, #tpu.memory_space<vmem>>, vector<16xf32>,
        %max3A_304 = vector.broadcast %select_n3A : f32 to vector<16xf32>
        %max3A_305 = arith.maximumf %get3A_303, %max3A_304 : vector<16xf32>
        %swap3A_306 = arith.constant 5 : i32
        %swap3A_307 = arith.index_cast %swap3A_306 : i32 to index
        %swap3A_308 = arith.index_cast %mul3A_248 : i32 to index
        %swap3A_309 = tpu.vector_load %arg12[%swap3A_307, %swap3A_308] {strides = array<i32>} : memref<8x4000xf32, #tpu.memory_space<vmem>>, vector<16xf32>,
        tpu.vector_store %arg12[%swap3A_307, %swap3A_308], %max3A_305 {strides = array<i32>} : memref<8x4000xf32, #tpu.memory_space<vmem>>, vector<16xf32>,
        %get3A_310 = arith.constant 6 : i32
        %get3A_311 = arith.index_cast %get3A_310 : i32 to index
        %get3A_312 = arith.index_cast %mul3A_248 : i32 to index
        %get3A_313 = tpu.vector_load %arg12[%get3A_311, %get3A_312] {strides = array<i32>} : memref<8x4000xf32, #tpu.memory_space<vmem>>, vector<16xf32>,
        %max3A_314 = vector.broadcast %select_n3A : f32 to vector<16xf32>
        %max3A_315 = arith.maximumf %get3A_313, %max3A_314 : vector<16xf32>
        %swap3A_316 = arith.constant 6 : i32
        %swap3A_317 = arith.index_cast %swap3A_316 : i32 to index
        %swap3A_318 = arith.index_cast %mul3A_248 : i32 to index
        %swap3A_319 = tpu.vector_load %arg12[%swap3A_317, %swap3A_318] {strides = array<i32>} : memref<8x4000xf32, #tpu.memory_space<vmem>>, vector<16xf32>,
        tpu.vector_store %arg12[%swap3A_317, %swap3A_318], %max3A_315 {strides = array<i32>} : memref<8x4000xf32, #tpu.memory_space<vmem>>, vector<16xf32>,
        %get3A_320 = arith.constant 7 : i32
        %get3A_321 = arith.index_cast %get3A_320 : i32 to index
        %get3A_322 = arith.index_cast %mul3A_248 : i32 to index
        %get3A_323 = tpu.vector_load %arg12[%get3A_321, %get3A_322] {strides = array<i32>} : memref<8x4000xf32, #tpu.memory_space<vmem>>, vector<16xf32>,
        %max3A_324 = vector.broadcast %select_n3A : f32 to vector<16xf32>
        %max3A_325 = arith.maximumf %get3A_323, %max3A_324 : vector<16xf32>
        %swap3A_326 = arith.constant 7 : i32
        %swap3A_327 = arith.index_cast %swap3A_326 : i32 to index
        %swap3A_328 = arith.index_cast %mul3A_248 : i32 to index
        %swap3A_329 = tpu.vector_load %arg12[%swap3A_327, %swap3A_328] {strides = array<i32>} : memref<8x4000xf32, #tpu.memory_space<vmem>>, vector<16xf32>,
        tpu.vector_store %arg12[%swap3A_327, %swap3A_328], %max3A_325 {strides = array<i32>} : memref<8x4000xf32, #tpu.memory_space<vmem>>, vector<16xf32>,
        %scan3A_330 = arith.constant 0 : i32
        scf.yield %scan3A_330 : i32
      }
      %scan3A_241 = arith.constant 250 : i32
      %mul3A_242 = arith.constant 8 : i32
      %mul3A_243 = arith.muli %rem3A_16, %mul3A_242 : i32
      "tpu.region"() ({
        %run_scoped3A = tpu.sem_alloc : memref<!tpu.dma_semaphore, #tpu.memory_space<semaphore_mem>>
        %dma_start3A_245 = tpu.memref_slice %arg5[%div3A_18, %mul3A_243, %mul3A_20] : memref<4x64x20000xf32, #tpu.memory_space<hbm>> -> memref<1x8x4000xf32, #tpu.memory_space<hbm>>
        %dma_start3A_246 = tpu.memref_squeeze %dma_start3A_245 : memref<1x8x4000xf32, #tpu.memory_space<hbm>> -> memref<8x4000xf32, #tpu.memory_space<hbm>>
        %dma_start3A_247 = tpu.memref_slice %arg5[%div3A_18, %mul3A_243, %mul3A_20] : memref<4x64x20000xf32, #tpu.memory_space<hbm>> -> memref<1x8x4000xf32, #tpu.memory_space<hbm>>
        %dma_start3A_248 = tpu.memref_squeeze %dma_start3A_247 : memref<1x8x4000xf32, #tpu.memory_space<hbm>> -> memref<8x4000xf32, #tpu.memory_space<hbm>>
        tpu.enqueue_dma source(%arg12 : memref<8x4000xf32, #tpu.memory_space<vmem>>) target(%dma_start3A_248 : memref<8x4000xf32, #tpu.memory_space<hbm>>) target_semaphore(%run_scoped3A : memref<!tpu.dma_semaphore, #tpu.memory_space<semaphore_mem>>)
        %dma_wait3A_249 = tpu.memref_slice %arg5[%div3A_18, %mul3A_243, %mul3A_20] : memref<4x64x20000xf32, #tpu.memory_space<hbm>> -> memref<1x8x4000xf32, #tpu.memory_space<hbm>>
        %dma_wait3A_250 = tpu.memref_squeeze %dma_wait3A_249 : memref<1x8x4000xf32, #tpu.memory_space<hbm>> -> memref<8x4000xf32, #tpu.memory_space<hbm>>
        %dma_wait3A_251 = tpu.memref_slice %arg5[%div3A_18, %mul3A_243, %mul3A_20] : memref<4x64x20000xf32, #tpu.memory_space<hbm>> -> memref<1x8x4000xf32, #tpu.memory_space<hbm>>
        %dma_wait3A_252 = tpu.memref_squeeze %dma_wait3A_251 : memref<1x8x4000xf32, #tpu.memory_space<hbm>> -> memref<8x4000xf32, #tpu.memory_space<hbm>>
        tpu.wait_dma2 semaphore(%run_scoped3A : memref<!tpu.dma_semaphore, #tpu.memory_space<semaphore_mem>>) src(%arg12 : memref<8x4000xf32, #tpu.memory_space<vmem>>) dst(%dma_wait3A_252 : memref<8x4000xf32, #tpu.memory_space<hbm>>)
        tpu.yield
      }) : () -> ()
      %scan3A_244 = arith.constant 0 : i32
      scf.yield %scan3A_244 : i32
    }
    %scan3A_7 = arith.constant 5 : i32
    return
  }
}

</mosaic_0001>

<sc_bundles>
// kernel: kernel.3.cloned.1.call-start
scs
__scs_entry_jumppad:
0x0: {  	(pc) =	sbr.rel $0x88, $3  }
0x1: {  	(tag) =	ssettag $0x0;
	lr =	simm.s32 $0x1  }
0x2: {  	[smem:$0x3F9C] =	sst lr;
	_ =	strace $0xD0000000  }
0x3: {  	_ = 	snop  }
0x4: {  	_ = 	snop  }
0x5: {  	_ = 	snop  }
0x6: {  	_ = 	snop  }
0x7: {  	_ = 	snop  }
__scs_overlays_trampoline_lowered:
0x8: {  	[smem:$0x3FAB] =	sst s0  }
0x9: {  	[smem:$0x3FAC] =	sst s1  }
0xa: {  	[smem:$0x3FAD] =	sst s2  }
0xb: {  	[smem:$0x3FAE] =	sst s3  }
0xc: {  	[smem:$0x3FAF] =	sst s4  }
0xd: {  	[smem:$0x3FB0] =	sst s5  }
0xe: {  	[smem:$0x3FB1] =	sst s6  }
0xf: {  	[smem:$0x3FB2] =	sst s7  }
0x10: {  	[smem:$0x3FB3] =	sst s8  }
0x11: {  	[smem:$0x3FB4] =	sst s9;
	s0 =	simm.s32 @!p0 $0x0  }
0x12: {  	s1 =	sld [smem:$0x3F9A];
	s0 =	simm.s32 @p0 $0x1  }
0x13: {  	[smem:$0x3FB5] =	sst s0;
	s0 =	simm.s32 @!p1 $0x0  }
0x14: {  	s2 =	sld [smem:$0x3F99];
	s0 =	simm.s32 @p1 $0x1  }
0x15: {  	[smem:$0x3FB6] =	sst s0;
	s0 =	simm.s32 @!p2 $0x0  }
0x16: {  	s3 =	sld [smem:$0x3FDB];
	s0 =	simm.s32 @p2 $0x1  }
0x17: {  	s4 =	simm.s32 $0x1BF5;
	[smem:$0x3FB8] =	sst s0  }
0x18: {  	s0 =	sld [smem:$0x3F9B];
	_ =	swait.ge [sflag:s4], $0x0  }
0x19: {  	s7 =	sld [smem:$0x3F9C]  }
0x1a: {  	s8 =	sadd.s32 $0xFFFFE003, lr  }
0x1b: {  	s9 =	sadd.s32 $0xFFFFFEF7, lr;
	s5 =	simm.s32 $0xFFFFFFFF;
	p2 =	slt.u32 s8, $0xFFFFF086  }
0x1c: {  	p1 =	slt.u32 s9, $0xF7A;
	s5 =	simm.s32 @!p2 $0x0  }
0x1d: {  	s5 =	simm.s32 @p1 $0x1;
	p0 =	seq.s32 s7, s2  }
0x1e: {  	s7 =	smul.u32 @!p0 $0xF7A, s2;
	p2 =	seq.s32 @!p0 s5, $0x0  }
0x1f: {  	s9 =	smul.u32 $0xF7A, s1;
	s8 =	simm.s32 @!p0 $0x1BF5;
	p2 =	por !p2, p0  }
0x20: {  	[sflag:s8] =	ssyncset.s32 @!p0 $0xFFFFF086;
	s6 =	sadd.s32 @!p0 s3, s7;
	s7 =	simm.s32 @!p0 $0x108  }
0x21: {  	s3 =	sadd.s32 s3, s9;
	s6 =	sadd.s32 @!p0 $0x88, s6;
	s7 =	simm.s32 @p2 $0x1082  }
0x22: {  	[simem:s7], [sflag:s8] =	dma.local @!p0 [hbm:s6], $0xF7A  }
0x23: {  	s9 =	sor.u32 $0xD0000000, s2;
	s6 =	simm.s32 $0x108;
	_ =	swait.ge @!p0 [sflag:s8], $0x0  }
0x24: {  	s3 =	sadd.s32 $0x88, s3;
	s6 =	simm.s32 @!p1 $0x1082;
	[sflag:s4] =	ssyncset.s32 $0xFFFFF086  }
0x25: {  	[simem:s6], [sflag:s4] =	dma.local [hbm:s3], $0xF7A  }
0x26: {  	[smem:$0x3F9C] =	sst s1;
	(tag) =	ssettag s2;
	_ =	strace s9  }
0x27: {  	s1 =	sld [smem:$0x3FAC]  }
0x28: {  	s2 =	sld [smem:$0x3FAD]  }
0x29: {  	s4 =	sld [smem:$0x3FAF]  }
0x2a: {  	p0 =	seq.s32 s5, $0x0;
	s5 =	sld [smem:$0x3FB0]  }
0x2b: {  	s6 =	sld [smem:$0x3FB1]  }
0x2c: {  	s7 =	sld [smem:$0x3FB2]  }
0x2d: {  	s3 =	simm.s32 $0x108;
	s8 =	sld [smem:$0x3FB3]  }
0x2e: {  	s3 =	simm.s32 @!p0 $0x1082;
	s9 =	sld [smem:$0x3FB4]  }
0x2f: {  	lr =	sadd.s32 s0, s3;
	s0 =	sld [smem:$0x3FAB]  }
0x30: {  	s3 =	sld [smem:$0x3FAE]  }
0x31: {  	[smem:$0x3FB7] =	sst s10  }
0x32: {  	s10 =	sld [smem:$0x3FB5];
	_ =	sdelay $0x3  }
0x33: {  	p0 =	seq.s32 s10, $0x1;
	s10 =	sld [smem:$0x3FB7];
	_ =	sdelay $0x3  }
0x34: {  	[smem:$0x3FB7] =	sst s10  }
0x35: {  	s10 =	sld [smem:$0x3FB6];
	_ =	sdelay $0x3  }
0x36: {  	p1 =	seq.s32 s10, $0x1;
	s10 =	sld [smem:$0x3FB7];
	_ =	sdelay $0x3  }
0x37: {  	[smem:$0x3FB7] =	sst s10  }
0x38: {  	s10 =	sld [smem:$0x3FB8]  }
0x39: {  	_ = 	snop;
	(pc) =	sbr.ind lr, $3  }
0x3a: {  	_ = 	snop  }
0x3b: {  	_ = 	snop  }
0x3c: {  	p2 =	seq.s32 s10, $0x1;
	s10 =	sld [smem:$0x3FB7]  }
0x3d: {  	_ =	shalt  }
0x3e: {  	_ =	shalt  }
0x3f: {  	_ =	shalt  }
0x40: {  	_ =	shalt  }
0x41: {  	_ =	shalt  }
0x42: {  	_ =	shalt  }
0x43: {  	_ =	shalt  }
0x44: {  	_ =	shalt  }
0x45: {  	_ =	shalt  }
0x46: {  	_ =	shalt  }
0x47: {  	_ =	shalt  }
0x48: {  	_ =	shalt  }
0x49: {  	_ =	shalt  }
0x4a: {  	_ =	shalt  }
0x4b: {  	_ =	shalt  }
0x4c: {  	_ =	shalt  }
0x4d: {  	_ =	shalt  }
0x4e: {  	_ =	shalt  }
0x4f: {  	_ =	shalt  }
0x50: {  	_ =	shalt  }
0x51: {  	_ =	shalt  }
0x52: {  	_ =	shalt  }
0x53: {  	_ =	shalt  }
0x54: {  	_ =	shalt  }
0x55: {  	_ =	shalt  }
0x56: {  	_ =	shalt  }
0x57: {  	_ =	shalt  }
0x58: {  	_ =	shalt  }
0x59: {  	_ =	shalt  }
0x5a: {  	_ =	shalt  }
0x5b: {  	_ =	shalt  }
0x5c: {  	_ =	shalt  }
0x5d: {  	_ =	shalt  }
0x5e: {  	_ =	shalt  }
0x5f: {  	_ =	shalt  }
0x60: {  	_ =	shalt  }
0x61: {  	_ =	shalt  }
0x62: {  	_ =	shalt  }
0x63: {  	_ =	shalt  }
0x64: {  	_ =	shalt  }
0x65: {  	_ =	shalt  }
0x66: {  	_ =	shalt  }
0x67: {  	_ =	shalt  }
0x68: {  	_ =	shalt  }
0x69: {  	_ =	shalt  }
0x6a: {  	_ =	shalt  }
0x6b: {  	_ =	shalt  }
0x6c: {  	_ =	shalt  }
0x6d: {  	_ =	shalt  }
0x6e: {  	_ =	shalt  }
0x6f: {  	_ =	shalt  }
0x70: {  	_ =	shalt  }
0x71: {  	_ =	shalt  }
0x72: {  	_ =	shalt  }
0x73: {  	_ =	shalt  }
0x74: {  	_ =	shalt  }
0x75: {  	_ =	shalt  }
0x76: {  	_ =	shalt  }
0x77: {  	_ =	shalt  }
0x78: {  	_ =	shalt  }
0x79: {  	_ =	shalt  }
0x7a: {  	_ =	shalt  }
0x7b: {  	_ =	shalt  }
0x7c: {  	_ =	shalt  }
0x7d: {  	_ =	shalt  }
0x7e: {  	_ =	shalt  }
0x7f: {  	_ =	shalt  }
0x80: {  	_ =	shalt  }
0x81: {  	_ =	shalt  }
0x82: {  	_ =	shalt  }
0x83: {  	_ =	shalt  }
0x84: {  	_ =	shalt  }
0x85: {  	_ =	shalt  }
0x86: {  	_ =	shalt  }
0x87: {  	_ =	shalt  }
.Lfunc_end0:
.L_simem_size_0:
called_computation_lowered:
.L_overlay_start_0:
0x88: {  	s2 =	sld [smem:$0x3FD9]  }
0x89: {  	s3 =	sld [smem:$0x3FFE];
	_ =	sdelay $0x1  }
0x8a: {  	s1 =	srdreg.scid  }
0x8b: {  	s0 =	sand.u32 $0x1, s1  }
0x8c: {  	s17 =	sshll.u32 s0, $0xA;
	s2 =	sadd.s32 s3, s2  }
0x8d: {  	s2 =	sadd.s32 s2, s17  }
0x8e: {  	[smem:$0x3FC3] =	sst s2  }
0x8f: {  	_ = 	snop  }
0x90: {  	s2 =	sld [smem:$0x3FD0];
	(tm) =	ssettm $0x1  }
0x91: {  	s18 =	sld [smem:$0x3FFB];
	_ =	sdelay $0x3  }
0x92: {  	_ =	strace s18  }
0x93: {  	s3 =	sld [smem:$0x3FFC];
	_ =	sdelay $0x3  }
0x94: {  	_ =	strace s3  }
0x95: {  	s3 =	sld [smem:$0x3FFD];
	_ =	sdelay $0x3  }
0x96: {  	_ =	strace s3  }
0x97: {  	_ =	strace $0x8FFFFFFF  }
0x98: {  	s19 =	sld [smem:$0x3FDB];
	_ =	sdelay $0x1  }
0x99: {  	s4 =	simm.s32 $_scs_section_size  }
0x9a: {  	s5 =	simm.s32 $_size__tile_overlayer_lowered;
	s6 =	simm.s32 $_tile_overlayer_lowered  }
0x9b: {  	s22 =	simm.s32 $0x1BFF;
	s21 =	sshll.u32 s6, $0x1;
	s3 =	sadd.s32 s4, s19  }
0x9c: {  	s7 =	simm.s32 $0x0;
	s20 =	sshll.u32 s5, $0x1;
	s5 =	sadd.s32 s21, s3  }
0x9d: {  	[timem:s7], [sflag:s22] =	dma.local [hbm:s5], s20  }
0x9e: {  	_ =	swait.ge [sflag:s22], s20  }
0x9f: {  	s4 =	ssub.s32 $0x0, s20;
	[sflag:s22] =	ssyncset.done $0x0  }
0xa0: {  	[sflag:s22] =	ssyncadd.s32 s4;
	_ =	sdelay $0x1  }
0xa1: {  	s23 =	simm.s32 $0x1B8B  }
0xa2: {  	_ =	swait.ge [sflag:s23], $0x1  }
0xa3: {  	[sflag:s23] =	ssyncset.done $0x0  }
0xa4: {  	s25 =	simm.s32 $0x1B8E;
	s24 =	sld [smem:$0x3FFE];
	[sflag:s23] =	ssyncadd.s32 $0xFFFFFFFF  }
0xa5: {  	s26 =	simm.s32 $execute0_lowered;
	[smem:$0x3FD2] =	sst s25  }
0xa6: {  	s5 =	sshll.u32 s26, $0x1;
	_ =	strace $0x80000046;
	[dreg:$0x1] =	wrdreg $0xFFFFFFFF  }
0xa7: {  	s28 =	simm.s32 $_size_execute0_lowered;
	s3 =	sadd.s32 s3, s5;
	[dreg:$0x0] =	wrdreg $0x0  }
0xa8: {  	s5 =	sshll.u32 s28, $0x1;
	[dreg:$0x2] =	wrdreg s3  }
0xa9: {  	[dreg:$0x3] =	wrdreg s5  }
0xaa: {  	[dreg:$0x4] =	wrdreg $0xC0  }
0xab: {  	_ =	task [dreg:s7], $0x5FFFF  }
0xac: {  	[dreg:$0x1] =	wrdreg $0xFFFFFFFF  }
0xad: {  	[dreg:$0x0] =	wrdreg $0x60  }
0xae: {  	[dreg:$0x2] =	wrdreg s24  }
0xaf: {  	[dreg:$0x3] =	wrdreg s2  }
0xb0: {  	[dreg:$0x4] =	wrdreg $0x9  }
0xb1: {  	_ =	task.clear_ibuf [dreg:s7], $0x5FFFF;
	_ =	strace $0x90000046  }
0xb2: {  	s29 =	simm.s32 $0x9;
	_ =	strace $0x80000048  }
0xb3: {  	_ =	swait.ge [sflag:s29], $0x1  }
0xb4: {  	[sflag:s29] =	ssyncadd.s32 $0xFFFFFFFF  }
0xb5: {  	_ =	strace $0x90000048  }
0xb6: {  	_ =	sfence  }
0xb7: {  	s30 =	sld [smem:$0x0];
	_ =	sdelay $0x2  }
0xb8: {  	s31 =	sshll.u32 s1, $0xD;
	s1 =	sshrl.u32 s1, $0x2  }
0xb9: {  	s3 =	sand.u32 $0x4000, s31;
	s1 =	sadd.s32 s1, s30  }
0xba: {  	s0 =	sor.u32 s3, s0;
	s1 =	sshll.u32 s1, $0x11  }
0xbb: {  	s0 =	sor.u32 s1, s0  }
0xbc: {  	s0 =	sadd.s32 $0x8F2B, s0  }
0xbd: {  	[sflag:s0] =	ssyncadd.remote.s32 $0x1  }
0xbe: {  	_ =	sfence.sel $0xFFFF  }
0xbf: {  	[dreg:$0x0] =	wrdreg $0xFFFFFFFF;
	(pc) =	sbr.abs _section_cstart, $3  }
0xc0: {  	[dreg:$0x1] =	wrdreg $0xFFFFFFFF  }
0xc1: {  	_ =	task.clear_ibuf [dreg:s7], $0x2FFFF;
	_ =	strace $0x9FFFFFFF  }
0xc2: {  	(tm) =	ssettm $0x7FFFFFFF  }
0xc3: {  	_ =	shalt  }
tec
execute0_lowered:
.L_overlay_start_1:
0x0: {  	(tag) =	ssettag $0x1  }
0x1: {  	s1 =	rddreg [dreg:$0x0]  }
0x2: {  	s2 =	rddreg [dreg:$0x1];
	s3 =	srdreg.scid  }
0x3: {  	s0 =	rddreg [dreg:$0x2];
	s4 =	simm.s32 $0x0;
	s10 =	simm.s32 $0xE740  }
0x4: {  	s11 =	simm.s32 $0x1;
	s12 =	simm.s32 $0x6400;
	s13 =	simm.s32 $0xD7A0  }
0x5: {  	s14 =	simm.s32 $0xF6E0;
	s15 =	simm.s32 $0x2;
	s16 =	simm.s32 $0xFA0  }
0x6: {  	s17 =	simm.s32 $0x4E20;
	s18 =	simm.s32 $0x10680;
	s19 =	simm.s32 $0x3  }
0x7: {  	s20 =	simm.s32 $0x0;
	s6 =	sand.u32 $0x1, s3;
	[smem:$0x7FF] =	sst s4  }
0x8: {  	s3 =	stileid.u32;
	s5 =	sadd.s32 $0x1D800, s1;
	s7 =	ssub.s32 $0x2, s6  }
0x9: {  	_ =	strace $0x80000047;
	s9 =	sshll.u32 s3, $0x1;
	s8 =	sshrl.u32 s7, $0x1  }
0xa: {  	s31 =	sor.u32 s6, s9;
	s6 =	sadd.s32 $0xEC00, s1;
	s8 =	ssub.s32 s7, s8  }
0xb: {  	v0 =	vimm.s32 $0x0;
	v1 =	vimm.f32 $0.0e+00;
	s9 =	simm.s32 $0xC800;
	s7 =	smul.u32 $0x5, s31;
	s8 =	smax.u32 s8, $0x1  }
.LBB2_1:
0xc: {  	s21 =	simm.s32 $0x0  }
.LBB2_2:
0xd: {  	s24 =	sadd.s32 s7, s21  }
0xe: {  	s22 =	smulhi.u32 $0xCCCCCCCD, s24;
	_ =	sdelay $0x1  }
0xf: {  	s26 =	sshrl.u32 s22, $0x2;
	s23 =	sshrl.u32 s22, $0x5  }
0x10: {  	s22 =	sand.u32 $0x7, s26;
	s28 =	smul.u32 $0x180, s23  }
0x11: {  	s26 =	smul.u32 $0x5, s26;
	s25 =	sshll.u32 s22, $0x3  }
0x12: {  	s29 =	smul.u32 $0x1D4C0, s23;
	s28 =	sor.u32 s28, s25  }
0x13: {  	s24 =	ssub.s32 s24, s26;
	s28 =	smul.u32 $0xC80, s28  }
0x14: {  	s24 =	smul.u32 $0xFA0, s24  }
0x15: {  	s31 =	sshrl.u32 s28, $0x3  }
0x16: {  	s28 =	simm.s32 $0x0;
	s30 =	sadd.s32 s24, s29;
	s26 =	sadd.s32 s5, s31  }
0x17: {  	[tilespmem:s28], [sflag:$0x1] =	stream.linear.gather [hbm4b:s26+s28], $0x6400, $0x38;
	[tilespmem:$0x18380] =	vst v63  }
0x18: {  	s26 =	sshrl.u32 s30, $0x3  }
0x19: {  	s29 =	sadd.s32 s1, s26  }
0x1a: {  	[tilespmem:s9], [sflag:$0x1] =	stream.linear.gather [hbm4b:s29+s28], $0xFA0, $0x38;
	[tilespmem:$0x18380] =	vst v63  }
0x1b: {  	s26 =	sadd.s32 s6, s26  }
0x1c: {  	[tilespmem:s10], [sflag:$0x1] =	stream.linear.gather [hbm4b:s26+s28], $0xFA0, $0x38;
	[tilespmem:$0x18380] =	vst v63  }
0x1d: {  	s26 =	smul.u32 $0x6, s23;
	_ =	swait.ge [sflag:s11], $0x6400  }
0x1e: {  	[sflag:s11] =	ssyncset.done $0x0  }
0x1f: {  	s29 =	sor.u32 $0x1, s26;
	[sflag:s11] =	ssyncadd.s32 $0xFFFF9C00  }
0x20: {  	s30 =	sshll.u32 s29, $0x6;
	_ =	swait.ge [sflag:s11], $0xFA0  }
0x21: {  	s29 =	smul.u32 $0x4E20, s29;
	s30 =	sor.u32 s25, s30;
	[sflag:s11] =	ssyncset.done $0x0  }
0x22: {  	s30 =	smul.u32 $0xC80, s30;
	[sflag:s11] =	ssyncadd.s32 $0xFFFFF060  }
0x23: {  	_ =	swait.ge [sflag:s11], $0xFA0  }
0x24: {  	s29 =	sadd.s32 s24, s29;
	s30 =	sshrl.u32 s30, $0x3;
	[sflag:s11] =	ssyncset.done $0x0  }
0x25: {  	s29 =	sshrl.u32 s29, $0x3;
	s30 =	sadd.s32 s5, s30;
	[sflag:s11] =	ssyncadd.s32 $0xFFFFF060  }
0x26: {  	[tilespmem:s12], [sflag:$0x2] =	stream.linear.gather [hbm4b:s30+s28], $0x6400, $0x38;
	[tilespmem:$0x18380] =	vst v63  }
.Ltmp0:
0x27: {  	s31 =	sadd.s32 s1, s29;
	(pc) =	sbr.rel .LBB2_3-.Ltmp0, $4  }
0x28: {  	[tilespmem:s13], [sflag:$0x2] =	stream.linear.gather [hbm4b:s31+s28], $0xFA0, $0x38;
	[tilespmem:$0x18380] =	vst v63  }
0x29: {  	s29 =	sadd.s32 s6, s29  }
0x2a: {  	[tilespmem:s14], [sflag:$0x2] =	stream.linear.gather [hbm4b:s29+s28], $0xFA0, $0x38;
	[tilespmem:$0x18380] =	vst v63  }
0x2b: {  	s29 =	simm.s32 $0x0  }
.LBB2_5:
0x2c: {  	v2 =	vimm.f32 $-Inf  }
0x2d: {  	[tilespmem:s30+$0x10680] =	vst v2  }
0x2e: {  	[tilespmem:s30+$0x11620] =	vst v2  }
0x2f: {  	[tilespmem:s30+$0x125C0] =	vst v2  }
0x30: {  	[tilespmem:s30+$0x13560] =	vst v2  }
0x31: {  	[tilespmem:s30+$0x14500] =	vst v2  }
0x32: {  	[tilespmem:s30+$0x154A0] =	vst v2  }
0x33: {  	[smem:s29] =	sst s11;
	[tilespmem:s30+$0x16440] =	vst v2  }
.LBB2_6:
0x34: {  	s28 =	sadd.s32 $0x40, s28  }
0x35: {  	p0 =	sne.s32 s28, $0x3E80  }
.Ltmp1:
0x36: {  	_ = 	snop;
	(pc) =	sbr.rel @!p0 .LBB2_7-.Ltmp1, $2  }
0x37: {  	_ =	sdelay $0x2  }
0x38: {  	[tilespmem:s30+$0x173E0] =	vst v2;
	s29 =	sadd.s32 $0x1, s29  }
.LBB2_3:
0x39: {  	s30 =	sshra.s32 s28, $0x2  }
0x3a: {  	v2 =	vld [tilespmem:s30+$0xC800]  }
0x3b: {  	v3 =	vld [tilespmem:s30+$0xE740];
	_ =	sdelay $0x3  }
0x3c: {  	v2 =	vmax.f32 v2, $-4.000000000e+04  }
0x3d: {  	v3 =	vmax.f32 v3, $-4.000000000e+04;
	v2 =	vmin.f32 v2, $4.000000000e+04  }
0x3e: {  	v3 =	vmin.f32 v3, $4.000000000e+04;
	v4 =	vtrunc.f32 v2  }
0x3f: {  	v6 =	vtrunc.f32 v3;
	v5 =	vcvt.f32.s32 v4  }
0x40: {  	v7 =	vcvt.f32.s32 v6;
	vm0 =	vlt.f32 v2, v4;
	vm1 =	vlt.f32 v3, v6  }
0x41: {  	v4 =	vsel vm0, $0xFFFFFFFF, v0;
	v6 =	vsel vm1, $0xFFFFFFFF, v0  }
0x42: {  	v5 =	vadd.s32 v5, v4;
	v6 =	vadd.s32 v7, v6  }
0x43: {  	vm0 =	vlt.u32 v5, $0x4F;
	vm1 =	vlt.u32 v6, $0x27  }
0x44: {  	vm0 =	vmand vm0, vm1  }
0x45: {  	v4 =	vsel vm0, $0x3F800000, v1  }
0x46: {  	(xrf0) =	vmax.scan.msk.f32 $0xffff, v4;
	_ =	sdelay $0x5  }
0x47: {  	v7, _, _ =	vpop (xrf0)  }
0x48: {  	(v2sf) =	vpush v7, $0xF;
	_ =	sdelay $0xe  }
0x49: {  	s31 =	spop (v2sf)  }
0x4a: {  	p0 =	sgt.f32 s31, $0.0e+00  }
.Ltmp2:
0x4b: {  	_ = 	snop;
	(pc) =	sbr.rel @!p0 .LBB2_5-.Ltmp2, $1  }
0x4c: {  	_ =	sdelay $0x3  }
0x4d: {  	v7 =	vmul.u32 $0x50, v6;
	_ =	sdelay $0x1  }
0x4e: {  	v7 =	vadd.s32 v5, v7  }
0x4f: {  	v7 =	vnsel vm0, $0x0, v7  }
0x50: {  	v8 =	vadd.s32 $0x50, v7  }
0x51: {  	v17 =	vcvt.s32.f32 v6;
	v9 =	vadd.s32 $0x1, v7  }
0x52: {  	v10 =	vadd.s32 $0x51, v7  }
0x53: {  	v18 =	vcvt.s32.f32 v5;
	v11 =	vadd.f32 $1.000000000e+00, v17  }
0x54: {  	v6 =	vsub.f32 v3, v17;
	v12 =	vld.idx.msk [tilespmem:v7+s4+$0x0], $0xffff  }
0x55: {  	v19 =	vadd.f32 $1.000000000e+00, v18;
	v3 =	vsub.f32 v11, v3;
	v8 =	vld.idx.msk [tilespmem:v8+s4+$0x0], $0xffff  }
0x56: {  	v9 =	vld.idx.msk [tilespmem:v9+s4+$0x0], $0xffff  }
0x57: {  	v6 =	vmul.f32 v4, v6;
	v20 =	vsub.f32 v19, v2;
	v3 =	vmul.f32 v4, v3;
	v10 =	vld.idx.msk [tilespmem:v10+s4+$0x0], $0xffff  }
0x58: {  	v2 =	vsub.f32 v2, v18  }
0x59: {  	v4 =	vmul.f32 v6, v20;
	v21 =	vmul.f32 v3, v20  }
0x5a: {  	v3 =	vmul.f32 v3, v2;
	v2 =	vmul.f32 v6, v2  }
0x5b: {  	v22 =	vmul.f32 v12, v21;
	v8 =	vmul.f32 v8, v4  }
0x5c: {  	v9 =	vmul.f32 v9, v3;
	v10 =	vmul.f32 v10, v2;
	_ =	sdelay $0x1  }
0x5d: {  	v24 =	vadd.s32 $0xC80, v7;
	v6 =	vadd.f32 v8, v22;
	v23 =	vadd.f32 v10, v9  }
0x5e: {  	v25 =	vadd.s32 $0xCD0, v7  }
0x5f: {  	v26 =	vadd.s32 $0xC81, v7;
	v6 =	vadd.f32 v23, v6  }
0x60: {  	v27 =	vadd.s32 $0xCD1, v7  }
0x61: {  	[tilespmem:s30+$0x10680] =	vst v6  }
0x62: {  	v6 =	vld.idx.msk [tilespmem:v24+s4+$0x0], $0xffff  }
0x63: {  	v28 =	vld.idx.msk [tilespmem:v25+s4+$0x0], $0xffff  }
0x64: {  	v8 =	vld.idx.msk [tilespmem:v26+s4+$0x0], $0xffff  }
0x65: {  	v29 =	vld.idx.msk [tilespmem:v27+s4+$0x0], $0xffff;
	_ =	sdelay $0x3  }
0x66: {  	v6 =	vmul.f32 v6, v21;
	v9 =	vmul.f32 v28, v4  }
0x67: {  	v8 =	vmul.f32 v8, v3;
	v10 =	vmul.f32 v29, v2;
	_ =	sdelay $0x1  }
0x68: {  	v30 =	vadd.s32 $0x1900, v7;
	v6 =	vadd.f32 v9, v6;
	v8 =	vadd.f32 v10, v8  }
0x69: {  	v31 =	vadd.s32 $0x1950, v7  }
0x6a: {  	v32 =	vadd.s32 $0x1901, v7;
	v6 =	vadd.f32 v8, v6  }
0x6b: {  	v33 =	vadd.s32 $0x1951, v7  }
0x6c: {  	[tilespmem:s30+$0x11620] =	vst v6  }
0x6d: {  	v6 =	vld.idx.msk [tilespmem:v30+s4+$0x0], $0xffff  }
0x6e: {  	v34 =	vld.idx.msk [tilespmem:v31+s4+$0x0], $0xffff  }
0x6f: {  	v8 =	vld.idx.msk [tilespmem:v32+s4+$0x0], $0xffff  }
0x70: {  	v35 =	vld.idx.msk [tilespmem:v33+s4+$0x0], $0xffff;
	_ =	sdelay $0x3  }
0x71: {  	v6 =	vmul.f32 v6, v21;
	v9 =	vmul.f32 v34, v4  }
0x72: {  	v8 =	vmul.f32 v8, v3;
	v10 =	vmul.f32 v35, v2;
	_ =	sdelay $0x1  }
0x73: {  	v36 =	vadd.s32 $0x2580, v7;
	v6 =	vadd.f32 v9, v6;
	v8 =	vadd.f32 v10, v8  }
0x74: {  	v37 =	vadd.s32 $0x25D0, v7  }
0x75: {  	v38 =	vadd.s32 $0x2581, v7;
	v6 =	vadd.f32 v8, v6  }
0x76: {  	v39 =	vadd.s32 $0x25D1, v7  }
0x77: {  	[tilespmem:s30+$0x125C0] =	vst v6  }
0x78: {  	v6 =	vld.idx.msk [tilespmem:v36+s4+$0x0], $0xffff  }
0x79: {  	v40 =	vld.idx.msk [tilespmem:v37+s4+$0x0], $0xffff  }
0x7a: {  	v8 =	vld.idx.msk [tilespmem:v38+s4+$0x0], $0xffff  }
0x7b: {  	v41 =	vld.idx.msk [tilespmem:v39+s4+$0x0], $0xffff;
	_ =	sdelay $0x3  }
0x7c: {  	v6 =	vmul.f32 v6, v21;
	v9 =	vmul.f32 v40, v4  }
0x7d: {  	v8 =	vmul.f32 v8, v3;
	v10 =	vmul.f32 v41, v2;
	_ =	sdelay $0x1  }
0x7e: {  	v42 =	vadd.s32 $0x3200, v7;
	v6 =	vadd.f32 v9, v6;
	v8 =	vadd.f32 v10, v8  }
0x7f: {  	v43 =	vadd.s32 $0x3250, v7  }
0x80: {  	v44 =	vadd.s32 $0x3201, v7;
	v6 =	vadd.f32 v8, v6  }
0x81: {  	v45 =	vadd.s32 $0x3251, v7  }
0x82: {  	[tilespmem:s30+$0x13560] =	vst v6  }
0x83: {  	v6 =	vld.idx.msk [tilespmem:v42+s4+$0x0], $0xffff  }
0x84: {  	v46 =	vld.idx.msk [tilespmem:v43+s4+$0x0], $0xffff  }
0x85: {  	v8 =	vld.idx.msk [tilespmem:v44+s4+$0x0], $0xffff  }
0x86: {  	v47 =	vld.idx.msk [tilespmem:v45+s4+$0x0], $0xffff;
	_ =	sdelay $0x3  }
0x87: {  	v6 =	vmul.f32 v6, v21;
	v9 =	vmul.f32 v46, v4  }
0x88: {  	v8 =	vmul.f32 v8, v3;
	v10 =	vmul.f32 v47, v2;
	_ =	sdelay $0x1  }
0x89: {  	v48 =	vadd.s32 $0x3E80, v7;
	v6 =	vadd.f32 v9, v6;
	v8 =	vadd.f32 v10, v8  }
0x8a: {  	v49 =	vadd.s32 $0x3ED0, v7  }
0x8b: {  	v50 =	vadd.s32 $0x3E81, v7;
	v6 =	vadd.f32 v8, v6  }
0x8c: {  	v51 =	vadd.s32 $0x3ED1, v7  }
0x8d: {  	[tilespmem:s30+$0x14500] =	vst v6  }
0x8e: {  	v6 =	vld.idx.msk [tilespmem:v48+s4+$0x0], $0xffff  }
0x8f: {  	v52 =	vld.idx.msk [tilespmem:v49+s4+$0x0], $0xffff  }
0x90: {  	v8 =	vld.idx.msk [tilespmem:v50+s4+$0x0], $0xffff  }
0x91: {  	v53 =	vld.idx.msk [tilespmem:v51+s4+$0x0], $0xffff;
	_ =	sdelay $0x3  }
0x92: {  	v6 =	vmul.f32 v6, v21;
	v9 =	vmul.f32 v52, v4  }
0x93: {  	v8 =	vmul.f32 v8, v3;
	v10 =	vmul.f32 v53, v2;
	_ =	sdelay $0x1  }
0x94: {  	v54 =	vadd.s32 $0x4B00, v7;
	v6 =	vadd.f32 v9, v6;
	v8 =	vadd.f32 v10, v8  }
0x95: {  	v55 =	vadd.s32 $0x4B50, v7  }
0x96: {  	v56 =	vadd.s32 $0x4B01, v7;
	v6 =	vadd.f32 v8, v6  }
0x97: {  	v57 =	vadd.s32 $0x4B51, v7  }
0x98: {  	[tilespmem:s30+$0x154A0] =	vst v6  }
0x99: {  	v6 =	vld.idx.msk [tilespmem:v54+s4+$0x0], $0xffff  }
0x9a: {  	v58 =	vld.idx.msk [tilespmem:v55+s4+$0x0], $0xffff  }
0x9b: {  	v8 =	vld.idx.msk [tilespmem:v56+s4+$0x0], $0xffff  }
0x9c: {  	v59 =	vld.idx.msk [tilespmem:v57+s4+$0x0], $0xffff;
	_ =	sdelay $0x3  }
0x9d: {  	v6 =	vmul.f32 v6, v21;
	v9 =	vmul.f32 v58, v4  }
0x9e: {  	v8 =	vmul.f32 v8, v3;
	v10 =	vmul.f32 v59, v2;
	_ =	sdelay $0x1  }
0x9f: {  	v60 =	vadd.s32 $0x5780, v7;
	v6 =	vadd.f32 v9, v6;
	v8 =	vadd.f32 v10, v8  }
0xa0: {  	v61 =	vadd.s32 $0x57D0, v7  }
0xa1: {  	v62 =	vadd.s32 $0x5781, v7;
	v6 =	vadd.f32 v8, v6  }
0xa2: {  	v7 =	vadd.s32 $0x57D1, v7  }
0xa3: {  	[tilespmem:s30+$0x16440] =	vst v6  }
0xa4: {  	v6 =	vld.idx.msk [tilespmem:v60+s4+$0x0], $0xffff  }
0xa5: {  	v63 =	vld.idx.msk [tilespmem:v61+s4+$0x0], $0xffff  }
0xa6: {  	v8 =	vld.idx.msk [tilespmem:v62+s4+$0x0], $0xffff  }
0xa7: {  	v7 =	vld.idx.msk [tilespmem:v7+s4+$0x0], $0xffff;
	_ =	sdelay $0x3  }
0xa8: {  	v5 =	vmul.f32 v6, v21;
	v4 =	vmul.f32 v63, v4  }
.Ltmp3:
0xa9: {  	v3 =	vmul.f32 v8, v3;
	v2 =	vmul.f32 v7, v2;
	(pc) =	sbr.rel .LBB2_6-.Ltmp3, $3  }
0xaa: {  	_ = 	snop  }
0xab: {  	v4 =	vadd.f32 v4, v5;
	v2 =	vadd.f32 v2, v3;
	_ =	sdelay $0x1  }
0xac: {  	[smem:s29] =	sst s4;
	v2 =	vadd.f32 v2, v4  }
.LBB2_7:
0xad: {  	_ =	swait.ge [sflag:s15], $0x6400  }
0xae: {  	[sflag:s15] =	ssyncset.done $0x0  }
0xaf: {  	s29 =	sadd.s32 $0x2, s26;
	[sflag:s15] =	ssyncadd.s32 $0xFFFF9C00  }
0xb0: {  	s28 =	sshll.u32 s29, $0x6;
	_ =	swait.ge [sflag:s15], $0xFA0  }
0xb1: {  	s29 =	smul.u32 $0x4E20, s29;
	s28 =	sor.u32 s25, s28;
	[sflag:s15] =	ssyncset.done $0x0  }
0xb2: {  	s28 =	smul.u32 $0xC80, s28;
	[sflag:s15] =	ssyncadd.s32 $0xFFFFF060  }
0xb3: {  	s29 =	sadd.s32 s24, s29;
	_ =	swait.ge [sflag:s15], $0xFA0  }
0xb4: {  	s29 =	sshrl.u32 s29, $0x3;
	s28 =	sshrl.u32 s28, $0x3;
	[sflag:s15] =	ssyncset.done $0x0  }
0xb5: {  	s30 =	sadd.s32 s5, s28;
	s28 =	simm.s32 $0x0;
	[sflag:s15] =	ssyncadd.s32 $0xFFFFF060  }
0xb6: {  	[tilespmem:s28], [sflag:$0x1] =	stream.linear.gather [hbm4b:s30+s28], $0x6400, $0x38;
	[tilespmem:$0x18380] =	vst v63  }
.Ltmp4:
0xb7: {  	s31 =	sadd.s32 s1, s29;
	(pc) =	sbr.rel .LBB2_8-.Ltmp4, $4  }
0xb8: {  	[tilespmem:s9], [sflag:$0x1] =	stream.linear.gather [hbm4b:s31+s28], $0xFA0, $0x38;
	[tilespmem:$0x18380] =	vst v63  }
0xb9: {  	s29 =	sadd.s32 s6, s29  }
0xba: {  	[tilespmem:s10], [sflag:$0x1] =	stream.linear.gather [hbm4b:s29+s28], $0xFA0, $0x38;
	[tilespmem:$0x18380] =	vst v63  }
0xbb: {  	s29 =	simm.s32 $0x0  }
.LBB2_10:
0xbc: {  	[smem:s29] =	sst s11  }
.LBB2_11:
0xbd: {  	s28 =	sadd.s32 $0x40, s28  }
0xbe: {  	p0 =	sne.s32 s28, $0x3E80  }
.Ltmp5:
0xbf: {  	_ = 	snop;
	(pc) =	sbr.rel @!p0 .LBB2_12-.Ltmp5, $2  }
0xc0: {  	_ =	sdelay $0x2  }
0xc1: {  	s29 =	sadd.s32 $0x1, s29  }
.LBB2_8:
0xc2: {  	s30 =	sshra.s32 s28, $0x2  }
0xc3: {  	v2 =	vld [tilespmem:s30+$0xD7A0]  }
0xc4: {  	v4 =	vld [tilespmem:s30+$0xF6E0];
	_ =	sdelay $0x3  }
0xc5: {  	v2 =	vmax.f32 v2, $-4.000000000e+04  }
0xc6: {  	v3 =	vmin.f32 v2, $4.000000000e+04;
	v2 =	vmax.f32 v4, $-4.000000000e+04  }
0xc7: {  	v4 =	vmin.f32 v2, $4.000000000e+04;
	v2 =	vtrunc.f32 v3  }
0xc8: {  	v5 =	vcvt.f32.s32 v2;
	v6 =	vtrunc.f32 v4  }
0xc9: {  	vm0 =	vlt.f32 v3, v2;
	v7 =	vcvt.f32.s32 v6;
	vm1 =	vlt.f32 v4, v6  }
0xca: {  	v2 =	vsel vm0, $0xFFFFFFFF, v0;
	v8 =	vsel vm1, $0xFFFFFFFF, v0  }
0xcb: {  	v6 =	vadd.s32 v5, v2;
	v7 =	vadd.s32 v7, v8  }
0xcc: {  	vm0 =	vlt.u32 v6, $0x4F;
	vm1 =	vlt.u32 v7, $0x27  }
0xcd: {  	vm0 =	vmand vm0, vm1  }
0xce: {  	v5 =	vsel vm0, $0x3F800000, v1  }
0xcf: {  	(xrf0) =	vmax.scan.msk.f32 $0xffff, v5;
	_ =	sdelay $0x5  }
0xd0: {  	v2, _, _ =	vpop (xrf0)  }
0xd1: {  	(v2sf) =	vpush v2, $0xF;
	_ =	sdelay $0xe  }
0xd2: {  	s31 =	spop (v2sf)  }
0xd3: {  	p0 =	sgt.f32 s31, $0.0e+00  }
.Ltmp6:
0xd4: {  	_ = 	snop;
	(pc) =	sbr.rel @!p0 .LBB2_10-.Ltmp6, $1  }
0xd5: {  	_ =	sdelay $0x3  }
0xd6: {  	v2 =	vmul.u32 $0x50, v7;
	_ =	sdelay $0x1  }
0xd7: {  	v2 =	vadd.s32 v6, v2  }
0xd8: {  	v2 =	vnsel vm0, $0x0, v2  }
0xd9: {  	v8 =	vadd.s32 $0x50, v2  }
0xda: {  	v54 =	vcvt.s32.f32 v7;
	v9 =	vadd.s32 $0x1, v2  }
0xdb: {  	v10 =	vadd.s32 $0x51, v2  }
0xdc: {  	v55 =	vcvt.s32.f32 v6;
	v11 =	vadd.f32 $1.000000000e+00, v54  }
0xdd: {  	v7 =	vsub.f32 v4, v54;
	v12 =	vld.idx.msk [tilespmem:v2+s12+$0x0], $0xffff  }
0xde: {  	v57 =	vadd.f32 $1.000000000e+00, v55;
	v56 =	vsub.f32 v11, v4;
	v8 =	vld.idx.msk [tilespmem:v8+s12+$0x0], $0xffff  }
0xdf: {  	v9 =	vld.idx.msk [tilespmem:v9+s12+$0x0], $0xffff  }
0xe0: {  	v7 =	vmul.f32 v5, v7;
	v59 =	vsub.f32 v57, v3;
	v58 =	vmul.f32 v5, v56;
	v10 =	vld.idx.msk [tilespmem:v10+s12+$0x0], $0xffff  }
0xe1: {  	v6 =	vsub.f32 v3, v55  }
0xe2: {  	v4 =	vmul.f32 v7, v59;
	v3 =	vmul.f32 v58, v59  }
0xe3: {  	v5 =	vmul.f32 v58, v6;
	v6 =	vmul.f32 v7, v6  }
0xe4: {  	v60 =	vmul.f32 v12, v3;
	v8 =	vmul.f32 v8, v4  }
0xe5: {  	v9 =	vmul.f32 v9, v5;
	v10 =	vmul.f32 v10, v6  }
0xe6: {  	v61 =	vld [tilespmem:s30+$0x10680]  }
0xe7: {  	v7 =	vadd.f32 v8, v60;
	v62 =	vadd.f32 v10, v9  }
0xe8: {  	v63 =	vadd.s32 $0xC80, v2  }
0xe9: {  	v12 =	vadd.s32 $0xCD0, v2;
	v7 =	vadd.f32 v62, v7  }
0xea: {  	v13 =	vadd.s32 $0xC81, v2  }
0xeb: {  	v14 =	vadd.s32 $0xCD1, v2;
	v7 =	vmax.f32 v61, v7  }
0xec: {  	[tilespmem:s30+$0x10680] =	vst v7  }
0xed: {  	v7 =	vld.idx.msk [tilespmem:v63+s12+$0x0], $0xffff  }
0xee: {  	v8 =	vld.idx.msk [tilespmem:v12+s12+$0x0], $0xffff  }
0xef: {  	v15 =	vld.idx.msk [tilespmem:v13+s12+$0x0], $0xffff  }
0xf0: {  	v16 =	vld.idx.msk [tilespmem:v14+s12+$0x0], $0xffff;
	_ =	sdelay $0x3  }
0xf1: {  	v7 =	vmul.f32 v7, v3;
	v8 =	vmul.f32 v8, v4  }
0xf2: {  	v9 =	vmul.f32 v15, v5;
	v10 =	vmul.f32 v16, v6  }
0xf3: {  	v17 =	vld [tilespmem:s30+$0x11620]  }
0xf4: {  	v7 =	vadd.f32 v8, v7;
	v18 =	vadd.f32 v10, v9  }
0xf5: {  	v19 =	vadd.s32 $0x1900, v2  }
0xf6: {  	v20 =	vadd.s32 $0x1950, v2;
	v7 =	vadd.f32 v18, v7  }
0xf7: {  	v21 =	vadd.s32 $0x1901, v2  }
0xf8: {  	v22 =	vadd.s32 $0x1951, v2;
	v7 =	vmax.f32 v17, v7  }
0xf9: {  	[tilespmem:s30+$0x11620] =	vst v7  }
0xfa: {  	v7 =	vld.idx.msk [tilespmem:v19+s12+$0x0], $0xffff  }
0xfb: {  	v8 =	vld.idx.msk [tilespmem:v20+s12+$0x0], $0xffff  }
0xfc: {  	v23 =	vld.idx.msk [tilespmem:v21+s12+$0x0], $0xffff  }
0xfd: {  	v24 =	vld.idx.msk [tilespmem:v22+s12+$0x0], $0xffff;
	_ =	sdelay $0x3  }
0xfe: {  	v7 =	vmul.f32 v7, v3;
	v8 =	vmul.f32 v8, v4  }
0xff: {  	v9 =	vmul.f32 v23, v5;
	v10 =	vmul.f32 v24, v6  }
0x100: {  	v25 =	vld [tilespmem:s30+$0x125C0]  }
0x101: {  	v7 =	vadd.f32 v8, v7;
	v26 =	vadd.f32 v10, v9  }
0x102: {  	v27 =	vadd.s32 $0x2580, v2  }
0x103: {  	v28 =	vadd.s32 $0x25D0, v2;
	v7 =	vadd.f32 v26, v7  }
0x104: {  	v29 =	vadd.s32 $0x2581, v2  }
0x105: {  	v30 =	vadd.s32 $0x25D1, v2;
	v7 =	vmax.f32 v25, v7  }
0x106: {  	[tilespmem:s30+$0x125C0] =	vst v7  }
0x107: {  	v7 =	vld.idx.msk [tilespmem:v27+s12+$0x0], $0xffff  }
0x108: {  	v8 =	vld.idx.msk [tilespmem:v28+s12+$0x0], $0xffff  }
0x109: {  	v31 =	vld.idx.msk [tilespmem:v29+s12+$0x0], $0xffff  }
0x10a: {  	v32 =	vld.idx.msk [tilespmem:v30+s12+$0x0], $0xffff;
	_ =	sdelay $0x3  }
0x10b: {  	v7 =	vmul.f32 v7, v3;
	v8 =	vmul.f32 v8, v4  }
0x10c: {  	v9 =	vmul.f32 v31, v5;
	v10 =	vmul.f32 v32, v6  }
0x10d: {  	v33 =	vld [tilespmem:s30+$0x13560]  }
0x10e: {  	v7 =	vadd.f32 v8, v7;
	v34 =	vadd.f32 v10, v9  }
0x10f: {  	v35 =	vadd.s32 $0x3200, v2  }
0x110: {  	v36 =	vadd.s32 $0x3250, v2;
	v7 =	vadd.f32 v34, v7  }
0x111: {  	v37 =	vadd.s32 $0x3201, v2  }
0x112: {  	v38 =	vadd.s32 $0x3251, v2;
	v7 =	vmax.f32 v33, v7  }
0x113: {  	[tilespmem:s30+$0x13560] =	vst v7  }
0x114: {  	v7 =	vld.idx.msk [tilespmem:v35+s12+$0x0], $0xffff  }
0x115: {  	v8 =	vld.idx.msk [tilespmem:v36+s12+$0x0], $0xffff  }
0x116: {  	v39 =	vld.idx.msk [tilespmem:v37+s12+$0x0], $0xffff  }
0x117: {  	v40 =	vld.idx.msk [tilespmem:v38+s12+$0x0], $0xffff;
	_ =	sdelay $0x3  }
0x118: {  	v7 =	vmul.f32 v7, v3;
	v8 =	vmul.f32 v8, v4  }
0x119: {  	v9 =	vmul.f32 v39, v5;
	v10 =	vmul.f32 v40, v6  }
0x11a: {  	v41 =	vld [tilespmem:s30+$0x14500]  }
0x11b: {  	v7 =	vadd.f32 v8, v7;
	v42 =	vadd.f32 v10, v9  }
0x11c: {  	v43 =	vadd.s32 $0x3E80, v2  }
0x11d: {  	v44 =	vadd.s32 $0x3ED0, v2;
	v7 =	vadd.f32 v42, v7  }
0x11e: {  	v45 =	vadd.s32 $0x3E81, v2  }
0x11f: {  	v46 =	vadd.s32 $0x3ED1, v2;
	v7 =	vmax.f32 v41, v7  }
0x120: {  	[tilespmem:s30+$0x14500] =	vst v7  }
0x121: {  	v7 =	vld.idx.msk [tilespmem:v43+s12+$0x0], $0xffff  }
0x122: {  	v8 =	vld.idx.msk [tilespmem:v44+s12+$0x0], $0xffff  }
0x123: {  	v47 =	vld.idx.msk [tilespmem:v45+s12+$0x0], $0xffff  }
0x124: {  	v48 =	vld.idx.msk [tilespmem:v46+s12+$0x0], $0xffff;
	_ =	sdelay $0x3  }
0x125: {  	v7 =	vmul.f32 v7, v3;
	v8 =	vmul.f32 v8, v4  }
0x126: {  	v9 =	vmul.f32 v47, v5;
	v10 =	vmul.f32 v48, v6  }
0x127: {  	v49 =	vld [tilespmem:s30+$0x154A0]  }
0x128: {  	v7 =	vadd.f32 v8, v7;
	v50 =	vadd.f32 v10, v9  }
0x129: {  	v51 =	vadd.s32 $0x4B00, v2  }
0x12a: {  	v52 =	vadd.s32 $0x4B50, v2;
	v7 =	vadd.f32 v50, v7  }
0x12b: {  	v53 =	vadd.s32 $0x4B01, v2  }
0x12c: {  	v54 =	vadd.s32 $0x4B51, v2;
	v7 =	vmax.f32 v49, v7  }
0x12d: {  	[tilespmem:s30+$0x154A0] =	vst v7  }
0x12e: {  	v7 =	vld.idx.msk [tilespmem:v51+s12+$0x0], $0xffff  }
0x12f: {  	v8 =	vld.idx.msk [tilespmem:v52+s12+$0x0], $0xffff  }
0x130: {  	v55 =	vld.idx.msk [tilespmem:v53+s12+$0x0], $0xffff  }
0x131: {  	v56 =	vld.idx.msk [tilespmem:v54+s12+$0x0], $0xffff;
	_ =	sdelay $0x3  }
0x132: {  	v7 =	vmul.f32 v7, v3;
	v8 =	vmul.f32 v8, v4  }
0x133: {  	v9 =	vmul.f32 v55, v5;
	v10 =	vmul.f32 v56, v6  }
0x134: {  	v57 =	vld [tilespmem:s30+$0x16440]  }
0x135: {  	v7 =	vadd.f32 v8, v7;
	v58 =	vadd.f32 v10, v9  }
0x136: {  	v59 =	vadd.s32 $0x5780, v2  }
0x137: {  	v60 =	vadd.s32 $0x57D0, v2;
	v7 =	vadd.f32 v58, v7  }
0x138: {  	v61 =	vadd.s32 $0x5781, v2  }
0x139: {  	v2 =	vadd.s32 $0x57D1, v2;
	v7 =	vmax.f32 v57, v7  }
0x13a: {  	[tilespmem:s30+$0x16440] =	vst v7  }
0x13b: {  	v7 =	vld.idx.msk [tilespmem:v59+s12+$0x0], $0xffff  }
0x13c: {  	v8 =	vld.idx.msk [tilespmem:v60+s12+$0x0], $0xffff  }
0x13d: {  	v62 =	vld.idx.msk [tilespmem:v61+s12+$0x0], $0xffff  }
0x13e: {  	v2 =	vld.idx.msk [tilespmem:v2+s12+$0x0], $0xffff;
	_ =	sdelay $0x3  }
0x13f: {  	v3 =	vmul.f32 v7, v3;
	v4 =	vmul.f32 v8, v4  }
0x140: {  	v5 =	vmul.f32 v62, v5;
	v2 =	vmul.f32 v2, v6  }
0x141: {  	v63 =	vld [tilespmem:s30+$0x173E0]  }
0x142: {  	v3 =	vadd.f32 v4, v3;
	v2 =	vadd.f32 v2, v5  }
.Ltmp7:
0x143: {  	_ = 	snop;
	(pc) =	sbr.rel .LBB2_11-.Ltmp7, $3  }
0x144: {  	v2 =	vadd.f32 v2, v3;
	_ =	sdelay $0x1  }
0x145: {  	v2 =	vmax.f32 v63, v2  }
0x146: {  	[tilespmem:s30+$0x173E0] =	vst v2  }
.LBB2_12:
0x147: {  	_ =	swait.ge [sflag:s11], $0x6400  }
0x148: {  	[sflag:s11] =	ssyncset.done $0x0  }
0x149: {  	s29 =	sadd.s32 $0x3, s26;
	[sflag:s11] =	ssyncadd.s32 $0xFFFF9C00  }
0x14a: {  	s28 =	sshll.u32 s29, $0x6;
	_ =	swait.ge [sflag:s11], $0xFA0  }
0x14b: {  	s29 =	smul.u32 $0x4E20, s29;
	s28 =	sor.u32 s25, s28;
	[sflag:s11] =	ssyncset.done $0x0  }
0x14c: {  	s28 =	smul.u32 $0xC80, s28;
	[sflag:s11] =	ssyncadd.s32 $0xFFFFF060  }
0x14d: {  	s29 =	sadd.s32 s24, s29;
	_ =	swait.ge [sflag:s11], $0xFA0  }
0x14e: {  	s29 =	sshrl.u32 s29, $0x3;
	s28 =	sshrl.u32 s28, $0x3;
	[sflag:s11] =	ssyncset.done $0x0  }
0x14f: {  	s30 =	sadd.s32 s5, s28;
	s28 =	simm.s32 $0x0;
	[sflag:s11] =	ssyncadd.s32 $0xFFFFF060  }
0x150: {  	[tilespmem:s12], [sflag:$0x2] =	stream.linear.gather [hbm4b:s30+s28], $0x6400, $0x38;
	[tilespmem:$0x18380] =	vst v63  }
.Ltmp8:
0x151: {  	s31 =	sadd.s32 s1, s29;
	(pc) =	sbr.rel .LBB2_13-.Ltmp8, $4  }
0x152: {  	[tilespmem:s13], [sflag:$0x2] =	stream.linear.gather [hbm4b:s31+s28], $0xFA0, $0x38;
	[tilespmem:$0x18380] =	vst v63  }
0x153: {  	s29 =	sadd.s32 s6, s29  }
0x154: {  	[tilespmem:s14], [sflag:$0x2] =	stream.linear.gather [hbm4b:s29+s28], $0xFA0, $0x38;
	[tilespmem:$0x18380] =	vst v63  }
0x155: {  	s29 =	simm.s32 $0x0  }
.LBB2_15:
0x156: {  	[smem:s29] =	sst s11  }
.LBB2_16:
0x157: {  	s28 =	sadd.s32 $0x40, s28  }
0x158: {  	p0 =	sne.s32 s28, $0x3E80  }
.Ltmp9:
0x159: {  	_ = 	snop;
	(pc) =	sbr.rel @!p0 .LBB2_17-.Ltmp9, $2  }
0x15a: {  	_ =	sdelay $0x2  }
0x15b: {  	s29 =	sadd.s32 $0x1, s29  }
.LBB2_13:
0x15c: {  	s30 =	sshra.s32 s28, $0x2  }
0x15d: {  	v2 =	vld [tilespmem:s30+$0xC800]  }
0x15e: {  	v4 =	vld [tilespmem:s30+$0xE740];
	_ =	sdelay $0x3  }
0x15f: {  	v2 =	vmax.f32 v2, $-4.000000000e+04  }
0x160: {  	v3 =	vmin.f32 v2, $4.000000000e+04;
	v2 =	vmax.f32 v4, $-4.000000000e+04  }
0x161: {  	v4 =	vmin.f32 v2, $4.000000000e+04;
	v2 =	vtrunc.f32 v3  }
0x162: {  	v5 =	vcvt.f32.s32 v2;
	v6 =	vtrunc.f32 v4  }
0x163: {  	vm0 =	vlt.f32 v3, v2;
	v7 =	vcvt.f32.s32 v6;
	vm1 =	vlt.f32 v4, v6  }
0x164: {  	v2 =	vsel vm0, $0xFFFFFFFF, v0;
	v8 =	vsel vm1, $0xFFFFFFFF, v0  }
0x165: {  	v6 =	vadd.s32 v5, v2;
	v7 =	vadd.s32 v7, v8  }
0x166: {  	vm0 =	vlt.u32 v6, $0x4F;
	vm1 =	vlt.u32 v7, $0x27  }
0x167: {  	vm0 =	vmand vm0, vm1  }
0x168: {  	v5 =	vsel vm0, $0x3F800000, v1  }
0x169: {  	(xrf0) =	vmax.scan.msk.f32 $0xffff, v5;
	_ =	sdelay $0x5  }
0x16a: {  	v2, _, _ =	vpop (xrf0)  }
0x16b: {  	(v2sf) =	vpush v2, $0xF;
	_ =	sdelay $0xe  }
0x16c: {  	s31 =	spop (v2sf)  }
0x16d: {  	p0 =	sgt.f32 s31, $0.0e+00  }
.Ltmp10:
0x16e: {  	_ = 	snop;
	(pc) =	sbr.rel @!p0 .LBB2_15-.Ltmp10, $1  }
0x16f: {  	_ =	sdelay $0x3  }
0x170: {  	v2 =	vmul.u32 $0x50, v7;
	_ =	sdelay $0x1  }
0x171: {  	v2 =	vadd.s32 v6, v2  }
0x172: {  	v2 =	vnsel vm0, $0x0, v2  }
0x173: {  	v8 =	vadd.s32 $0x50, v2  }
0x174: {  	v54 =	vcvt.s32.f32 v7;
	v9 =	vadd.s32 $0x1, v2  }
0x175: {  	v10 =	vadd.s32 $0x51, v2  }
0x176: {  	v55 =	vcvt.s32.f32 v6;
	v11 =	vadd.f32 $1.000000000e+00, v54  }
0x177: {  	v7 =	vsub.f32 v4, v54;
	v12 =	vld.idx.msk [tilespmem:v2+s4+$0x0], $0xffff  }
0x178: {  	v57 =	vadd.f32 $1.000000000e+00, v55;
	v56 =	vsub.f32 v11, v4;
	v8 =	vld.idx.msk [tilespmem:v8+s4+$0x0], $0xffff  }
0x179: {  	v9 =	vld.idx.msk [tilespmem:v9+s4+$0x0], $0xffff  }
0x17a: {  	v7 =	vmul.f32 v5, v7;
	v59 =	vsub.f32 v57, v3;
	v58 =	vmul.f32 v5, v56;
	v10 =	vld.idx.msk [tilespmem:v10+s4+$0x0], $0xffff  }
0x17b: {  	v6 =	vsub.f32 v3, v55  }
0x17c: {  	v4 =	vmul.f32 v7, v59;
	v3 =	vmul.f32 v58, v59  }
0x17d: {  	v5 =	vmul.f32 v58, v6;
	v6 =	vmul.f32 v7, v6  }
0x17e: {  	v60 =	vmul.f32 v12, v3;
	v8 =	vmul.f32 v8, v4  }
0x17f: {  	v9 =	vmul.f32 v9, v5;
	v10 =	vmul.f32 v10, v6  }
0x180: {  	v61 =	vld [tilespmem:s30+$0x10680]  }
0x181: {  	v7 =	vadd.f32 v8, v60;
	v62 =	vadd.f32 v10, v9  }
0x182: {  	v63 =	vadd.s32 $0xC80, v2  }
0x183: {  	v12 =	vadd.s32 $0xCD0, v2;
	v7 =	vadd.f32 v62, v7  }
0x184: {  	v13 =	vadd.s32 $0xC81, v2  }
0x185: {  	v14 =	vadd.s32 $0xCD1, v2;
	v7 =	vmax.f32 v61, v7  }
0x186: {  	[tilespmem:s30+$0x10680] =	vst v7  }
0x187: {  	v7 =	vld.idx.msk [tilespmem:v63+s4+$0x0], $0xffff  }
0x188: {  	v8 =	vld.idx.msk [tilespmem:v12+s4+$0x0], $0xffff  }
0x189: {  	v15 =	vld.idx.msk [tilespmem:v13+s4+$0x0], $0xffff  }
0x18a: {  	v16 =	vld.idx.msk [tilespmem:v14+s4+$0x0], $0xffff;
	_ =	sdelay $0x3  }
0x18b: {  	v7 =	vmul.f32 v7, v3;
	v8 =	vmul.f32 v8, v4  }
0x18c: {  	v9 =	vmul.f32 v15, v5;
	v10 =	vmul.f32 v16, v6  }
0x18d: {  	v17 =	vld [tilespmem:s30+$0x11620]  }
0x18e: {  	v7 =	vadd.f32 v8, v7;
	v18 =	vadd.f32 v10, v9  }
0x18f: {  	v19 =	vadd.s32 $0x1900, v2  }
0x190: {  	v20 =	vadd.s32 $0x1950, v2;
	v7 =	vadd.f32 v18, v7  }
0x191: {  	v21 =	vadd.s32 $0x1901, v2  }
0x192: {  	v22 =	vadd.s32 $0x1951, v2;
	v7 =	vmax.f32 v17, v7  }
0x193: {  	[tilespmem:s30+$0x11620] =	vst v7  }
0x194: {  	v7 =	vld.idx.msk [tilespmem:v19+s4+$0x0], $0xffff  }
0x195: {  	v8 =	vld.idx.msk [tilespmem:v20+s4+$0x0], $0xffff  }
0x196: {  	v23 =	vld.idx.msk [tilespmem:v21+s4+$0x0], $0xffff  }
0x197: {  	v24 =	vld.idx.msk [tilespmem:v22+s4+$0x0], $0xffff;
	_ =	sdelay $0x3  }
0x198: {  	v7 =	vmul.f32 v7, v3;
	v8 =	vmul.f32 v8, v4  }
0x199: {  	v9 =	vmul.f32 v23, v5;
	v10 =	vmul.f32 v24, v6  }
0x19a: {  	v25 =	vld [tilespmem:s30+$0x125C0]  }
0x19b: {  	v7 =	vadd.f32 v8, v7;
	v26 =	vadd.f32 v10, v9  }
0x19c: {  	v27 =	vadd.s32 $0x2580, v2  }
0x19d: {  	v28 =	vadd.s32 $0x25D0, v2;
	v7 =	vadd.f32 v26, v7  }
0x19e: {  	v29 =	vadd.s32 $0x2581, v2  }
0x19f: {  	v30 =	vadd.s32 $0x25D1, v2;
	v7 =	vmax.f32 v25, v7  }
0x1a0: {  	[tilespmem:s30+$0x125C0] =	vst v7  }
0x1a1: {  	v7 =	vld.idx.msk [tilespmem:v27+s4+$0x0], $0xffff  }
0x1a2: {  	v8 =	vld.idx.msk [tilespmem:v28+s4+$0x0], $0xffff  }
0x1a3: {  	v31 =	vld.idx.msk [tilespmem:v29+s4+$0x0], $0xffff  }
0x1a4: {  	v32 =	vld.idx.msk [tilespmem:v30+s4+$0x0], $0xffff;
	_ =	sdelay $0x3  }
0x1a5: {  	v7 =	vmul.f32 v7, v3;
	v8 =	vmul.f32 v8, v4  }
0x1a6: {  	v9 =	vmul.f32 v31, v5;
	v10 =	vmul.f32 v32, v6  }
0x1a7: {  	v33 =	vld [tilespmem:s30+$0x13560]  }
0x1a8: {  	v7 =	vadd.f32 v8, v7;
	v34 =	vadd.f32 v10, v9  }
0x1a9: {  	v35 =	vadd.s32 $0x3200, v2  }
0x1aa: {  	v36 =	vadd.s32 $0x3250, v2;
	v7 =	vadd.f32 v34, v7  }
0x1ab: {  	v37 =	vadd.s32 $0x3201, v2  }
0x1ac: {  	v38 =	vadd.s32 $0x3251, v2;
	v7 =	vmax.f32 v33, v7  }
0x1ad: {  	[tilespmem:s30+$0x13560] =	vst v7  }
0x1ae: {  	v7 =	vld.idx.msk [tilespmem:v35+s4+$0x0], $0xffff  }
0x1af: {  	v8 =	vld.idx.msk [tilespmem:v36+s4+$0x0], $0xffff  }
0x1b0: {  	v39 =	vld.idx.msk [tilespmem:v37+s4+$0x0], $0xffff  }
0x1b1: {  	v40 =	vld.idx.msk [tilespmem:v38+s4+$0x0], $0xffff;
	_ =	sdelay $0x3  }
0x1b2: {  	v7 =	vmul.f32 v7, v3;
	v8 =	vmul.f32 v8, v4  }
0x1b3: {  	v9 =	vmul.f32 v39, v5;
	v10 =	vmul.f32 v40, v6  }
0x1b4: {  	v41 =	vld [tilespmem:s30+$0x14500]  }
0x1b5: {  	v7 =	vadd.f32 v8, v7;
	v42 =	vadd.f32 v10, v9  }
0x1b6: {  	v43 =	vadd.s32 $0x3E80, v2  }
0x1b7: {  	v44 =	vadd.s32 $0x3ED0, v2;
	v7 =	vadd.f32 v42, v7  }
0x1b8: {  	v45 =	vadd.s32 $0x3E81, v2  }
0x1b9: {  	v46 =	vadd.s32 $0x3ED1, v2;
	v7 =	vmax.f32 v41, v7  }
0x1ba: {  	[tilespmem:s30+$0x14500] =	vst v7  }
0x1bb: {  	v7 =	vld.idx.msk [tilespmem:v43+s4+$0x0], $0xffff  }
0x1bc: {  	v8 =	vld.idx.msk [tilespmem:v44+s4+$0x0], $0xffff  }
0x1bd: {  	v47 =	vld.idx.msk [tilespmem:v45+s4+$0x0], $0xffff  }
0x1be: {  	v48 =	vld.idx.msk [tilespmem:v46+s4+$0x0], $0xffff;
	_ =	sdelay $0x3  }
0x1bf: {  	v7 =	vmul.f32 v7, v3;
	v8 =	vmul.f32 v8, v4  }
0x1c0: {  	v9 =	vmul.f32 v47, v5;
	v10 =	vmul.f32 v48, v6  }
0x1c1: {  	v49 =	vld [tilespmem:s30+$0x154A0]  }
0x1c2: {  	v7 =	vadd.f32 v8, v7;
	v50 =	vadd.f32 v10, v9  }
0x1c3: {  	v51 =	vadd.s32 $0x4B00, v2  }
0x1c4: {  	v52 =	vadd.s32 $0x4B50, v2;
	v7 =	vadd.f32 v50, v7  }
0x1c5: {  	v53 =	vadd.s32 $0x4B01, v2  }
0x1c6: {  	v54 =	vadd.s32 $0x4B51, v2;
	v7 =	vmax.f32 v49, v7  }
0x1c7: {  	[tilespmem:s30+$0x154A0] =	vst v7  }
0x1c8: {  	v7 =	vld.idx.msk [tilespmem:v51+s4+$0x0], $0xffff  }
0x1c9: {  	v8 =	vld.idx.msk [tilespmem:v52+s4+$0x0], $0xffff  }
0x1ca: {  	v55 =	vld.idx.msk [tilespmem:v53+s4+$0x0], $0xffff  }
0x1cb: {  	v56 =	vld.idx.msk [tilespmem:v54+s4+$0x0], $0xffff;
	_ =	sdelay $0x3  }
0x1cc: {  	v7 =	vmul.f32 v7, v3;
	v8 =	vmul.f32 v8, v4  }
0x1cd: {  	v9 =	vmul.f32 v55, v5;
	v10 =	vmul.f32 v56, v6  }
0x1ce: {  	v57 =	vld [tilespmem:s30+$0x16440]  }
0x1cf: {  	v7 =	vadd.f32 v8, v7;
	v58 =	vadd.f32 v10, v9  }
0x1d0: {  	v59 =	vadd.s32 $0x5780, v2  }
0x1d1: {  	v60 =	vadd.s32 $0x57D0, v2;
	v7 =	vadd.f32 v58, v7  }
0x1d2: {  	v61 =	vadd.s32 $0x5781, v2  }
0x1d3: {  	v2 =	vadd.s32 $0x57D1, v2;
	v7 =	vmax.f32 v57, v7  }
0x1d4: {  	[tilespmem:s30+$0x16440] =	vst v7  }
0x1d5: {  	v7 =	vld.idx.msk [tilespmem:v59+s4+$0x0], $0xffff  }
0x1d6: {  	v8 =	vld.idx.msk [tilespmem:v60+s4+$0x0], $0xffff  }
0x1d7: {  	v62 =	vld.idx.msk [tilespmem:v61+s4+$0x0], $0xffff  }
0x1d8: {  	v2 =	vld.idx.msk [tilespmem:v2+s4+$0x0], $0xffff;
	_ =	sdelay $0x3  }
0x1d9: {  	v3 =	vmul.f32 v7, v3;
	v4 =	vmul.f32 v8, v4  }
0x1da: {  	v5 =	vmul.f32 v62, v5;
	v2 =	vmul.f32 v2, v6  }
0x1db: {  	v63 =	vld [tilespmem:s30+$0x173E0]  }
0x1dc: {  	v3 =	vadd.f32 v4, v3;
	v2 =	vadd.f32 v2, v5  }
.Ltmp11:
0x1dd: {  	_ = 	snop;
	(pc) =	sbr.rel .LBB2_16-.Ltmp11, $3  }
0x1de: {  	v2 =	vadd.f32 v2, v3;
	_ =	sdelay $0x1  }
0x1df: {  	v2 =	vmax.f32 v63, v2  }
0x1e0: {  	[tilespmem:s30+$0x173E0] =	vst v2  }
.LBB2_17:
0x1e1: {  	_ =	swait.ge [sflag:s15], $0x6400  }
0x1e2: {  	[sflag:s15] =	ssyncset.done $0x0  }
0x1e3: {  	s29 =	sadd.s32 $0x4, s26;
	[sflag:s15] =	ssyncadd.s32 $0xFFFF9C00  }
0x1e4: {  	s28 =	sshll.u32 s29, $0x6;
	_ =	swait.ge [sflag:s15], $0xFA0  }
0x1e5: {  	s29 =	smul.u32 $0x4E20, s29;
	s28 =	sor.u32 s25, s28;
	[sflag:s15] =	ssyncset.done $0x0  }
0x1e6: {  	s28 =	smul.u32 $0xC80, s28;
	[sflag:s15] =	ssyncadd.s32 $0xFFFFF060  }
0x1e7: {  	s29 =	sadd.s32 s24, s29;
	_ =	swait.ge [sflag:s15], $0xFA0  }
0x1e8: {  	s29 =	sshrl.u32 s29, $0x3;
	s28 =	sshrl.u32 s28, $0x3;
	[sflag:s15] =	ssyncset.done $0x0  }
0x1e9: {  	s30 =	sadd.s32 s5, s28;
	s28 =	simm.s32 $0x0;
	[sflag:s15] =	ssyncadd.s32 $0xFFFFF060  }
0x1ea: {  	[tilespmem:s28], [sflag:$0x1] =	stream.linear.gather [hbm4b:s30+s28], $0x6400, $0x38;
	[tilespmem:$0x18380] =	vst v63  }
.Ltmp12:
0x1eb: {  	s31 =	sadd.s32 s1, s29;
	(pc) =	sbr.rel .LBB2_18-.Ltmp12, $4  }
0x1ec: {  	[tilespmem:s9], [sflag:$0x1] =	stream.linear.gather [hbm4b:s31+s28], $0xFA0, $0x38;
	[tilespmem:$0x18380] =	vst v63  }
0x1ed: {  	s29 =	sadd.s32 s6, s29  }
0x1ee: {  	[tilespmem:s10], [sflag:$0x1] =	stream.linear.gather [hbm4b:s29+s28], $0xFA0, $0x38;
	[tilespmem:$0x18380] =	vst v63  }
0x1ef: {  	s29 =	simm.s32 $0x0  }
.LBB2_20:
0x1f0: {  	[smem:s29] =	sst s11  }
.LBB2_21:
0x1f1: {  	s28 =	sadd.s32 $0x40, s28  }
0x1f2: {  	p0 =	sne.s32 s28, $0x3E80  }
.Ltmp13:
0x1f3: {  	_ = 	snop;
	(pc) =	sbr.rel @!p0 .LBB2_22-.Ltmp13, $2  }
0x1f4: {  	_ =	sdelay $0x2  }
0x1f5: {  	s29 =	sadd.s32 $0x1, s29  }
.LBB2_18:
0x1f6: {  	s30 =	sshra.s32 s28, $0x2  }
0x1f7: {  	v2 =	vld [tilespmem:s30+$0xD7A0]  }
0x1f8: {  	v4 =	vld [tilespmem:s30+$0xF6E0];
	_ =	sdelay $0x3  }
0x1f9: {  	v2 =	vmax.f32 v2, $-4.000000000e+04  }
0x1fa: {  	v3 =	vmin.f32 v2, $4.000000000e+04;
	v2 =	vmax.f32 v4, $-4.000000000e+04  }
0x1fb: {  	v4 =	vmin.f32 v2, $4.000000000e+04;
	v2 =	vtrunc.f32 v3  }
0x1fc: {  	v5 =	vcvt.f32.s32 v2;
	v6 =	vtrunc.f32 v4  }
0x1fd: {  	vm0 =	vlt.f32 v3, v2;
	v7 =	vcvt.f32.s32 v6;
	vm1 =	vlt.f32 v4, v6  }
0x1fe: {  	v2 =	vsel vm0, $0xFFFFFFFF, v0;
	v8 =	vsel vm1, $0xFFFFFFFF, v0  }
0x1ff: {  	v6 =	vadd.s32 v5, v2;
	v7 =	vadd.s32 v7, v8  }
0x200: {  	vm0 =	vlt.u32 v6, $0x4F;
	vm1 =	vlt.u32 v7, $0x27  }
0x201: {  	vm0 =	vmand vm0, vm1  }
0x202: {  	v5 =	vsel vm0, $0x3F800000, v1  }
0x203: {  	(xrf0) =	vmax.scan.msk.f32 $0xffff, v5;
	_ =	sdelay $0x5  }
0x204: {  	v2, _, _ =	vpop (xrf0)  }
0x205: {  	(v2sf) =	vpush v2, $0xF;
	_ =	sdelay $0xe  }
0x206: {  	s31 =	spop (v2sf)  }
0x207: {  	p0 =	sgt.f32 s31, $0.0e+00  }
.Ltmp14:
0x208: {  	_ = 	snop;
	(pc) =	sbr.rel @!p0 .LBB2_20-.Ltmp14, $1  }
0x209: {  	_ =	sdelay $0x3  }
0x20a: {  	v2 =	vmul.u32 $0x50, v7;
	_ =	sdelay $0x1  }
0x20b: {  	v2 =	vadd.s32 v6, v2  }
0x20c: {  	v2 =	vnsel vm0, $0x0, v2  }
0x20d: {  	v8 =	vadd.s32 $0x50, v2  }
0x20e: {  	v54 =	vcvt.s32.f32 v7;
	v9 =	vadd.s32 $0x1, v2  }
0x20f: {  	v10 =	vadd.s32 $0x51, v2  }
0x210: {  	v55 =	vcvt.s32.f32 v6;
	v11 =	vadd.f32 $1.000000000e+00, v54  }
0x211: {  	v7 =	vsub.f32 v4, v54;
	v12 =	vld.idx.msk [tilespmem:v2+s12+$0x0], $0xffff  }
0x212: {  	v57 =	vadd.f32 $1.000000000e+00, v55;
	v56 =	vsub.f32 v11, v4;
	v8 =	vld.idx.msk [tilespmem:v8+s12+$0x0], $0xffff  }
0x213: {  	v9 =	vld.idx.msk [tilespmem:v9+s12+$0x0], $0xffff  }
0x214: {  	v7 =	vmul.f32 v5, v7;
	v59 =	vsub.f32 v57, v3;
	v58 =	vmul.f32 v5, v56;
	v10 =	vld.idx.msk [tilespmem:v10+s12+$0x0], $0xffff  }
0x215: {  	v6 =	vsub.f32 v3, v55  }
0x216: {  	v4 =	vmul.f32 v7, v59;
	v3 =	vmul.f32 v58, v59  }
0x217: {  	v5 =	vmul.f32 v58, v6;
	v6 =	vmul.f32 v7, v6  }
0x218: {  	v60 =	vmul.f32 v12, v3;
	v8 =	vmul.f32 v8, v4  }
0x219: {  	v9 =	vmul.f32 v9, v5;
	v10 =	vmul.f32 v10, v6  }
0x21a: {  	v61 =	vld [tilespmem:s30+$0x10680]  }
0x21b: {  	v7 =	vadd.f32 v8, v60;
	v62 =	vadd.f32 v10, v9  }
0x21c: {  	v63 =	vadd.s32 $0xC80, v2  }
0x21d: {  	v12 =	vadd.s32 $0xCD0, v2;
	v7 =	vadd.f32 v62, v7  }
0x21e: {  	v13 =	vadd.s32 $0xC81, v2  }
0x21f: {  	v14 =	vadd.s32 $0xCD1, v2;
	v7 =	vmax.f32 v61, v7  }
0x220: {  	[tilespmem:s30+$0x10680] =	vst v7  }
0x221: {  	v7 =	vld.idx.msk [tilespmem:v63+s12+$0x0], $0xffff  }
0x222: {  	v8 =	vld.idx.msk [tilespmem:v12+s12+$0x0], $0xffff  }
0x223: {  	v15 =	vld.idx.msk [tilespmem:v13+s12+$0x0], $0xffff  }
0x224: {  	v16 =	vld.idx.msk [tilespmem:v14+s12+$0x0], $0xffff;
	_ =	sdelay $0x3  }
0x225: {  	v7 =	vmul.f32 v7, v3;
	v8 =	vmul.f32 v8, v4  }
0x226: {  	v9 =	vmul.f32 v15, v5;
	v10 =	vmul.f32 v16, v6  }
0x227: {  	v17 =	vld [tilespmem:s30+$0x11620]  }
0x228: {  	v7 =	vadd.f32 v8, v7;
	v18 =	vadd.f32 v10, v9  }
0x229: {  	v19 =	vadd.s32 $0x1900, v2  }
0x22a: {  	v20 =	vadd.s32 $0x1950, v2;
	v7 =	vadd.f32 v18, v7  }
0x22b: {  	v21 =	vadd.s32 $0x1901, v2  }
0x22c: {  	v22 =	vadd.s32 $0x1951, v2;
	v7 =	vmax.f32 v17, v7  }
0x22d: {  	[tilespmem:s30+$0x11620] =	vst v7  }
0x22e: {  	v7 =	vld.idx.msk [tilespmem:v19+s12+$0x0], $0xffff  }
0x22f: {  	v8 =	vld.idx.msk [tilespmem:v20+s12+$0x0], $0xffff  }
0x230: {  	v23 =	vld.idx.msk [tilespmem:v21+s12+$0x0], $0xffff  }
0x231: {  	v24 =	vld.idx.msk [tilespmem:v22+s12+$0x0], $0xffff;
	_ =	sdelay $0x3  }
0x232: {  	v7 =	vmul.f32 v7, v3;
	v8 =	vmul.f32 v8, v4  }
0x233: {  	v9 =	vmul.f32 v23, v5;
	v10 =	vmul.f32 v24, v6  }
0x234: {  	v25 =	vld [tilespmem:s30+$0x125C0]  }
0x235: {  	v7 =	vadd.f32 v8, v7;
	v26 =	vadd.f32 v10, v9  }
0x236: {  	v27 =	vadd.s32 $0x2580, v2  }
0x237: {  	v28 =	vadd.s32 $0x25D0, v2;
	v7 =	vadd.f32 v26, v7  }
0x238: {  	v29 =	vadd.s32 $0x2581, v2  }
0x239: {  	v30 =	vadd.s32 $0x25D1, v2;
	v7 =	vmax.f32 v25, v7  }
0x23a: {  	[tilespmem:s30+$0x125C0] =	vst v7  }
0x23b: {  	v7 =	vld.idx.msk [tilespmem:v27+s12+$0x0], $0xffff  }
0x23c: {  	v8 =	vld.idx.msk [tilespmem:v28+s12+$0x0], $0xffff  }
0x23d: {  	v31 =	vld.idx.msk [tilespmem:v29+s12+$0x0], $0xffff  }
0x23e: {  	v32 =	vld.idx.msk [tilespmem:v30+s12+$0x0], $0xffff;
	_ =	sdelay $0x3  }
0x23f: {  	v7 =	vmul.f32 v7, v3;
	v8 =	vmul.f32 v8, v4  }
0x240: {  	v9 =	vmul.f32 v31, v5;
	v10 =	vmul.f32 v32, v6  }
0x241: {  	v33 =	vld [tilespmem:s30+$0x13560]  }
0x242: {  	v7 =	vadd.f32 v8, v7;
	v34 =	vadd.f32 v10, v9  }
0x243: {  	v35 =	vadd.s32 $0x3200, v2  }
0x244: {  	v36 =	vadd.s32 $0x3250, v2;
	v7 =	vadd.f32 v34, v7  }
0x245: {  	v37 =	vadd.s32 $0x3201, v2  }
0x246: {  	v38 =	vadd.s32 $0x3251, v2;
	v7 =	vmax.f32 v33, v7  }
0x247: {  	[tilespmem:s30+$0x13560] =	vst v7  }
0x248: {  	v7 =	vld.idx.msk [tilespmem:v35+s12+$0x0], $0xffff  }
0x249: {  	v8 =	vld.idx.msk [tilespmem:v36+s12+$0x0], $0xffff  }
0x24a: {  	v39 =	vld.idx.msk [tilespmem:v37+s12+$0x0], $0xffff  }
0x24b: {  	v40 =	vld.idx.msk [tilespmem:v38+s12+$0x0], $0xffff;
	_ =	sdelay $0x3  }
0x24c: {  	v7 =	vmul.f32 v7, v3;
	v8 =	vmul.f32 v8, v4  }
0x24d: {  	v9 =	vmul.f32 v39, v5;
	v10 =	vmul.f32 v40, v6  }
0x24e: {  	v41 =	vld [tilespmem:s30+$0x14500]  }
0x24f: {  	v7 =	vadd.f32 v8, v7;
	v42 =	vadd.f32 v10, v9  }
0x250: {  	v43 =	vadd.s32 $0x3E80, v2  }
0x251: {  	v44 =	vadd.s32 $0x3ED0, v2;
	v7 =	vadd.f32 v42, v7  }
0x252: {  	v45 =	vadd.s32 $0x3E81, v2  }
0x253: {  	v46 =	vadd.s32 $0x3ED1, v2;
	v7 =	vmax.f32 v41, v7  }
0x254: {  	[tilespmem:s30+$0x14500] =	vst v7  }
0x255: {  	v7 =	vld.idx.msk [tilespmem:v43+s12+$0x0], $0xffff  }
0x256: {  	v8 =	vld.idx.msk [tilespmem:v44+s12+$0x0], $0xffff  }
0x257: {  	v47 =	vld.idx.msk [tilespmem:v45+s12+$0x0], $0xffff  }
0x258: {  	v48 =	vld.idx.msk [tilespmem:v46+s12+$0x0], $0xffff;
	_ =	sdelay $0x3  }
0x259: {  	v7 =	vmul.f32 v7, v3;
	v8 =	vmul.f32 v8, v4  }
0x25a: {  	v9 =	vmul.f32 v47, v5;
	v10 =	vmul.f32 v48, v6  }
0x25b: {  	v49 =	vld [tilespmem:s30+$0x154A0]  }
0x25c: {  	v7 =	vadd.f32 v8, v7;
	v50 =	vadd.f32 v10, v9  }
0x25d: {  	v51 =	vadd.s32 $0x4B00, v2  }
0x25e: {  	v52 =	vadd.s32 $0x4B50, v2;
	v7 =	vadd.f32 v50, v7  }
0x25f: {  	v53 =	vadd.s32 $0x4B01, v2  }
0x260: {  	v54 =	vadd.s32 $0x4B51, v2;
	v7 =	vmax.f32 v49, v7  }
0x261: {  	[tilespmem:s30+$0x154A0] =	vst v7  }
0x262: {  	v7 =	vld.idx.msk [tilespmem:v51+s12+$0x0], $0xffff  }
0x263: {  	v8 =	vld.idx.msk [tilespmem:v52+s12+$0x0], $0xffff  }
0x264: {  	v55 =	vld.idx.msk [tilespmem:v53+s12+$0x0], $0xffff  }
0x265: {  	v56 =	vld.idx.msk [tilespmem:v54+s12+$0x0], $0xffff;
	_ =	sdelay $0x3  }
0x266: {  	v7 =	vmul.f32 v7, v3;
	v8 =	vmul.f32 v8, v4  }
0x267: {  	v9 =	vmul.f32 v55, v5;
	v10 =	vmul.f32 v56, v6  }
0x268: {  	v57 =	vld [tilespmem:s30+$0x16440]  }
0x269: {  	v7 =	vadd.f32 v8, v7;
	v58 =	vadd.f32 v10, v9  }
0x26a: {  	v59 =	vadd.s32 $0x5780, v2  }
0x26b: {  	v60 =	vadd.s32 $0x57D0, v2;
	v7 =	vadd.f32 v58, v7  }
0x26c: {  	v61 =	vadd.s32 $0x5781, v2  }
0x26d: {  	v2 =	vadd.s32 $0x57D1, v2;
	v7 =	vmax.f32 v57, v7  }
0x26e: {  	[tilespmem:s30+$0x16440] =	vst v7  }
0x26f: {  	v7 =	vld.idx.msk [tilespmem:v59+s12+$0x0], $0xffff  }
0x270: {  	v8 =	vld.idx.msk [tilespmem:v60+s12+$0x0], $0xffff  }
0x271: {  	v62 =	vld.idx.msk [tilespmem:v61+s12+$0x0], $0xffff  }
0x272: {  	v2 =	vld.idx.msk [tilespmem:v2+s12+$0x0], $0xffff;
	_ =	sdelay $0x3  }
0x273: {  	v3 =	vmul.f32 v7, v3;
	v4 =	vmul.f32 v8, v4  }
0x274: {  	v5 =	vmul.f32 v62, v5;
	v2 =	vmul.f32 v2, v6  }
0x275: {  	v63 =	vld [tilespmem:s30+$0x173E0]  }
0x276: {  	v3 =	vadd.f32 v4, v3;
	v2 =	vadd.f32 v2, v5  }
.Ltmp15:
0x277: {  	_ = 	snop;
	(pc) =	sbr.rel .LBB2_21-.Ltmp15, $3  }
0x278: {  	v2 =	vadd.f32 v2, v3;
	_ =	sdelay $0x1  }
0x279: {  	v2 =	vmax.f32 v63, v2  }
0x27a: {  	[tilespmem:s30+$0x173E0] =	vst v2  }
.LBB2_22:
0x27b: {  	_ =	swait.ge [sflag:s11], $0x6400  }
0x27c: {  	[sflag:s11] =	ssyncset.done $0x0  }
0x27d: {  	s26 =	sadd.s32 $0x5, s26;
	[sflag:s11] =	ssyncadd.s32 $0xFFFF9C00  }
0x27e: {  	s28 =	sshll.u32 s26, $0x6;
	_ =	swait.ge [sflag:s11], $0xFA0  }
0x27f: {  	s26 =	smul.u32 $0x4E20, s26;
	s25 =	sor.u32 s25, s28;
	[sflag:s11] =	ssyncset.done $0x0  }
0x280: {  	s25 =	smul.u32 $0xC80, s25;
	[sflag:s11] =	ssyncadd.s32 $0xFFFFF060  }
0x281: {  	s26 =	sadd.s32 s24, s26;
	_ =	swait.ge [sflag:s11], $0xFA0  }
0x282: {  	s26 =	sshrl.u32 s26, $0x3;
	s25 =	sshrl.u32 s25, $0x3;
	[sflag:s11] =	ssyncset.done $0x0  }
0x283: {  	s30 =	sadd.s32 s5, s25;
	s25 =	simm.s32 $0x0;
	[sflag:s11] =	ssyncadd.s32 $0xFFFFF060  }
0x284: {  	[tilespmem:s12], [sflag:$0x2] =	stream.linear.gather [hbm4b:s30+s25], $0x6400, $0x38;
	[tilespmem:$0x18380] =	vst v63  }
.Ltmp16:
0x285: {  	s31 =	sadd.s32 s1, s26;
	(pc) =	sbr.rel .LBB2_23-.Ltmp16, $4  }
0x286: {  	[tilespmem:s13], [sflag:$0x2] =	stream.linear.gather [hbm4b:s31+s25], $0xFA0, $0x38;
	[tilespmem:$0x18380] =	vst v63  }
0x287: {  	s26 =	sadd.s32 s6, s26  }
0x288: {  	[tilespmem:s14], [sflag:$0x2] =	stream.linear.gather [hbm4b:s26+s25], $0xFA0, $0x38;
	[tilespmem:$0x18380] =	vst v63  }
0x289: {  	s26 =	simm.s32 $0x0  }
.LBB2_25:
0x28a: {  	[smem:s26] =	sst s11  }
.LBB2_26:
0x28b: {  	s25 =	sadd.s32 $0x40, s25  }
0x28c: {  	p0 =	sne.s32 s25, $0x3E80  }
.Ltmp17:
0x28d: {  	_ = 	snop;
	(pc) =	sbr.rel @!p0 .LBB2_27-.Ltmp17, $2  }
0x28e: {  	_ =	sdelay $0x2  }
0x28f: {  	s26 =	sadd.s32 $0x1, s26  }
.LBB2_23:
0x290: {  	s28 =	sshra.s32 s25, $0x2  }
0x291: {  	v2 =	vld [tilespmem:s28+$0xC800]  }
0x292: {  	v4 =	vld [tilespmem:s28+$0xE740];
	_ =	sdelay $0x3  }
0x293: {  	v2 =	vmax.f32 v2, $-4.000000000e+04  }
0x294: {  	v3 =	vmin.f32 v2, $4.000000000e+04;
	v2 =	vmax.f32 v4, $-4.000000000e+04  }
0x295: {  	v4 =	vmin.f32 v2, $4.000000000e+04;
	v2 =	vtrunc.f32 v3  }
0x296: {  	v5 =	vcvt.f32.s32 v2;
	v6 =	vtrunc.f32 v4  }
0x297: {  	vm0 =	vlt.f32 v3, v2;
	v7 =	vcvt.f32.s32 v6;
	vm1 =	vlt.f32 v4, v6  }
0x298: {  	v2 =	vsel vm0, $0xFFFFFFFF, v0;
	v8 =	vsel vm1, $0xFFFFFFFF, v0  }
0x299: {  	v6 =	vadd.s32 v5, v2;
	v7 =	vadd.s32 v7, v8  }
0x29a: {  	vm0 =	vlt.u32 v6, $0x4F;
	vm1 =	vlt.u32 v7, $0x27  }
0x29b: {  	vm0 =	vmand vm0, vm1  }
0x29c: {  	v5 =	vsel vm0, $0x3F800000, v1  }
0x29d: {  	(xrf0) =	vmax.scan.msk.f32 $0xffff, v5;
	_ =	sdelay $0x5  }
0x29e: {  	v2, _, _ =	vpop (xrf0)  }
0x29f: {  	(v2sf) =	vpush v2, $0xF;
	_ =	sdelay $0xe  }
0x2a0: {  	s29 =	spop (v2sf)  }
0x2a1: {  	p0 =	sgt.f32 s29, $0.0e+00  }
.Ltmp18:
0x2a2: {  	_ = 	snop;
	(pc) =	sbr.rel @!p0 .LBB2_25-.Ltmp18, $1  }
0x2a3: {  	_ =	sdelay $0x3  }
0x2a4: {  	v2 =	vmul.u32 $0x50, v7;
	_ =	sdelay $0x1  }
0x2a5: {  	v2 =	vadd.s32 v6, v2  }
0x2a6: {  	v2 =	vnsel vm0, $0x0, v2  }
0x2a7: {  	v8 =	vadd.s32 $0x50, v2  }
0x2a8: {  	v54 =	vcvt.s32.f32 v7;
	v9 =	vadd.s32 $0x1, v2  }
0x2a9: {  	v10 =	vadd.s32 $0x51, v2  }
0x2aa: {  	v55 =	vcvt.s32.f32 v6;
	v11 =	vadd.f32 $1.000000000e+00, v54  }
0x2ab: {  	v7 =	vsub.f32 v4, v54;
	v12 =	vld.idx.msk [tilespmem:v2+s4+$0x0], $0xffff  }
0x2ac: {  	v57 =	vadd.f32 $1.000000000e+00, v55;
	v56 =	vsub.f32 v11, v4;
	v8 =	vld.idx.msk [tilespmem:v8+s4+$0x0], $0xffff  }
0x2ad: {  	v9 =	vld.idx.msk [tilespmem:v9+s4+$0x0], $0xffff  }
0x2ae: {  	v7 =	vmul.f32 v5, v7;
	v59 =	vsub.f32 v57, v3;
	v58 =	vmul.f32 v5, v56;
	v10 =	vld.idx.msk [tilespmem:v10+s4+$0x0], $0xffff  }
0x2af: {  	v6 =	vsub.f32 v3, v55  }
0x2b0: {  	v4 =	vmul.f32 v7, v59;
	v3 =	vmul.f32 v58, v59  }
0x2b1: {  	v5 =	vmul.f32 v58, v6;
	v6 =	vmul.f32 v7, v6  }
0x2b2: {  	v60 =	vmul.f32 v12, v3;
	v8 =	vmul.f32 v8, v4  }
0x2b3: {  	v9 =	vmul.f32 v9, v5;
	v10 =	vmul.f32 v10, v6  }
0x2b4: {  	v61 =	vld [tilespmem:s28+$0x10680]  }
0x2b5: {  	v7 =	vadd.f32 v8, v60;
	v62 =	vadd.f32 v10, v9  }
0x2b6: {  	v63 =	vadd.s32 $0xC80, v2  }
0x2b7: {  	v12 =	vadd.s32 $0xCD0, v2;
	v7 =	vadd.f32 v62, v7  }
0x2b8: {  	v13 =	vadd.s32 $0xC81, v2  }
0x2b9: {  	v14 =	vadd.s32 $0xCD1, v2;
	v7 =	vmax.f32 v61, v7  }
0x2ba: {  	[tilespmem:s28+$0x10680] =	vst v7  }
0x2bb: {  	v7 =	vld.idx.msk [tilespmem:v63+s4+$0x0], $0xffff  }
0x2bc: {  	v8 =	vld.idx.msk [tilespmem:v12+s4+$0x0], $0xffff  }
0x2bd: {  	v15 =	vld.idx.msk [tilespmem:v13+s4+$0x0], $0xffff  }
0x2be: {  	v16 =	vld.idx.msk [tilespmem:v14+s4+$0x0], $0xffff;
	_ =	sdelay $0x3  }
0x2bf: {  	v7 =	vmul.f32 v7, v3;
	v8 =	vmul.f32 v8, v4  }
0x2c0: {  	v9 =	vmul.f32 v15, v5;
	v10 =	vmul.f32 v16, v6  }
0x2c1: {  	v17 =	vld [tilespmem:s28+$0x11620]  }
0x2c2: {  	v7 =	vadd.f32 v8, v7;
	v18 =	vadd.f32 v10, v9  }
0x2c3: {  	v19 =	vadd.s32 $0x1900, v2  }
0x2c4: {  	v20 =	vadd.s32 $0x1950, v2;
	v7 =	vadd.f32 v18, v7  }
0x2c5: {  	v21 =	vadd.s32 $0x1901, v2  }
0x2c6: {  	v22 =	vadd.s32 $0x1951, v2;
	v7 =	vmax.f32 v17, v7  }
0x2c7: {  	[tilespmem:s28+$0x11620] =	vst v7  }
0x2c8: {  	v7 =	vld.idx.msk [tilespmem:v19+s4+$0x0], $0xffff  }
0x2c9: {  	v8 =	vld.idx.msk [tilespmem:v20+s4+$0x0], $0xffff  }
0x2ca: {  	v23 =	vld.idx.msk [tilespmem:v21+s4+$0x0], $0xffff  }
0x2cb: {  	v24 =	vld.idx.msk [tilespmem:v22+s4+$0x0], $0xffff;
	_ =	sdelay $0x3  }
0x2cc: {  	v7 =	vmul.f32 v7, v3;
	v8 =	vmul.f32 v8, v4  }
0x2cd: {  	v9 =	vmul.f32 v23, v5;
	v10 =	vmul.f32 v24, v6  }
0x2ce: {  	v25 =	vld [tilespmem:s28+$0x125C0]  }
0x2cf: {  	v7 =	vadd.f32 v8, v7;
	v26 =	vadd.f32 v10, v9  }
0x2d0: {  	v27 =	vadd.s32 $0x2580, v2  }
0x2d1: {  	v28 =	vadd.s32 $0x25D0, v2;
	v7 =	vadd.f32 v26, v7  }
0x2d2: {  	v29 =	vadd.s32 $0x2581, v2  }
0x2d3: {  	v30 =	vadd.s32 $0x25D1, v2;
	v7 =	vmax.f32 v25, v7  }
0x2d4: {  	[tilespmem:s28+$0x125C0] =	vst v7  }
0x2d5: {  	v7 =	vld.idx.msk [tilespmem:v27+s4+$0x0], $0xffff  }
0x2d6: {  	v8 =	vld.idx.msk [tilespmem:v28+s4+$0x0], $0xffff  }
0x2d7: {  	v31 =	vld.idx.msk [tilespmem:v29+s4+$0x0], $0xffff  }
0x2d8: {  	v32 =	vld.idx.msk [tilespmem:v30+s4+$0x0], $0xffff;
	_ =	sdelay $0x3  }
0x2d9: {  	v7 =	vmul.f32 v7, v3;
	v8 =	vmul.f32 v8, v4  }
0x2da: {  	v9 =	vmul.f32 v31, v5;
	v10 =	vmul.f32 v32, v6  }
0x2db: {  	v33 =	vld [tilespmem:s28+$0x13560]  }
0x2dc: {  	v7 =	vadd.f32 v8, v7;
	v34 =	vadd.f32 v10, v9  }
0x2dd: {  	v35 =	vadd.s32 $0x3200, v2  }
0x2de: {  	v36 =	vadd.s32 $0x3250, v2;
	v7 =	vadd.f32 v34, v7  }
0x2df: {  	v37 =	vadd.s32 $0x3201, v2  }
0x2e0: {  	v38 =	vadd.s32 $0x3251, v2;
	v7 =	vmax.f32 v33, v7  }
0x2e1: {  	[tilespmem:s28+$0x13560] =	vst v7  }
0x2e2: {  	v7 =	vld.idx.msk [tilespmem:v35+s4+$0x0], $0xffff  }
0x2e3: {  	v8 =	vld.idx.msk [tilespmem:v36+s4+$0x0], $0xffff  }
0x2e4: {  	v39 =	vld.idx.msk [tilespmem:v37+s4+$0x0], $0xffff  }
0x2e5: {  	v40 =	vld.idx.msk [tilespmem:v38+s4+$0x0], $0xffff;
	_ =	sdelay $0x3  }
0x2e6: {  	v7 =	vmul.f32 v7, v3;
	v8 =	vmul.f32 v8, v4  }
0x2e7: {  	v9 =	vmul.f32 v39, v5;
	v10 =	vmul.f32 v40, v6  }
0x2e8: {  	v41 =	vld [tilespmem:s28+$0x14500]  }
0x2e9: {  	v7 =	vadd.f32 v8, v7;
	v42 =	vadd.f32 v10, v9  }
0x2ea: {  	v43 =	vadd.s32 $0x3E80, v2  }
0x2eb: {  	v44 =	vadd.s32 $0x3ED0, v2;
	v7 =	vadd.f32 v42, v7  }
0x2ec: {  	v45 =	vadd.s32 $0x3E81, v2  }
0x2ed: {  	v46 =	vadd.s32 $0x3ED1, v2;
	v7 =	vmax.f32 v41, v7  }
0x2ee: {  	[tilespmem:s28+$0x14500] =	vst v7  }
0x2ef: {  	v7 =	vld.idx.msk [tilespmem:v43+s4+$0x0], $0xffff  }
0x2f0: {  	v8 =	vld.idx.msk [tilespmem:v44+s4+$0x0], $0xffff  }
0x2f1: {  	v47 =	vld.idx.msk [tilespmem:v45+s4+$0x0], $0xffff  }
0x2f2: {  	v48 =	vld.idx.msk [tilespmem:v46+s4+$0x0], $0xffff;
	_ =	sdelay $0x3  }
0x2f3: {  	v7 =	vmul.f32 v7, v3;
	v8 =	vmul.f32 v8, v4  }
0x2f4: {  	v9 =	vmul.f32 v47, v5;
	v10 =	vmul.f32 v48, v6  }
0x2f5: {  	v49 =	vld [tilespmem:s28+$0x154A0]  }
0x2f6: {  	v7 =	vadd.f32 v8, v7;
	v50 =	vadd.f32 v10, v9  }
0x2f7: {  	v51 =	vadd.s32 $0x4B00, v2  }
0x2f8: {  	v52 =	vadd.s32 $0x4B50, v2;
	v7 =	vadd.f32 v50, v7  }
0x2f9: {  	v53 =	vadd.s32 $0x4B01, v2  }
0x2fa: {  	v54 =	vadd.s32 $0x4B51, v2;
	v7 =	vmax.f32 v49, v7  }
0x2fb: {  	[tilespmem:s28+$0x154A0] =	vst v7  }
0x2fc: {  	v7 =	vld.idx.msk [tilespmem:v51+s4+$0x0], $0xffff  }
0x2fd: {  	v8 =	vld.idx.msk [tilespmem:v52+s4+$0x0], $0xffff  }
0x2fe: {  	v55 =	vld.idx.msk [tilespmem:v53+s4+$0x0], $0xffff  }
0x2ff: {  	v56 =	vld.idx.msk [tilespmem:v54+s4+$0x0], $0xffff;
	_ =	sdelay $0x3  }
0x300: {  	v7 =	vmul.f32 v7, v3;
	v8 =	vmul.f32 v8, v4  }
0x301: {  	v9 =	vmul.f32 v55, v5;
	v10 =	vmul.f32 v56, v6  }
0x302: {  	v57 =	vld [tilespmem:s28+$0x16440]  }
0x303: {  	v7 =	vadd.f32 v8, v7;
	v58 =	vadd.f32 v10, v9  }
0x304: {  	v59 =	vadd.s32 $0x5780, v2  }
0x305: {  	v60 =	vadd.s32 $0x57D0, v2;
	v7 =	vadd.f32 v58, v7  }
0x306: {  	v61 =	vadd.s32 $0x5781, v2  }
0x307: {  	v2 =	vadd.s32 $0x57D1, v2;
	v7 =	vmax.f32 v57, v7  }
0x308: {  	[tilespmem:s28+$0x16440] =	vst v7  }
0x309: {  	v7 =	vld.idx.msk [tilespmem:v59+s4+$0x0], $0xffff  }
0x30a: {  	v8 =	vld.idx.msk [tilespmem:v60+s4+$0x0], $0xffff  }
0x30b: {  	v62 =	vld.idx.msk [tilespmem:v61+s4+$0x0], $0xffff  }
0x30c: {  	v2 =	vld.idx.msk [tilespmem:v2+s4+$0x0], $0xffff;
	_ =	sdelay $0x3  }
0x30d: {  	v3 =	vmul.f32 v7, v3;
	v4 =	vmul.f32 v8, v4  }
0x30e: {  	v5 =	vmul.f32 v62, v5;
	v2 =	vmul.f32 v2, v6  }
0x30f: {  	v63 =	vld [tilespmem:s28+$0x173E0]  }
0x310: {  	v3 =	vadd.f32 v4, v3;
	v2 =	vadd.f32 v2, v5  }
.Ltmp19:
0x311: {  	_ = 	snop;
	(pc) =	sbr.rel .LBB2_26-.Ltmp19, $3  }
0x312: {  	v2 =	vadd.f32 v2, v3;
	_ =	sdelay $0x1  }
0x313: {  	v2 =	vmax.f32 v63, v2  }
0x314: {  	[tilespmem:s28+$0x173E0] =	vst v2  }
.LBB2_27:
0x315: {  	_ =	swait.ge [sflag:s15], $0x6400  }
0x316: {  	[sflag:s15] =	ssyncset.done $0x0  }
0x317: {  	[sflag:s15] =	ssyncadd.s32 $0xFFFF9C00  }
0x318: {  	_ =	swait.ge [sflag:s15], $0xFA0  }
.Ltmp20:
0x319: {  	[sflag:s15] =	ssyncset.done $0x0;
	(pc) =	sbr.rel .LBB2_28-.Ltmp20, $4  }
0x31a: {  	[sflag:s15] =	ssyncadd.s32 $0xFFFFF060  }
0x31b: {  	_ =	swait.ge [sflag:s15], $0xFA0  }
0x31c: {  	[sflag:s15] =	ssyncset.done $0x0  }
0x31d: {  	s25 =	simm.s32 $0x0;
	s26 =	simm.s32 $0x0;
	[sflag:s15] =	ssyncadd.s32 $0xFFFFF060  }
.LBB2_30:
0x31e: {  	[smem:s26] =	sst s11  }
.LBB2_31:
0x31f: {  	s25 =	sadd.s32 $0x40, s25  }
0x320: {  	p0 =	sne.s32 s25, $0x3E80  }
.Ltmp21:
0x321: {  	_ = 	snop;
	(pc) =	sbr.rel @!p0 .LBB2_32-.Ltmp21, $2  }
0x322: {  	_ =	sdelay $0x2  }
0x323: {  	s26 =	sadd.s32 $0x1, s26  }
.LBB2_28:
0x324: {  	s28 =	sshra.s32 s25, $0x2  }
0x325: {  	v2 =	vld [tilespmem:s28+$0xD7A0]  }
0x326: {  	v4 =	vld [tilespmem:s28+$0xF6E0];
	_ =	sdelay $0x3  }
0x327: {  	v2 =	vmax.f32 v2, $-4.000000000e+04  }
0x328: {  	v3 =	vmin.f32 v2, $4.000000000e+04;
	v2 =	vmax.f32 v4, $-4.000000000e+04  }
0x329: {  	v4 =	vmin.f32 v2, $4.000000000e+04;
	v2 =	vtrunc.f32 v3  }
0x32a: {  	v5 =	vcvt.f32.s32 v2;
	v6 =	vtrunc.f32 v4  }
0x32b: {  	vm0 =	vlt.f32 v3, v2;
	v7 =	vcvt.f32.s32 v6;
	vm1 =	vlt.f32 v4, v6  }
0x32c: {  	v2 =	vsel vm0, $0xFFFFFFFF, v0;
	v8 =	vsel vm1, $0xFFFFFFFF, v0  }
0x32d: {  	v6 =	vadd.s32 v5, v2;
	v7 =	vadd.s32 v7, v8  }
0x32e: {  	vm0 =	vlt.u32 v6, $0x4F;
	vm1 =	vlt.u32 v7, $0x27  }
0x32f: {  	vm0 =	vmand vm0, vm1  }
0x330: {  	v5 =	vsel vm0, $0x3F800000, v1  }
0x331: {  	(xrf0) =	vmax.scan.msk.f32 $0xffff, v5;
	_ =	sdelay $0x5  }
0x332: {  	v2, _, _ =	vpop (xrf0)  }
0x333: {  	(v2sf) =	vpush v2, $0xF;
	_ =	sdelay $0xe  }
0x334: {  	s29 =	spop (v2sf)  }
0x335: {  	p0 =	sgt.f32 s29, $0.0e+00  }
.Ltmp22:
0x336: {  	_ = 	snop;
	(pc) =	sbr.rel @!p0 .LBB2_30-.Ltmp22, $1  }
0x337: {  	_ =	sdelay $0x3  }
0x338: {  	v2 =	vmul.u32 $0x50, v7;
	_ =	sdelay $0x1  }
0x339: {  	v2 =	vadd.s32 v6, v2  }
0x33a: {  	v2 =	vnsel vm0, $0x0, v2  }
0x33b: {  	v8 =	vadd.s32 $0x50, v2  }
0x33c: {  	v54 =	vcvt.s32.f32 v7;
	v9 =	vadd.s32 $0x1, v2  }
0x33d: {  	v10 =	vadd.s32 $0x51, v2  }
0x33e: {  	v55 =	vcvt.s32.f32 v6;
	v11 =	vadd.f32 $1.000000000e+00, v54  }
0x33f: {  	v7 =	vsub.f32 v4, v54;
	v12 =	vld.idx.msk [tilespmem:v2+s12+$0x0], $0xffff  }
0x340: {  	v57 =	vadd.f32 $1.000000000e+00, v55;
	v56 =	vsub.f32 v11, v4;
	v8 =	vld.idx.msk [tilespmem:v8+s12+$0x0], $0xffff  }
0x341: {  	v9 =	vld.idx.msk [tilespmem:v9+s12+$0x0], $0xffff  }
0x342: {  	v7 =	vmul.f32 v5, v7;
	v59 =	vsub.f32 v57, v3;
	v58 =	vmul.f32 v5, v56;
	v10 =	vld.idx.msk [tilespmem:v10+s12+$0x0], $0xffff  }
0x343: {  	v6 =	vsub.f32 v3, v55  }
0x344: {  	v4 =	vmul.f32 v7, v59;
	v3 =	vmul.f32 v58, v59  }
0x345: {  	v5 =	vmul.f32 v58, v6;
	v6 =	vmul.f32 v7, v6  }
0x346: {  	v60 =	vmul.f32 v12, v3;
	v8 =	vmul.f32 v8, v4  }
0x347: {  	v9 =	vmul.f32 v9, v5;
	v10 =	vmul.f32 v10, v6  }
0x348: {  	v61 =	vld [tilespmem:s28+$0x10680]  }
0x349: {  	v7 =	vadd.f32 v8, v60;
	v62 =	vadd.f32 v10, v9  }
0x34a: {  	v63 =	vadd.s32 $0xC80, v2  }
0x34b: {  	v12 =	vadd.s32 $0xCD0, v2;
	v7 =	vadd.f32 v62, v7  }
0x34c: {  	v13 =	vadd.s32 $0xC81, v2  }
0x34d: {  	v14 =	vadd.s32 $0xCD1, v2;
	v7 =	vmax.f32 v61, v7  }
0x34e: {  	[tilespmem:s28+$0x10680] =	vst v7  }
0x34f: {  	v7 =	vld.idx.msk [tilespmem:v63+s12+$0x0], $0xffff  }
0x350: {  	v8 =	vld.idx.msk [tilespmem:v12+s12+$0x0], $0xffff  }
0x351: {  	v15 =	vld.idx.msk [tilespmem:v13+s12+$0x0], $0xffff  }
0x352: {  	v16 =	vld.idx.msk [tilespmem:v14+s12+$0x0], $0xffff;
	_ =	sdelay $0x3  }
0x353: {  	v7 =	vmul.f32 v7, v3;
	v8 =	vmul.f32 v8, v4  }
0x354: {  	v9 =	vmul.f32 v15, v5;
	v10 =	vmul.f32 v16, v6  }
0x355: {  	v17 =	vld [tilespmem:s28+$0x11620]  }
0x356: {  	v7 =	vadd.f32 v8, v7;
	v18 =	vadd.f32 v10, v9  }
0x357: {  	v19 =	vadd.s32 $0x1900, v2  }
0x358: {  	v20 =	vadd.s32 $0x1950, v2;
	v7 =	vadd.f32 v18, v7  }
0x359: {  	v21 =	vadd.s32 $0x1901, v2  }
0x35a: {  	v22 =	vadd.s32 $0x1951, v2;
	v7 =	vmax.f32 v17, v7  }
0x35b: {  	[tilespmem:s28+$0x11620] =	vst v7  }
0x35c: {  	v7 =	vld.idx.msk [tilespmem:v19+s12+$0x0], $0xffff  }
0x35d: {  	v8 =	vld.idx.msk [tilespmem:v20+s12+$0x0], $0xffff  }
0x35e: {  	v23 =	vld.idx.msk [tilespmem:v21+s12+$0x0], $0xffff  }
0x35f: {  	v24 =	vld.idx.msk [tilespmem:v22+s12+$0x0], $0xffff;
	_ =	sdelay $0x3  }
0x360: {  	v7 =	vmul.f32 v7, v3;
	v8 =	vmul.f32 v8, v4  }
0x361: {  	v9 =	vmul.f32 v23, v5;
	v10 =	vmul.f32 v24, v6  }
0x362: {  	v25 =	vld [tilespmem:s28+$0x125C0]  }
0x363: {  	v7 =	vadd.f32 v8, v7;
	v26 =	vadd.f32 v10, v9  }
0x364: {  	v27 =	vadd.s32 $0x2580, v2  }
0x365: {  	v28 =	vadd.s32 $0x25D0, v2;
	v7 =	vadd.f32 v26, v7  }
0x366: {  	v29 =	vadd.s32 $0x2581, v2  }
0x367: {  	v30 =	vadd.s32 $0x25D1, v2;
	v7 =	vmax.f32 v25, v7  }
0x368: {  	[tilespmem:s28+$0x125C0] =	vst v7  }
0x369: {  	v7 =	vld.idx.msk [tilespmem:v27+s12+$0x0], $0xffff  }
0x36a: {  	v8 =	vld.idx.msk [tilespmem:v28+s12+$0x0], $0xffff  }
0x36b: {  	v31 =	vld.idx.msk [tilespmem:v29+s12+$0x0], $0xffff  }
0x36c: {  	v32 =	vld.idx.msk [tilespmem:v30+s12+$0x0], $0xffff;
	_ =	sdelay $0x3  }
0x36d: {  	v7 =	vmul.f32 v7, v3;
	v8 =	vmul.f32 v8, v4  }
0x36e: {  	v9 =	vmul.f32 v31, v5;
	v10 =	vmul.f32 v32, v6  }
0x36f: {  	v33 =	vld [tilespmem:s28+$0x13560]  }
0x370: {  	v7 =	vadd.f32 v8, v7;
	v34 =	vadd.f32 v10, v9  }
0x371: {  	v35 =	vadd.s32 $0x3200, v2  }
0x372: {  	v36 =	vadd.s32 $0x3250, v2;
	v7 =	vadd.f32 v34, v7  }
0x373: {  	v37 =	vadd.s32 $0x3201, v2  }
0x374: {  	v38 =	vadd.s32 $0x3251, v2;
	v7 =	vmax.f32 v33, v7  }
0x375: {  	[tilespmem:s28+$0x13560] =	vst v7  }
0x376: {  	v7 =	vld.idx.msk [tilespmem:v35+s12+$0x0], $0xffff  }
0x377: {  	v8 =	vld.idx.msk [tilespmem:v36+s12+$0x0], $0xffff  }
0x378: {  	v39 =	vld.idx.msk [tilespmem:v37+s12+$0x0], $0xffff  }
0x379: {  	v40 =	vld.idx.msk [tilespmem:v38+s12+$0x0], $0xffff;
	_ =	sdelay $0x3  }
0x37a: {  	v7 =	vmul.f32 v7, v3;
	v8 =	vmul.f32 v8, v4  }
0x37b: {  	v9 =	vmul.f32 v39, v5;
	v10 =	vmul.f32 v40, v6  }
0x37c: {  	v41 =	vld [tilespmem:s28+$0x14500]  }
0x37d: {  	v7 =	vadd.f32 v8, v7;
	v42 =	vadd.f32 v10, v9  }
0x37e: {  	v43 =	vadd.s32 $0x3E80, v2  }
0x37f: {  	v44 =	vadd.s32 $0x3ED0, v2;
	v7 =	vadd.f32 v42, v7  }
0x380: {  	v45 =	vadd.s32 $0x3E81, v2  }
0x381: {  	v46 =	vadd.s32 $0x3ED1, v2;
	v7 =	vmax.f32 v41, v7  }
0x382: {  	[tilespmem:s28+$0x14500] =	vst v7  }
0x383: {  	v7 =	vld.idx.msk [tilespmem:v43+s12+$0x0], $0xffff  }
0x384: {  	v8 =	vld.idx.msk [tilespmem:v44+s12+$0x0], $0xffff  }
0x385: {  	v47 =	vld.idx.msk [tilespmem:v45+s12+$0x0], $0xffff  }
0x386: {  	v48 =	vld.idx.msk [tilespmem:v46+s12+$0x0], $0xffff;
	_ =	sdelay $0x3  }
0x387: {  	v7 =	vmul.f32 v7, v3;
	v8 =	vmul.f32 v8, v4  }
0x388: {  	v9 =	vmul.f32 v47, v5;
	v10 =	vmul.f32 v48, v6  }
0x389: {  	v49 =	vld [tilespmem:s28+$0x154A0]  }
0x38a: {  	v7 =	vadd.f32 v8, v7;
	v50 =	vadd.f32 v10, v9  }
0x38b: {  	v51 =	vadd.s32 $0x4B00, v2  }
0x38c: {  	v52 =	vadd.s32 $0x4B50, v2;
	v7 =	vadd.f32 v50, v7  }
0x38d: {  	v53 =	vadd.s32 $0x4B01, v2  }
0x38e: {  	v54 =	vadd.s32 $0x4B51, v2;
	v7 =	vmax.f32 v49, v7  }
0x38f: {  	[tilespmem:s28+$0x154A0] =	vst v7  }
0x390: {  	v7 =	vld.idx.msk [tilespmem:v51+s12+$0x0], $0xffff  }
0x391: {  	v8 =	vld.idx.msk [tilespmem:v52+s12+$0x0], $0xffff  }
0x392: {  	v55 =	vld.idx.msk [tilespmem:v53+s12+$0x0], $0xffff  }
0x393: {  	v56 =	vld.idx.msk [tilespmem:v54+s12+$0x0], $0xffff;
	_ =	sdelay $0x3  }
0x394: {  	v7 =	vmul.f32 v7, v3;
	v8 =	vmul.f32 v8, v4  }
0x395: {  	v9 =	vmul.f32 v55, v5;
	v10 =	vmul.f32 v56, v6  }
0x396: {  	v57 =	vld [tilespmem:s28+$0x16440]  }
0x397: {  	v7 =	vadd.f32 v8, v7;
	v58 =	vadd.f32 v10, v9  }
0x398: {  	v59 =	vadd.s32 $0x5780, v2  }
0x399: {  	v60 =	vadd.s32 $0x57D0, v2;
	v7 =	vadd.f32 v58, v7  }
0x39a: {  	v61 =	vadd.s32 $0x5781, v2  }
0x39b: {  	v2 =	vadd.s32 $0x57D1, v2;
	v7 =	vmax.f32 v57, v7  }
0x39c: {  	[tilespmem:s28+$0x16440] =	vst v7  }
0x39d: {  	v7 =	vld.idx.msk [tilespmem:v59+s12+$0x0], $0xffff  }
0x39e: {  	v8 =	vld.idx.msk [tilespmem:v60+s12+$0x0], $0xffff  }
0x39f: {  	v62 =	vld.idx.msk [tilespmem:v61+s12+$0x0], $0xffff  }
0x3a0: {  	v2 =	vld.idx.msk [tilespmem:v2+s12+$0x0], $0xffff;
	_ =	sdelay $0x3  }
0x3a1: {  	v3 =	vmul.f32 v7, v3;
	v4 =	vmul.f32 v8, v4  }
0x3a2: {  	v5 =	vmul.f32 v62, v5;
	v2 =	vmul.f32 v2, v6  }
0x3a3: {  	v63 =	vld [tilespmem:s28+$0x173E0]  }
0x3a4: {  	v3 =	vadd.f32 v4, v3;
	v2 =	vadd.f32 v2, v5  }
.Ltmp23:
0x3a5: {  	_ = 	snop;
	(pc) =	sbr.rel .LBB2_31-.Ltmp23, $3  }
0x3a6: {  	v2 =	vadd.f32 v2, v3;
	_ =	sdelay $0x1  }
0x3a7: {  	v2 =	vmax.f32 v63, v2  }
0x3a8: {  	[tilespmem:s28+$0x173E0] =	vst v2  }
.LBB2_32:
0x3a9: {  	s25 =	simm.s32 $0x10680  }
0x3aa: {  	s26 =	sld [smem:$0x0];
	v4 =	vld [tilespmem:s25+$0x0]  }
0x3ab: {  	v6 =	vld [tilespmem:s25+$0xFA0]  }
0x3ac: {  	v5 =	vld [tilespmem:s25+$0x1F40]  }
0x3ad: {  	v2 =	vld [tilespmem:s25+$0x2EE0];
	p0 =	sgt.s32 s26, $0x0;
	s26 =	simm.f32 $0.0e+00  }
0x3ae: {  	v3 =	vld [tilespmem:s25+$0x3E80];
	s26 =	simm.s32 @!p0 $0xFF800000  }
0x3af: {  	v7 =	vmax.f32 v4, s26;
	v4 =	vld [tilespmem:s25+$0x4E20]  }
0x3b0: {  	s28 =	simm.s32 $0x4;
	s29 =	simm.s32 $0x10680;
	[tilespmem:s25+$0x0] =	vst v7;
	v7 =	vmax.f32 v6, s26;
	v6 =	vld [tilespmem:s25+$0x5DC0]  }
.LBB2_33:
0x3b1: {  	[tilespmem:s25+$0xFA0] =	vst v7;
	v7 =	vld [tilespmem:s25+$0x6D60]  }
0x3b2: {  	s30 =	sshra.s32 s28, $0x2;
	p0 =	sne.s32 s28, $0x3E4;
	v5 =	vmax.f32 v5, s26;
	s29 =	sadd.s32 $0x10, s29  }
0x3b3: {  	s30 =	sld [smem:s30+$0x0];
	v8 =	vld [tilespmem:s29+$0x0];
	[tilespmem:s25+$0x1F40] =	vst v5;
	v2 =	vmax.f32 v2, s26  }
0x3b4: {  	v9 =	vld [tilespmem:s29+$0xFA0];
	[tilespmem:s25+$0x2EE0] =	vst v2;
	v2 =	vmax.f32 v3, s26  }
.Ltmp24:
0x3b5: {  	v5 =	vld [tilespmem:s29+$0x1F40];
	[tilespmem:s25+$0x3E80] =	vst v2;
	v3 =	vmax.f32 v4, s26;
	(pc) =	sbr.rel @p0 .LBB2_33-.Ltmp24, $4  }
0x3b6: {  	p1 =	sgt.s32 s30, $0x0;
	v2 =	vld [tilespmem:s29+$0x2EE0];
	[tilespmem:s25+$0x4E20] =	vst v3;
	v4 =	vmax.f32 v6, s26;
	v6 =	vmax.f32 v7, s26;
	s26 =	simm.f32 $0.0e+00  }
0x3b7: {  	v3 =	vld [tilespmem:s29+$0x3E80];
	[tilespmem:s25+$0x5DC0] =	vst v4;
	s26 =	simm.s32 @!p1 $0xFF800000  }
0x3b8: {  	v7 =	vmax.f32 v8, s26;
	v4 =	vld [tilespmem:s29+$0x4E20];
	[tilespmem:s25+$0x6D60] =	vst v6;
	s25 =	smov.u32 s29  }
0x3b9: {  	s28 =	sadd.s32 $0x4, s28;
	[tilespmem:s29+$0x0] =	vst v7;
	v7 =	vmax.f32 v9, s26;
	v6 =	vld [tilespmem:s29+$0x5DC0]  }
0x3ba: {  	[tilespmem:s25+$0xFA0] =	vst v7;
	v5 =	vmax.f32 v5, s26;
	v63 =	vld [tilespmem:s25+$0x6D60]  }
0x3bb: {  	s23 =	smul.u32 $0x138800, s23;
	[tilespmem:s25+$0x1F40] =	vst v5;
	v2 =	vmax.f32 v2, s26  }
0x3bc: {  	s22 =	smul.u32 $0x27100, s22;
	[tilespmem:s25+$0x2EE0] =	vst v2;
	v2 =	vmax.f32 v3, s26  }
0x3bd: {  	s23 =	sadd.s32 s23, s24;
	[tilespmem:s25+$0x3E80] =	vst v2;
	v2 =	vmax.f32 v4, s26  }
0x3be: {  	s21 =	sadd.s32 $0x1, s21;
	s22 =	sadd.s32 s22, s23;
	[tilespmem:s25+$0x4E20] =	vst v2;
	v2 =	vmax.f32 v6, s26  }
0x3bf: {  	p0 =	sne.s32 s21, $0x5;
	s22 =	sshrl.u32 s22, $0x3;
	[tilespmem:s25+$0x5DC0] =	vst v2;
	v2 =	vmax.f32 v63, s26  }
.Ltmp25:
0x3c0: {  	s22 =	sadd.s32 s2, s22;
	[tilespmem:s25+$0x6D60] =	vst v2;
	(pc) =	sbr.rel @p0 .LBB2_2-.Ltmp25, $4  }
0x3c1: {  	[hbm4b:s22+s16] =	stream.strided.scatter [tilespmem:s18], [sflag:$0x3], $0x7D00, s17, s16, $0x38;
	[tilespmem:$0x18380] =	vst v63  }
0x3c2: {  	_ =	swait.ge [sflag:s19], $0x7D00  }
0x3c3: {  	[sflag:s19] =	ssyncset.done $0x0  }
0x3c4: {  	[sflag:s19] =	ssyncadd.s32 $0xFFFF8300  }
0x3c5: {  	s20 =	sadd.s32 $0x1, s20  }
0x3c6: {  	p0 =	sne.s32 s20, s8  }
.Ltmp26:
0x3c7: {  	_ = 	snop;
	(pc) =	sbr.rel @p0 .LBB2_1-.Ltmp26, $1  }
0x3c8: {  	_ =	sdelay $0x3  }
0x3c9: {  	_ =	sfence.sel $0x180000  }
0x3ca: {  	[bflag:$0x0] =	sbarrier.arrive $0xFFFF  }
0x3cb: {  	p0 =	sne.s32 s3, $0x0;
	_ =	strace $0x90000047  }
0x3cc: {  	s0 =	sadd.s32 @!p0 $0x100000, s0;
	[bflag:$0x2] =	sbarrier.arrive $0xFFFF  }
0x3cd: {  	[sflag:s0] =	ssyncadd.tile.s32 @!p0 $0x1;
	_ =	shalt  }
.Lfunc_end2:
_tile_overlayer_lowered:
.L_overlay_start_2:
0x3ce: {  	(tag) =	ssettag $0x2  }
0x3cf: {  	s0 =	rddreg [dreg:$0x0];
	s2 =	stileid.u32  }
0x3d0: {  	s1 =	rddreg [dreg:$0x1];
	p0 =	sne.s32 s2, $0x0  }
0x3d1: {  	s3 =	rddreg [dreg:$0x2];
	[bflag:$0x3] =	sbarrier.arrive $0xFFFF;
	s2 =	simm.s32 @!p0 $0x1C03  }
0x3d2: {  	[timem:s3], [sflag:s2] =	dma.local @!p0 [hbm:s0], s1  }
0x3d3: {  	s0 =	simm.s32 @!p0 $0x3  }
0x3d4: {  	_ =	swait.ge @!p0 [sflag:s0], s1  }
0x3d5: {  	s1 =	ssub.s32 @!p0 $0x0, s1;
	[sflag:s0] =	ssyncset.done @!p0 $0x0  }
0x3d6: {  	[sflag:s0] =	ssyncadd.s32 @!p0 s1  }
0x3d7: {  	[bflag:$0x3] =	sbarrier.arrive $0xFFFF  }
0x3d8: {  	_ =	shalt  }

</sc_bundles>
